<compile_context>
chip_gen: v7x
topology: tpu7x:2x2x1
jax: 0.10.2.dev20260603
libtpu: 0.0.44.dev20260713+nightly
codegen_flags: <defaults>
</compile_context>

<pallas_src>
import functools

import jax
import jax.numpy as jnp
from jax import lax
from jax.experimental import pallas as pl
from jax.experimental.pallas import tpu as pltpu
from jax.experimental.pallas import tpu_sc as plsc

NUM_EMB = 100000
D = 128
HALF = D // 2
B = 16384
NC = 2
NS = 16
NW = NC * NS
BPW = B // NW
CHUNK = 128
NCHUNK = BPW // CHUNK
RB = 2
OB = 2

_mesh = plsc.VectorSubcoreMesh(core_axis_name="c", subcore_axis_name="s")


@functools.partial(
    pl.kernel,
    mesh=_mesh,
    out_type=(jax.ShapeDtypeStruct((B, HALF), jnp.float32),
              jax.ShapeDtypeStruct((B, HALF), jnp.float32)),
    scratch_types=(
        [pltpu.VMEM((BPW,), jnp.int32)]
        + [pltpu.VMEM((CHUNK, D), jnp.float32) for _ in range(RB)]
        + [pltpu.VMEM((CHUNK, HALF), jnp.float32) for _ in range(2 * OB)]
        + [pltpu.SemaphoreType.DMA((NCHUNK,)), pltpu.SemaphoreType.DMA]
    ),
    compiler_params=pltpu.CompilerParams(needs_layout_passes=False),
)
def _gather_split(ids_hbm, table_hbm, re_hbm, im_hbm, idx_v,
                  rows0, rows1, re0, re1, im0, im1,
                  gsem, osem):
    rows = [rows0, rows1]
    res = [re0, re1]
    ims = [im0, im1]
    wid = lax.axis_index("s") * NC + lax.axis_index("c")
    base = wid * BPW
    pltpu.sync_copy(ids_hbm.at[pl.ds(base, BPW)], idx_v)

    def fire_gather(c):
        return pltpu.async_copy(
            table_hbm.at[idx_v.at[pl.ds(c * CHUNK, CHUNK)]],
            rows[c % RB], gsem.at[c])

    gathers = [None] * NCHUNK
    for c in range(RB):
        gathers[c] = fire_gather(c)

    evens = lax.iota(jnp.int32, 16) * 2
    cols = [evens + 32 * j for j in range(HALF // 16)]
    cols1 = [col + 1 for col in cols]

    HC = CHUNK // 2
    writes = [None] * (4 * NCHUNK)
    for c in range(NCHUNK):
        gathers[c].wait()
        if c >= OB:
            for w in range(4):
                writes[4 * (c - OB) + w].wait()
        rv = rows[c % RB]
        re_v = res[c % OB]
        im_v = ims[c % OB]

        for h in range(2):

            @plsc.parallel_loop(h * HC, (h + 1) * HC, unroll=4)
            def body(r):
                row = jnp.full((16,), r, jnp.int32)
                vals = []
                for j in range(HALF // 16):
                    vals.append(plsc.load_gather(rv, [row, cols[j]]))
                    vals.append(plsc.load_gather(rv, [row, cols1[j]]))
                for j in range(HALF // 16):
                    re_v[r, pl.ds(16 * j, 16)] = vals[2 * j]
                    im_v[r, pl.ds(16 * j, 16)] = vals[2 * j + 1]

            off = base + c * CHUNK + h * HC
            writes[4 * c + 2 * h] = pltpu.async_copy(
                re_v.at[pl.ds(h * HC, HC)],
                re_hbm.at[pl.ds(off, HC)], osem)
            writes[4 * c + 2 * h + 1] = pltpu.async_copy(
                im_v.at[pl.ds(h * HC, HC)],
                im_hbm.at[pl.ds(off, HC)], osem)

        if c + RB < NCHUNK:
            gathers[c + RB] = fire_gather(c + RB)

    for c in range(NCHUNK - OB, NCHUNK):
        for w in range(4):
            writes[4 * c + w].wait()


def kernel(input_ids, table):
    return _gather_split(input_ids.astype(jnp.int32), table)

# --- scband reference (transcript-rebuilt; emitter-appended) ---
"""Pipeline reference for scband-complex-embedding-37151467110548 (READ-ONLY COPY).

The authoritative reference and input builder live on the scoring server;
editing this copy changes nothing except your own understanding.
"""

import jax, jax.numpy as jnp
import numpy as np

NUM_EMBEDDINGS = 100000
EMBEDDING_DIM = 128
BATCH = 16384

def setup_inputs(seed: int = 0) -> dict:
    key = jax.random.key(seed)
    k_idx, k_tab = jax.random.split(key)
    input_ids = jax.random.randint(k_idx, (BATCH,), 0, NUM_EMBEDDINGS, dtype=jnp.int64 if jax.config.jax_enable_x64 else jnp.int32)
    table = jax.random.normal(k_tab, (NUM_EMBEDDINGS, EMBEDDING_DIM), dtype=jnp.float32)
    return {"input_ids": input_ids, "table": table}

def reference(input_ids, table):
    # nn.Embedding lookup -> gather rows
    embeddings = jnp.take(table, input_ids, axis=0)  # [B, D]
    # split interleaved real/imag channels (ComplexTensor(real, imag))
    real = embeddings[:, ::2]   # [B, D//2]
    imag = embeddings[:, 1::2]  # [B, D//2]
    return (real, imag)

if __name__ == "__main__":
    import jax
    _d = setup_inputs()
    print(jax.jit(kernel)(*tuple(_d.values())))

</pallas_src>

<mosaic_0001>
#map = affine_map<(d0, d1) -> (0)>
#map1 = affine_map<(d0, d1) -> (0, 0)>
module attributes {stable_mosaic.version = 14 : i64} {
  func.func @_gather_split(%arg0: i32, %arg1: i32, %arg2: memref<16384xi32, #tpu.memory_space<hbm>>, %arg3: memref<100000x128xf32, #tpu.memory_space<hbm>>, %arg4: memref<16384x64xf32, #tpu.memory_space<hbm>>, %arg5: memref<16384x64xf32, #tpu.memory_space<hbm>>, %arg6: memref<512xi32, #tpu.memory_space<vmem>>, %arg7: memref<128x128xf32, #tpu.memory_space<vmem>>, %arg8: memref<128x128xf32, #tpu.memory_space<vmem>>, %arg9: memref<128x64xf32, #tpu.memory_space<vmem>>, %arg10: memref<128x64xf32, #tpu.memory_space<vmem>>, %arg11: memref<128x64xf32, #tpu.memory_space<vmem>>, %arg12: memref<128x64xf32, #tpu.memory_space<vmem>>, %arg13: memref<4x!tpu.dma_semaphore, #tpu.memory_space<semaphore_mem>>, %arg14: memref<!tpu.dma_semaphore, #tpu.memory_space<semaphore_mem>>) attributes {dimension_semantics = [#tpu.dimension_semantics<core_parallel>, #tpu.dimension_semantics<subcore_parallel>], iteration_bounds = array<i64: 2, 16>, scalar_prefetch = 0 : i64, scratch_operands = 9 : i64, tpu.core_type = #tpu.core_type<sc_vector_subcore>, window_params = [{transform_indices = #map}, {transform_indices = #map1}, {transform_indices = #map1}, {transform_indices = #map1}]} {
    %mul3A = arith.constant 2 : i32
    %mul3A_0 = arith.muli %arg1, %mul3A : i32
    %add3A = arith.addi %mul3A_0, %arg0 : i32
    %mul3A_1 = arith.constant 512 : i32
    %mul3A_2 = arith.muli %add3A, %mul3A_1 : i32
    "tpu.region"() ({
      %run_scoped3A = tpu.sem_alloc : memref<!tpu.dma_semaphore, #tpu.memory_space<semaphore_mem>>
      %dma_start3A_467 = tpu.memref_slice %arg2[%mul3A_2] : memref<16384xi32, #tpu.memory_space<hbm>> -> memref<512xi32, #tpu.memory_space<hbm>>
      %dma_start3A_468 = tpu.memref_slice %arg2[%mul3A_2] : memref<16384xi32, #tpu.memory_space<hbm>> -> memref<512xi32, #tpu.memory_space<hbm>>
      tpu.enqueue_dma source(%dma_start3A_468 : memref<512xi32, #tpu.memory_space<hbm>>) target(%arg6 : memref<512xi32, #tpu.memory_space<vmem>>) target_semaphore(%run_scoped3A : memref<!tpu.dma_semaphore, #tpu.memory_space<semaphore_mem>>)
      %dma_wait3A_469 = tpu.memref_slice %arg2[%mul3A_2] : memref<16384xi32, #tpu.memory_space<hbm>> -> memref<512xi32, #tpu.memory_space<hbm>>
      %dma_wait3A_470 = tpu.memref_slice %arg2[%mul3A_2] : memref<16384xi32, #tpu.memory_space<hbm>> -> memref<512xi32, #tpu.memory_space<hbm>>
      tpu.wait_dma2 semaphore(%run_scoped3A : memref<!tpu.dma_semaphore, #tpu.memory_space<semaphore_mem>>) src(%dma_wait3A_470 : memref<512xi32, #tpu.memory_space<hbm>>) dst(%arg6 : memref<512xi32, #tpu.memory_space<vmem>>)
      tpu.yield
    }) : () -> ()
    %dma_start3A = arith.constant 0 : i32
    %dma_start3A_3 = arith.constant 0 : i32
    %dma_start3A_4 = tpu.memref_slice %arg6[%dma_start3A_3] : memref<512xi32, #tpu.memory_space<vmem>> -> memref<128xi32, #tpu.memory_space<vmem>>
    %dma_start3A_5 = arith.constant 0 : i32
    %dma_start3A_6 = arith.constant 0 : i32
    %dma_start3A_7 = tpu.memref_slice %arg3[%dma_start3A_5, %dma_start3A_6] : memref<100000x128xf32, #tpu.memory_space<hbm>> -> memref<100000x128xf32, #tpu.memory_space<hbm>>
    %dma_start3A_8 = tpu.memref_slice %arg13[%dma_start3A] : memref<4x!tpu.dma_semaphore, #tpu.memory_space<semaphore_mem>> -> memref<1x!tpu.dma_semaphore, #tpu.memory_space<semaphore_mem>>
    %dma_start3A_9 = tpu.memref_squeeze %dma_start3A_8 : memref<1x!tpu.dma_semaphore, #tpu.memory_space<semaphore_mem>> -> memref<!tpu.dma_semaphore, #tpu.memory_space<semaphore_mem>>
    tpu.enqueue_indirect_dma source(%dma_start3A_7 : memref<100000x128xf32, #tpu.memory_space<hbm>>) target(%arg7 : memref<128x128xf32, #tpu.memory_space<vmem>>) offsets(%dma_start3A_4 : memref<128xi32, #tpu.memory_space<vmem>>) semaphore(%dma_start3A_9 : memref<!tpu.dma_semaphore, #tpu.memory_space<semaphore_mem>>)
    %dma_start3A_10 = arith.constant 1 : i32
    %dma_start3A_11 = arith.constant 128 : i32
    %dma_start3A_12 = tpu.memref_slice %arg6[%dma_start3A_11] : memref<512xi32, #tpu.memory_space<vmem>> -> memref<128xi32, #tpu.memory_space<vmem>>
    %dma_start3A_13 = arith.constant 0 : i32
    %dma_start3A_14 = arith.constant 0 : i32
    %dma_start3A_15 = tpu.memref_slice %arg3[%dma_start3A_13, %dma_start3A_14] : memref<100000x128xf32, #tpu.memory_space<hbm>> -> memref<100000x128xf32, #tpu.memory_space<hbm>>
    %dma_start3A_16 = tpu.memref_slice %arg13[%dma_start3A_10] : memref<4x!tpu.dma_semaphore, #tpu.memory_space<semaphore_mem>> -> memref<1x!tpu.dma_semaphore, #tpu.memory_space<semaphore_mem>>
    %dma_start3A_17 = tpu.memref_squeeze %dma_start3A_16 : memref<1x!tpu.dma_semaphore, #tpu.memory_space<semaphore_mem>> -> memref<!tpu.dma_semaphore, #tpu.memory_space<semaphore_mem>>
    tpu.enqueue_indirect_dma source(%dma_start3A_15 : memref<100000x128xf32, #tpu.memory_space<hbm>>) target(%arg8 : memref<128x128xf32, #tpu.memory_space<vmem>>) offsets(%dma_start3A_12 : memref<128xi32, #tpu.memory_space<vmem>>) semaphore(%dma_start3A_17 : memref<!tpu.dma_semaphore, #tpu.memory_space<semaphore_mem>>)
    %iota3A = tpu.iota {dimensions = array<i32: 0>} : vector<16xi32>
    %mul3A_18 = arith.constant 2 : i32
    %mul3A_19 = vector.broadcast %mul3A_18 : i32 to vector<16xi32>
    %mul3A_20 = arith.muli %iota3A, %mul3A_19 : vector<16xi32>
    %add3A_21 = arith.constant 0 : i32
    %add3A_22 = vector.broadcast %add3A_21 : i32 to vector<16xi32>
    %add3A_23 = arith.addi %mul3A_20, %add3A_22 : vector<16xi32>
    %add3A_24 = arith.constant 32 : i32
    %add3A_25 = vector.broadcast %add3A_24 : i32 to vector<16xi32>
    %add3A_26 = arith.addi %mul3A_20, %add3A_25 : vector<16xi32>
    %add3A_27 = arith.constant 64 : i32
    %add3A_28 = vector.broadcast %add3A_27 : i32 to vector<16xi32>
    %add3A_29 = arith.addi %mul3A_20, %add3A_28 : vector<16xi32>
    %add3A_30 = arith.constant 96 : i32
    %add3A_31 = vector.broadcast %add3A_30 : i32 to vector<16xi32>
    %add3A_32 = arith.addi %mul3A_20, %add3A_31 : vector<16xi32>
    %add3A_33 = arith.constant 1 : i32
    %add3A_34 = vector.broadcast %add3A_33 : i32 to vector<16xi32>
    %add3A_35 = arith.addi %add3A_23, %add3A_34 : vector<16xi32>
    %add3A_36 = arith.constant 1 : i32
    %add3A_37 = vector.broadcast %add3A_36 : i32 to vector<16xi32>
    %add3A_38 = arith.addi %add3A_26, %add3A_37 : vector<16xi32>
    %add3A_39 = arith.constant 1 : i32
    %add3A_40 = vector.broadcast %add3A_39 : i32 to vector<16xi32>
    %add3A_41 = arith.addi %add3A_29, %add3A_40 : vector<16xi32>
    %add3A_42 = arith.constant 1 : i32
    %add3A_43 = vector.broadcast %add3A_42 : i32 to vector<16xi32>
    %add3A_44 = arith.addi %add3A_32, %add3A_43 : vector<16xi32>
    %dma_wait3A = arith.constant 0 : i32
    %dma_wait3A_45 = arith.constant 0 : i32
    %dma_wait3A_46 = tpu.memref_slice %arg6[%dma_wait3A_45] : memref<512xi32, #tpu.memory_space<vmem>> -> memref<128xi32, #tpu.memory_space<vmem>>
    %dma_wait3A_47 = arith.constant 0 : i32
    %dma_wait3A_48 = arith.constant 0 : i32
    %dma_wait3A_49 = tpu.memref_slice %arg3[%dma_wait3A_47, %dma_wait3A_48] : memref<100000x128xf32, #tpu.memory_space<hbm>> -> memref<100000x128xf32, #tpu.memory_space<hbm>>
    %dma_wait3A_50 = tpu.memref_slice %arg13[%dma_wait3A] : memref<4x!tpu.dma_semaphore, #tpu.memory_space<semaphore_mem>> -> memref<1x!tpu.dma_semaphore, #tpu.memory_space<semaphore_mem>>
    %dma_wait3A_51 = tpu.memref_squeeze %dma_wait3A_50 : memref<1x!tpu.dma_semaphore, #tpu.memory_space<semaphore_mem>> -> memref<!tpu.dma_semaphore, #tpu.memory_space<semaphore_mem>>
    tpu.wait_indirect_dma semaphore(%dma_wait3A_51 : memref<!tpu.dma_semaphore, #tpu.memory_space<semaphore_mem>>) src(%dma_wait3A_49 : memref<100000x128xf32, #tpu.memory_space<hbm>>) dst(%arg7 : memref<128x128xf32, #tpu.memory_space<vmem>>)
    %parallel_loop3A = arith.constant 0 : i32
    %parallel_loop3A_52 = arith.constant 64 : i32
    %parallel_loop3A_53 = arith.constant 1 : i32
    scf.for %parallel_loop3A_467 = %parallel_loop3A to %parallel_loop3A_52 step %parallel_loop3A_53  : i32 {
      %parallel_loop3A_468 = vector.broadcast %parallel_loop3A_467 : i32 to vector<16xi32>
      %parallel_loop3A_469 = tpu.vector_load_idx %arg7[%parallel_loop3A_468, %add3A_23] : memref<128x128xf32, #tpu.memory_space<vmem>>[vector<16xi32>, vector<16xi32>], vector<16xf32>,
      %parallel_loop3A_470 = tpu.vector_load_idx %arg7[%parallel_loop3A_468, %add3A_35] : memref<128x128xf32, #tpu.memory_space<vmem>>[vector<16xi32>, vector<16xi32>], vector<16xf32>,
      %parallel_loop3A_471 = tpu.vector_load_idx %arg7[%parallel_loop3A_468, %add3A_26] : memref<128x128xf32, #tpu.memory_space<vmem>>[vector<16xi32>, vector<16xi32>], vector<16xf32>,
      %parallel_loop3A_472 = tpu.vector_load_idx %arg7[%parallel_loop3A_468, %add3A_38] : memref<128x128xf32, #tpu.memory_space<vmem>>[vector<16xi32>, vector<16xi32>], vector<16xf32>,
      %parallel_loop3A_473 = tpu.vector_load_idx %arg7[%parallel_loop3A_468, %add3A_29] : memref<128x128xf32, #tpu.memory_space<vmem>>[vector<16xi32>, vector<16xi32>], vector<16xf32>,
      %parallel_loop3A_474 = tpu.vector_load_idx %arg7[%parallel_loop3A_468, %add3A_41] : memref<128x128xf32, #tpu.memory_space<vmem>>[vector<16xi32>, vector<16xi32>], vector<16xf32>,
      %parallel_loop3A_475 = tpu.vector_load_idx %arg7[%parallel_loop3A_468, %add3A_32] : memref<128x128xf32, #tpu.memory_space<vmem>>[vector<16xi32>, vector<16xi32>], vector<16xf32>,
      %parallel_loop3A_476 = tpu.vector_load_idx %arg7[%parallel_loop3A_468, %add3A_44] : memref<128x128xf32, #tpu.memory_space<vmem>>[vector<16xi32>, vector<16xi32>], vector<16xf32>,
      %parallel_loop3A_477 = arith.index_cast %parallel_loop3A_467 : i32 to index
      %parallel_loop3A_478 = arith.constant 0 : index
      %parallel_loop3A_479 = tpu.vector_load %arg9[%parallel_loop3A_477, %parallel_loop3A_478] {strides = array<i32>} : memref<128x64xf32, #tpu.memory_space<vmem>>, vector<16xf32>,
      tpu.vector_store %arg9[%parallel_loop3A_477, %parallel_loop3A_478], %parallel_loop3A_469 {strides = array<i32>} : memref<128x64xf32, #tpu.memory_space<vmem>>, vector<16xf32>,
      %parallel_loop3A_480 = arith.index_cast %parallel_loop3A_467 : i32 to index
      %parallel_loop3A_481 = arith.constant 0 : index
      %parallel_loop3A_482 = tpu.vector_load %arg11[%parallel_loop3A_480, %parallel_loop3A_481] {strides = array<i32>} : memref<128x64xf32, #tpu.memory_space<vmem>>, vector<16xf32>,
      tpu.vector_store %arg11[%parallel_loop3A_480, %parallel_loop3A_481], %parallel_loop3A_470 {strides = array<i32>} : memref<128x64xf32, #tpu.memory_space<vmem>>, vector<16xf32>,
      %parallel_loop3A_483 = arith.index_cast %parallel_loop3A_467 : i32 to index
      %parallel_loop3A_484 = arith.constant 16 : index
      %parallel_loop3A_485 = tpu.vector_load %arg9[%parallel_loop3A_483, %parallel_loop3A_484] {strides = array<i32>} : memref<128x64xf32, #tpu.memory_space<vmem>>, vector<16xf32>,
      tpu.vector_store %arg9[%parallel_loop3A_483, %parallel_loop3A_484], %parallel_loop3A_471 {strides = array<i32>} : memref<128x64xf32, #tpu.memory_space<vmem>>, vector<16xf32>,
      %parallel_loop3A_486 = arith.index_cast %parallel_loop3A_467 : i32 to index
      %parallel_loop3A_487 = arith.constant 16 : index
      %parallel_loop3A_488 = tpu.vector_load %arg11[%parallel_loop3A_486, %parallel_loop3A_487] {strides = array<i32>} : memref<128x64xf32, #tpu.memory_space<vmem>>, vector<16xf32>,
      tpu.vector_store %arg11[%parallel_loop3A_486, %parallel_loop3A_487], %parallel_loop3A_472 {strides = array<i32>} : memref<128x64xf32, #tpu.memory_space<vmem>>, vector<16xf32>,
      %parallel_loop3A_489 = arith.index_cast %parallel_loop3A_467 : i32 to index
      %parallel_loop3A_490 = arith.constant 32 : index
      %parallel_loop3A_491 = tpu.vector_load %arg9[%parallel_loop3A_489, %parallel_loop3A_490] {strides = array<i32>} : memref<128x64xf32, #tpu.memory_space<vmem>>, vector<16xf32>,
      tpu.vector_store %arg9[%parallel_loop3A_489, %parallel_loop3A_490], %parallel_loop3A_473 {strides = array<i32>} : memref<128x64xf32, #tpu.memory_space<vmem>>, vector<16xf32>,
      %parallel_loop3A_492 = arith.index_cast %parallel_loop3A_467 : i32 to index
      %parallel_loop3A_493 = arith.constant 32 : index
      %parallel_loop3A_494 = tpu.vector_load %arg11[%parallel_loop3A_492, %parallel_loop3A_493] {strides = array<i32>} : memref<128x64xf32, #tpu.memory_space<vmem>>, vector<16xf32>,
      tpu.vector_store %arg11[%parallel_loop3A_492, %parallel_loop3A_493], %parallel_loop3A_474 {strides = array<i32>} : memref<128x64xf32, #tpu.memory_space<vmem>>, vector<16xf32>,
      %parallel_loop3A_495 = arith.index_cast %parallel_loop3A_467 : i32 to index
      %parallel_loop3A_496 = arith.constant 48 : index
      %parallel_loop3A_497 = tpu.vector_load %arg9[%parallel_loop3A_495, %parallel_loop3A_496] {strides = array<i32>} : memref<128x64xf32, #tpu.memory_space<vmem>>, vector<16xf32>,
      tpu.vector_store %arg9[%parallel_loop3A_495, %parallel_loop3A_496], %parallel_loop3A_475 {strides = array<i32>} : memref<128x64xf32, #tpu.memory_space<vmem>>, vector<16xf32>,
      %parallel_loop3A_498 = arith.index_cast %parallel_loop3A_467 : i32 to index
      %parallel_loop3A_499 = arith.constant 48 : index
      %parallel_loop3A_500 = tpu.vector_load %arg11[%parallel_loop3A_498, %parallel_loop3A_499] {strides = array<i32>} : memref<128x64xf32, #tpu.memory_space<vmem>>, vector<16xf32>,
      tpu.vector_store %arg11[%parallel_loop3A_498, %parallel_loop3A_499], %parallel_loop3A_476 {strides = array<i32>} : memref<128x64xf32, #tpu.memory_space<vmem>>, vector<16xf32>,
    } {sc.loop_unroll_factor = 4 : i64, sc.parallel_access}
    %add3A_54 = arith.constant 0 : i32
    %add3A_55 = arith.addi %mul3A_2, %add3A_54 : i32
    %add3A_56 = arith.constant 0 : i32
    %add3A_57 = arith.addi %add3A_55, %add3A_56 : i32
    %dma_start3A_58 = arith.constant 0 : i32
    %dma_start3A_59 = arith.constant 0 : i32
    %dma_start3A_60 = tpu.memref_slice %arg9[%dma_start3A_58, %dma_start3A_59] : memref<128x64xf32, #tpu.memory_space<vmem>> -> memref<64x64xf32, #tpu.memory_space<vmem>>
    %dma_start3A_61 = arith.constant 0 : i32
    %dma_start3A_62 = tpu.memref_slice %arg4[%add3A_57, %dma_start3A_61] : memref<16384x64xf32, #tpu.memory_space<hbm>> -> memref<64x64xf32, #tpu.memory_space<hbm>>
    %dma_start3A_63 = arith.constant 0 : i32
    %dma_start3A_64 = tpu.memref_slice %arg4[%add3A_57, %dma_start3A_63] : memref<16384x64xf32, #tpu.memory_space<hbm>> -> memref<64x64xf32, #tpu.memory_space<hbm>>
    %dma_start3A_65 = arith.constant 0 : i32
    %dma_start3A_66 = arith.constant 0 : i32
    %dma_start3A_67 = tpu.memref_slice %arg9[%dma_start3A_65, %dma_start3A_66] : memref<128x64xf32, #tpu.memory_space<vmem>> -> memref<64x64xf32, #tpu.memory_space<vmem>>
    tpu.enqueue_dma source(%dma_start3A_67 : memref<64x64xf32, #tpu.memory_space<vmem>>) target(%dma_start3A_64 : memref<64x64xf32, #tpu.memory_space<hbm>>) target_semaphore(%arg14 : memref<!tpu.dma_semaphore, #tpu.memory_space<semaphore_mem>>)
    %dma_start3A_68 = arith.constant 0 : i32
    %dma_start3A_69 = arith.constant 0 : i32
    %dma_start3A_70 = tpu.memref_slice %arg11[%dma_start3A_68, %dma_start3A_69] : memref<128x64xf32, #tpu.memory_space<vmem>> -> memref<64x64xf32, #tpu.memory_space<vmem>>
    %dma_start3A_71 = arith.constant 0 : i32
    %dma_start3A_72 = tpu.memref_slice %arg5[%add3A_57, %dma_start3A_71] : memref<16384x64xf32, #tpu.memory_space<hbm>> -> memref<64x64xf32, #tpu.memory_space<hbm>>
    %dma_start3A_73 = arith.constant 0 : i32
    %dma_start3A_74 = tpu.memref_slice %arg5[%add3A_57, %dma_start3A_73] : memref<16384x64xf32, #tpu.memory_space<hbm>> -> memref<64x64xf32, #tpu.memory_space<hbm>>
    %dma_start3A_75 = arith.constant 0 : i32
    %dma_start3A_76 = arith.constant 0 : i32
    %dma_start3A_77 = tpu.memref_slice %arg11[%dma_start3A_75, %dma_start3A_76] : memref<128x64xf32, #tpu.memory_space<vmem>> -> memref<64x64xf32, #tpu.memory_space<vmem>>
    tpu.enqueue_dma source(%dma_start3A_77 : memref<64x64xf32, #tpu.memory_space<vmem>>) target(%dma_start3A_74 : memref<64x64xf32, #tpu.memory_space<hbm>>) target_semaphore(%arg14 : memref<!tpu.dma_semaphore, #tpu.memory_space<semaphore_mem>>)
    %parallel_loop3A_78 = arith.constant 64 : i32
    %parallel_loop3A_79 = arith.constant 128 : i32
    %parallel_loop3A_80 = arith.constant 1 : i32
    scf.for %parallel_loop3A_467 = %parallel_loop3A_78 to %parallel_loop3A_79 step %parallel_loop3A_80  : i32 {
      %parallel_loop3A_468 = vector.broadcast %parallel_loop3A_467 : i32 to vector<16xi32>
      %parallel_loop3A_469 = tpu.vector_load_idx %arg7[%parallel_loop3A_468, %add3A_23] : memref<128x128xf32, #tpu.memory_space<vmem>>[vector<16xi32>, vector<16xi32>], vector<16xf32>,
      %parallel_loop3A_470 = tpu.vector_load_idx %arg7[%parallel_loop3A_468, %add3A_35] : memref<128x128xf32, #tpu.memory_space<vmem>>[vector<16xi32>, vector<16xi32>], vector<16xf32>,
      %parallel_loop3A_471 = tpu.vector_load_idx %arg7[%parallel_loop3A_468, %add3A_26] : memref<128x128xf32, #tpu.memory_space<vmem>>[vector<16xi32>, vector<16xi32>], vector<16xf32>,
      %parallel_loop3A_472 = tpu.vector_load_idx %arg7[%parallel_loop3A_468, %add3A_38] : memref<128x128xf32, #tpu.memory_space<vmem>>[vector<16xi32>, vector<16xi32>], vector<16xf32>,
      %parallel_loop3A_473 = tpu.vector_load_idx %arg7[%parallel_loop3A_468, %add3A_29] : memref<128x128xf32, #tpu.memory_space<vmem>>[vector<16xi32>, vector<16xi32>], vector<16xf32>,
      %parallel_loop3A_474 = tpu.vector_load_idx %arg7[%parallel_loop3A_468, %add3A_41] : memref<128x128xf32, #tpu.memory_space<vmem>>[vector<16xi32>, vector<16xi32>], vector<16xf32>,
      %parallel_loop3A_475 = tpu.vector_load_idx %arg7[%parallel_loop3A_468, %add3A_32] : memref<128x128xf32, #tpu.memory_space<vmem>>[vector<16xi32>, vector<16xi32>], vector<16xf32>,
      %parallel_loop3A_476 = tpu.vector_load_idx %arg7[%parallel_loop3A_468, %add3A_44] : memref<128x128xf32, #tpu.memory_space<vmem>>[vector<16xi32>, vector<16xi32>], vector<16xf32>,
      %parallel_loop3A_477 = arith.index_cast %parallel_loop3A_467 : i32 to index
      %parallel_loop3A_478 = arith.constant 0 : index
      %parallel_loop3A_479 = tpu.vector_load %arg9[%parallel_loop3A_477, %parallel_loop3A_478] {strides = array<i32>} : memref<128x64xf32, #tpu.memory_space<vmem>>, vector<16xf32>,
      tpu.vector_store %arg9[%parallel_loop3A_477, %parallel_loop3A_478], %parallel_loop3A_469 {strides = array<i32>} : memref<128x64xf32, #tpu.memory_space<vmem>>, vector<16xf32>,
      %parallel_loop3A_480 = arith.index_cast %parallel_loop3A_467 : i32 to index
      %parallel_loop3A_481 = arith.constant 0 : index
      %parallel_loop3A_482 = tpu.vector_load %arg11[%parallel_loop3A_480, %parallel_loop3A_481] {strides = array<i32>} : memref<128x64xf32, #tpu.memory_space<vmem>>, vector<16xf32>,
      tpu.vector_store %arg11[%parallel_loop3A_480, %parallel_loop3A_481], %parallel_loop3A_470 {strides = array<i32>} : memref<128x64xf32, #tpu.memory_space<vmem>>, vector<16xf32>,
      %parallel_loop3A_483 = arith.index_cast %parallel_loop3A_467 : i32 to index
      %parallel_loop3A_484 = arith.constant 16 : index
      %parallel_loop3A_485 = tpu.vector_load %arg9[%parallel_loop3A_483, %parallel_loop3A_484] {strides = array<i32>} : memref<128x64xf32, #tpu.memory_space<vmem>>, vector<16xf32>,
      tpu.vector_store %arg9[%parallel_loop3A_483, %parallel_loop3A_484], %parallel_loop3A_471 {strides = array<i32>} : memref<128x64xf32, #tpu.memory_space<vmem>>, vector<16xf32>,
      %parallel_loop3A_486 = arith.index_cast %parallel_loop3A_467 : i32 to index
      %parallel_loop3A_487 = arith.constant 16 : index
      %parallel_loop3A_488 = tpu.vector_load %arg11[%parallel_loop3A_486, %parallel_loop3A_487] {strides = array<i32>} : memref<128x64xf32, #tpu.memory_space<vmem>>, vector<16xf32>,
      tpu.vector_store %arg11[%parallel_loop3A_486, %parallel_loop3A_487], %parallel_loop3A_472 {strides = array<i32>} : memref<128x64xf32, #tpu.memory_space<vmem>>, vector<16xf32>,
      %parallel_loop3A_489 = arith.index_cast %parallel_loop3A_467 : i32 to index
      %parallel_loop3A_490 = arith.constant 32 : index
      %parallel_loop3A_491 = tpu.vector_load %arg9[%parallel_loop3A_489, %parallel_loop3A_490] {strides = array<i32>} : memref<128x64xf32, #tpu.memory_space<vmem>>, vector<16xf32>,
      tpu.vector_store %arg9[%parallel_loop3A_489, %parallel_loop3A_490], %parallel_loop3A_473 {strides = array<i32>} : memref<128x64xf32, #tpu.memory_space<vmem>>, vector<16xf32>,
      %parallel_loop3A_492 = arith.index_cast %parallel_loop3A_467 : i32 to index
      %parallel_loop3A_493 = arith.constant 32 : index
      %parallel_loop3A_494 = tpu.vector_load %arg11[%parallel_loop3A_492, %parallel_loop3A_493] {strides = array<i32>} : memref<128x64xf32, #tpu.memory_space<vmem>>, vector<16xf32>,
      tpu.vector_store %arg11[%parallel_loop3A_492, %parallel_loop3A_493], %parallel_loop3A_474 {strides = array<i32>} : memref<128x64xf32, #tpu.memory_space<vmem>>, vector<16xf32>,
      %parallel_loop3A_495 = arith.index_cast %parallel_loop3A_467 : i32 to index
      %parallel_loop3A_496 = arith.constant 48 : index
      %parallel_loop3A_497 = tpu.vector_load %arg9[%parallel_loop3A_495, %parallel_loop3A_496] {strides = array<i32>} : memref<128x64xf32, #tpu.memory_space<vmem>>, vector<16xf32>,
      tpu.vector_store %arg9[%parallel_loop3A_495, %parallel_loop3A_496], %parallel_loop3A_475 {strides = array<i32>} : memref<128x64xf32, #tpu.memory_space<vmem>>, vector<16xf32>,
      %parallel_loop3A_498 = arith.index_cast %parallel_loop3A_467 : i32 to index
      %parallel_loop3A_499 = arith.constant 48 : index
      %parallel_loop3A_500 = tpu.vector_load %arg11[%parallel_loop3A_498, %parallel_loop3A_499] {strides = array<i32>} : memref<128x64xf32, #tpu.memory_space<vmem>>, vector<16xf32>,
      tpu.vector_store %arg11[%parallel_loop3A_498, %parallel_loop3A_499], %parallel_loop3A_476 {strides = array<i32>} : memref<128x64xf32, #tpu.memory_space<vmem>>, vector<16xf32>,
    } {sc.loop_unroll_factor = 4 : i64, sc.parallel_access}
    %add3A_81 = arith.constant 0 : i32
    %add3A_82 = arith.addi %mul3A_2, %add3A_81 : i32
    %add3A_83 = arith.constant 64 : i32
    %add3A_84 = arith.addi %add3A_82, %add3A_83 : i32
    %dma_start3A_85 = arith.constant 64 : i32
    %dma_start3A_86 = arith.constant 0 : i32
    %dma_start3A_87 = tpu.memref_slice %arg9[%dma_start3A_85, %dma_start3A_86] : memref<128x64xf32, #tpu.memory_space<vmem>> -> memref<64x64xf32, #tpu.memory_space<vmem>>
    %dma_start3A_88 = arith.constant 0 : i32
    %dma_start3A_89 = tpu.memref_slice %arg4[%add3A_84, %dma_start3A_88] : memref<16384x64xf32, #tpu.memory_space<hbm>> -> memref<64x64xf32, #tpu.memory_space<hbm>>
    %dma_start3A_90 = arith.constant 0 : i32
    %dma_start3A_91 = tpu.memref_slice %arg4[%add3A_84, %dma_start3A_90] : memref<16384x64xf32, #tpu.memory_space<hbm>> -> memref<64x64xf32, #tpu.memory_space<hbm>>
    %dma_start3A_92 = arith.constant 64 : i32
    %dma_start3A_93 = arith.constant 0 : i32
    %dma_start3A_94 = tpu.memref_slice %arg9[%dma_start3A_92, %dma_start3A_93] : memref<128x64xf32, #tpu.memory_space<vmem>> -> memref<64x64xf32, #tpu.memory_space<vmem>>
    tpu.enqueue_dma source(%dma_start3A_94 : memref<64x64xf32, #tpu.memory_space<vmem>>) target(%dma_start3A_91 : memref<64x64xf32, #tpu.memory_space<hbm>>) target_semaphore(%arg14 : memref<!tpu.dma_semaphore, #tpu.memory_space<semaphore_mem>>)
    %dma_start3A_95 = arith.constant 64 : i32
    %dma_start3A_96 = arith.constant 0 : i32
    %dma_start3A_97 = tpu.memref_slice %arg11[%dma_start3A_95, %dma_start3A_96] : memref<128x64xf32, #tpu.memory_space<vmem>> -> memref<64x64xf32, #tpu.memory_space<vmem>>
    %dma_start3A_98 = arith.constant 0 : i32
    %dma_start3A_99 = tpu.memref_slice %arg5[%add3A_84, %dma_start3A_98] : memref<16384x64xf32, #tpu.memory_space<hbm>> -> memref<64x64xf32, #tpu.memory_space<hbm>>
    %dma_start3A_100 = arith.constant 0 : i32
    %dma_start3A_101 = tpu.memref_slice %arg5[%add3A_84, %dma_start3A_100] : memref<16384x64xf32, #tpu.memory_space<hbm>> -> memref<64x64xf32, #tpu.memory_space<hbm>>
    %dma_start3A_102 = arith.constant 64 : i32
    %dma_start3A_103 = arith.constant 0 : i32
    %dma_start3A_104 = tpu.memref_slice %arg11[%dma_start3A_102, %dma_start3A_103] : memref<128x64xf32, #tpu.memory_space<vmem>> -> memref<64x64xf32, #tpu.memory_space<vmem>>
    tpu.enqueue_dma source(%dma_start3A_104 : memref<64x64xf32, #tpu.memory_space<vmem>>) target(%dma_start3A_101 : memref<64x64xf32, #tpu.memory_space<hbm>>) target_semaphore(%arg14 : memref<!tpu.dma_semaphore, #tpu.memory_space<semaphore_mem>>)
    %dma_start3A_105 = arith.constant 2 : i32
    %dma_start3A_106 = arith.constant 256 : i32
    %dma_start3A_107 = tpu.memref_slice %arg6[%dma_start3A_106] : memref<512xi32, #tpu.memory_space<vmem>> -> memref<128xi32, #tpu.memory_space<vmem>>
    %dma_start3A_108 = arith.constant 0 : i32
    %dma_start3A_109 = arith.constant 0 : i32
    %dma_start3A_110 = tpu.memref_slice %arg3[%dma_start3A_108, %dma_start3A_109] : memref<100000x128xf32, #tpu.memory_space<hbm>> -> memref<100000x128xf32, #tpu.memory_space<hbm>>
    %dma_start3A_111 = tpu.memref_slice %arg13[%dma_start3A_105] : memref<4x!tpu.dma_semaphore, #tpu.memory_space<semaphore_mem>> -> memref<1x!tpu.dma_semaphore, #tpu.memory_space<semaphore_mem>>
    %dma_start3A_112 = tpu.memref_squeeze %dma_start3A_111 : memref<1x!tpu.dma_semaphore, #tpu.memory_space<semaphore_mem>> -> memref<!tpu.dma_semaphore, #tpu.memory_space<semaphore_mem>>
    tpu.enqueue_indirect_dma source(%dma_start3A_110 : memref<100000x128xf32, #tpu.memory_space<hbm>>) target(%arg7 : memref<128x128xf32, #tpu.memory_space<vmem>>) offsets(%dma_start3A_107 : memref<128xi32, #tpu.memory_space<vmem>>) semaphore(%dma_start3A_112 : memref<!tpu.dma_semaphore, #tpu.memory_space<semaphore_mem>>)
    %dma_wait3A_113 = arith.constant 1 : i32
    %dma_wait3A_114 = arith.constant 128 : i32
    %dma_wait3A_115 = tpu.memref_slice %arg6[%dma_wait3A_114] : memref<512xi32, #tpu.memory_space<vmem>> -> memref<128xi32, #tpu.memory_space<vmem>>
    %dma_wait3A_116 = arith.constant 0 : i32
    %dma_wait3A_117 = arith.constant 0 : i32
    %dma_wait3A_118 = tpu.memref_slice %arg3[%dma_wait3A_116, %dma_wait3A_117] : memref<100000x128xf32, #tpu.memory_space<hbm>> -> memref<100000x128xf32, #tpu.memory_space<hbm>>
    %dma_wait3A_119 = tpu.memref_slice %arg13[%dma_wait3A_113] : memref<4x!tpu.dma_semaphore, #tpu.memory_space<semaphore_mem>> -> memref<1x!tpu.dma_semaphore, #tpu.memory_space<semaphore_mem>>
    %dma_wait3A_120 = tpu.memref_squeeze %dma_wait3A_119 : memref<1x!tpu.dma_semaphore, #tpu.memory_space<semaphore_mem>> -> memref<!tpu.dma_semaphore, #tpu.memory_space<semaphore_mem>>
    tpu.wait_indirect_dma semaphore(%dma_wait3A_120 : memref<!tpu.dma_semaphore, #tpu.memory_space<semaphore_mem>>) src(%dma_wait3A_118 : memref<100000x128xf32, #tpu.memory_space<hbm>>) dst(%arg8 : memref<128x128xf32, #tpu.memory_space<vmem>>)
    %parallel_loop3A_121 = arith.constant 0 : i32
    %parallel_loop3A_122 = arith.constant 64 : i32
    %parallel_loop3A_123 = arith.constant 1 : i32
    scf.for %parallel_loop3A_467 = %parallel_loop3A_121 to %parallel_loop3A_122 step %parallel_loop3A_123  : i32 {
      %parallel_loop3A_468 = vector.broadcast %parallel_loop3A_467 : i32 to vector<16xi32>
      %parallel_loop3A_469 = tpu.vector_load_idx %arg8[%parallel_loop3A_468, %add3A_23] : memref<128x128xf32, #tpu.memory_space<vmem>>[vector<16xi32>, vector<16xi32>], vector<16xf32>,
      %parallel_loop3A_470 = tpu.vector_load_idx %arg8[%parallel_loop3A_468, %add3A_35] : memref<128x128xf32, #tpu.memory_space<vmem>>[vector<16xi32>, vector<16xi32>], vector<16xf32>,
      %parallel_loop3A_471 = tpu.vector_load_idx %arg8[%parallel_loop3A_468, %add3A_26] : memref<128x128xf32, #tpu.memory_space<vmem>>[vector<16xi32>, vector<16xi32>], vector<16xf32>,
      %parallel_loop3A_472 = tpu.vector_load_idx %arg8[%parallel_loop3A_468, %add3A_38] : memref<128x128xf32, #tpu.memory_space<vmem>>[vector<16xi32>, vector<16xi32>], vector<16xf32>,
      %parallel_loop3A_473 = tpu.vector_load_idx %arg8[%parallel_loop3A_468, %add3A_29] : memref<128x128xf32, #tpu.memory_space<vmem>>[vector<16xi32>, vector<16xi32>], vector<16xf32>,
      %parallel_loop3A_474 = tpu.vector_load_idx %arg8[%parallel_loop3A_468, %add3A_41] : memref<128x128xf32, #tpu.memory_space<vmem>>[vector<16xi32>, vector<16xi32>], vector<16xf32>,
      %parallel_loop3A_475 = tpu.vector_load_idx %arg8[%parallel_loop3A_468, %add3A_32] : memref<128x128xf32, #tpu.memory_space<vmem>>[vector<16xi32>, vector<16xi32>], vector<16xf32>,
      %parallel_loop3A_476 = tpu.vector_load_idx %arg8[%parallel_loop3A_468, %add3A_44] : memref<128x128xf32, #tpu.memory_space<vmem>>[vector<16xi32>, vector<16xi32>], vector<16xf32>,
      %parallel_loop3A_477 = arith.index_cast %parallel_loop3A_467 : i32 to index
      %parallel_loop3A_478 = arith.constant 0 : index
      %parallel_loop3A_479 = tpu.vector_load %arg10[%parallel_loop3A_477, %parallel_loop3A_478] {strides = array<i32>} : memref<128x64xf32, #tpu.memory_space<vmem>>, vector<16xf32>,
      tpu.vector_store %arg10[%parallel_loop3A_477, %parallel_loop3A_478], %parallel_loop3A_469 {strides = array<i32>} : memref<128x64xf32, #tpu.memory_space<vmem>>, vector<16xf32>,
      %parallel_loop3A_480 = arith.index_cast %parallel_loop3A_467 : i32 to index
      %parallel_loop3A_481 = arith.constant 0 : index
      %parallel_loop3A_482 = tpu.vector_load %arg12[%parallel_loop3A_480, %parallel_loop3A_481] {strides = array<i32>} : memref<128x64xf32, #tpu.memory_space<vmem>>, vector<16xf32>,
      tpu.vector_store %arg12[%parallel_loop3A_480, %parallel_loop3A_481], %parallel_loop3A_470 {strides = array<i32>} : memref<128x64xf32, #tpu.memory_space<vmem>>, vector<16xf32>,
      %parallel_loop3A_483 = arith.index_cast %parallel_loop3A_467 : i32 to index
      %parallel_loop3A_484 = arith.constant 16 : index
      %parallel_loop3A_485 = tpu.vector_load %arg10[%parallel_loop3A_483, %parallel_loop3A_484] {strides = array<i32>} : memref<128x64xf32, #tpu.memory_space<vmem>>, vector<16xf32>,
      tpu.vector_store %arg10[%parallel_loop3A_483, %parallel_loop3A_484], %parallel_loop3A_471 {strides = array<i32>} : memref<128x64xf32, #tpu.memory_space<vmem>>, vector<16xf32>,
      %parallel_loop3A_486 = arith.index_cast %parallel_loop3A_467 : i32 to index
      %parallel_loop3A_487 = arith.constant 16 : index
      %parallel_loop3A_488 = tpu.vector_load %arg12[%parallel_loop3A_486, %parallel_loop3A_487] {strides = array<i32>} : memref<128x64xf32, #tpu.memory_space<vmem>>, vector<16xf32>,
      tpu.vector_store %arg12[%parallel_loop3A_486, %parallel_loop3A_487], %parallel_loop3A_472 {strides = array<i32>} : memref<128x64xf32, #tpu.memory_space<vmem>>, vector<16xf32>,
      %parallel_loop3A_489 = arith.index_cast %parallel_loop3A_467 : i32 to index
      %parallel_loop3A_490 = arith.constant 32 : index
      %parallel_loop3A_491 = tpu.vector_load %arg10[%parallel_loop3A_489, %parallel_loop3A_490] {strides = array<i32>} : memref<128x64xf32, #tpu.memory_space<vmem>>, vector<16xf32>,
      tpu.vector_store %arg10[%parallel_loop3A_489, %parallel_loop3A_490], %parallel_loop3A_473 {strides = array<i32>} : memref<128x64xf32, #tpu.memory_space<vmem>>, vector<16xf32>,
      %parallel_loop3A_492 = arith.index_cast %parallel_loop3A_467 : i32 to index
      %parallel_loop3A_493 = arith.constant 32 : index
      %parallel_loop3A_494 = tpu.vector_load %arg12[%parallel_loop3A_492, %parallel_loop3A_493] {strides = array<i32>} : memref<128x64xf32, #tpu.memory_space<vmem>>, vector<16xf32>,
      tpu.vector_store %arg12[%parallel_loop3A_492, %parallel_loop3A_493], %parallel_loop3A_474 {strides = array<i32>} : memref<128x64xf32, #tpu.memory_space<vmem>>, vector<16xf32>,
      %parallel_loop3A_495 = arith.index_cast %parallel_loop3A_467 : i32 to index
      %parallel_loop3A_496 = arith.constant 48 : index
      %parallel_loop3A_497 = tpu.vector_load %arg10[%parallel_loop3A_495, %parallel_loop3A_496] {strides = array<i32>} : memref<128x64xf32, #tpu.memory_space<vmem>>, vector<16xf32>,
      tpu.vector_store %arg10[%parallel_loop3A_495, %parallel_loop3A_496], %parallel_loop3A_475 {strides = array<i32>} : memref<128x64xf32, #tpu.memory_space<vmem>>, vector<16xf32>,
      %parallel_loop3A_498 = arith.index_cast %parallel_loop3A_467 : i32 to index
      %parallel_loop3A_499 = arith.constant 48 : index
      %parallel_loop3A_500 = tpu.vector_load %arg12[%parallel_loop3A_498, %parallel_loop3A_499] {strides = array<i32>} : memref<128x64xf32, #tpu.memory_space<vmem>>, vector<16xf32>,
      tpu.vector_store %arg12[%parallel_loop3A_498, %parallel_loop3A_499], %parallel_loop3A_476 {strides = array<i32>} : memref<128x64xf32, #tpu.memory_space<vmem>>, vector<16xf32>,
    } {sc.loop_unroll_factor = 4 : i64, sc.parallel_access}
    %add3A_124 = arith.constant 128 : i32
    %add3A_125 = arith.addi %mul3A_2, %add3A_124 : i32
    %add3A_126 = arith.constant 0 : i32
    %add3A_127 = arith.addi %add3A_125, %add3A_126 : i32
    %dma_start3A_128 = arith.constant 0 : i32
    %dma_start3A_129 = arith.constant 0 : i32
    %dma_start3A_130 = tpu.memref_slice %arg10[%dma_start3A_128, %dma_start3A_129] : memref<128x64xf32, #tpu.memory_space<vmem>> -> memref<64x64xf32, #tpu.memory_space<vmem>>
    %dma_start3A_131 = arith.constant 0 : i32
    %dma_start3A_132 = tpu.memref_slice %arg4[%add3A_127, %dma_start3A_131] : memref<16384x64xf32, #tpu.memory_space<hbm>> -> memref<64x64xf32, #tpu.memory_space<hbm>>
    %dma_start3A_133 = arith.constant 0 : i32
    %dma_start3A_134 = tpu.memref_slice %arg4[%add3A_127, %dma_start3A_133] : memref<16384x64xf32, #tpu.memory_space<hbm>> -> memref<64x64xf32, #tpu.memory_space<hbm>>
    %dma_start3A_135 = arith.constant 0 : i32
    %dma_start3A_136 = arith.constant 0 : i32
    %dma_start3A_137 = tpu.memref_slice %arg10[%dma_start3A_135, %dma_start3A_136] : memref<128x64xf32, #tpu.memory_space<vmem>> -> memref<64x64xf32, #tpu.memory_space<vmem>>
    tpu.enqueue_dma source(%dma_start3A_137 : memref<64x64xf32, #tpu.memory_space<vmem>>) target(%dma_start3A_134 : memref<64x64xf32, #tpu.memory_space<hbm>>) target_semaphore(%arg14 : memref<!tpu.dma_semaphore, #tpu.memory_space<semaphore_mem>>)
    %dma_start3A_138 = arith.constant 0 : i32
    %dma_start3A_139 = arith.constant 0 : i32
    %dma_start3A_140 = tpu.memref_slice %arg12[%dma_start3A_138, %dma_start3A_139] : memref<128x64xf32, #tpu.memory_space<vmem>> -> memref<64x64xf32, #tpu.memory_space<vmem>>
    %dma_start3A_141 = arith.constant 0 : i32
    %dma_start3A_142 = tpu.memref_slice %arg5[%add3A_127, %dma_start3A_141] : memref<16384x64xf32, #tpu.memory_space<hbm>> -> memref<64x64xf32, #tpu.memory_space<hbm>>
    %dma_start3A_143 = arith.constant 0 : i32
    %dma_start3A_144 = tpu.memref_slice %arg5[%add3A_127, %dma_start3A_143] : memref<16384x64xf32, #tpu.memory_space<hbm>> -> memref<64x64xf32, #tpu.memory_space<hbm>>
    %dma_start3A_145 = arith.constant 0 : i32
    %dma_start3A_146 = arith.constant 0 : i32
    %dma_start3A_147 = tpu.memref_slice %arg12[%dma_start3A_145, %dma_start3A_146] : memref<128x64xf32, #tpu.memory_space<vmem>> -> memref<64x64xf32, #tpu.memory_space<vmem>>
    tpu.enqueue_dma source(%dma_start3A_147 : memref<64x64xf32, #tpu.memory_space<vmem>>) target(%dma_start3A_144 : memref<64x64xf32, #tpu.memory_space<hbm>>) target_semaphore(%arg14 : memref<!tpu.dma_semaphore, #tpu.memory_space<semaphore_mem>>)
    %parallel_loop3A_148 = arith.constant 64 : i32
    %parallel_loop3A_149 = arith.constant 128 : i32
    %parallel_loop3A_150 = arith.constant 1 : i32
    scf.for %parallel_loop3A_467 = %parallel_loop3A_148 to %parallel_loop3A_149 step %parallel_loop3A_150  : i32 {
      %parallel_loop3A_468 = vector.broadcast %parallel_loop3A_467 : i32 to vector<16xi32>
      %parallel_loop3A_469 = tpu.vector_load_idx %arg8[%parallel_loop3A_468, %add3A_23] : memref<128x128xf32, #tpu.memory_space<vmem>>[vector<16xi32>, vector<16xi32>], vector<16xf32>,
      %parallel_loop3A_470 = tpu.vector_load_idx %arg8[%parallel_loop3A_468, %add3A_35] : memref<128x128xf32, #tpu.memory_space<vmem>>[vector<16xi32>, vector<16xi32>], vector<16xf32>,
      %parallel_loop3A_471 = tpu.vector_load_idx %arg8[%parallel_loop3A_468, %add3A_26] : memref<128x128xf32, #tpu.memory_space<vmem>>[vector<16xi32>, vector<16xi32>], vector<16xf32>,
      %parallel_loop3A_472 = tpu.vector_load_idx %arg8[%parallel_loop3A_468, %add3A_38] : memref<128x128xf32, #tpu.memory_space<vmem>>[vector<16xi32>, vector<16xi32>], vector<16xf32>,
      %parallel_loop3A_473 = tpu.vector_load_idx %arg8[%parallel_loop3A_468, %add3A_29] : memref<128x128xf32, #tpu.memory_space<vmem>>[vector<16xi32>, vector<16xi32>], vector<16xf32>,
      %parallel_loop3A_474 = tpu.vector_load_idx %arg8[%parallel_loop3A_468, %add3A_41] : memref<128x128xf32, #tpu.memory_space<vmem>>[vector<16xi32>, vector<16xi32>], vector<16xf32>,
      %parallel_loop3A_475 = tpu.vector_load_idx %arg8[%parallel_loop3A_468, %add3A_32] : memref<128x128xf32, #tpu.memory_space<vmem>>[vector<16xi32>, vector<16xi32>], vector<16xf32>,
      %parallel_loop3A_476 = tpu.vector_load_idx %arg8[%parallel_loop3A_468, %add3A_44] : memref<128x128xf32, #tpu.memory_space<vmem>>[vector<16xi32>, vector<16xi32>], vector<16xf32>,
      %parallel_loop3A_477 = arith.index_cast %parallel_loop3A_467 : i32 to index
      %parallel_loop3A_478 = arith.constant 0 : index
      %parallel_loop3A_479 = tpu.vector_load %arg10[%parallel_loop3A_477, %parallel_loop3A_478] {strides = array<i32>} : memref<128x64xf32, #tpu.memory_space<vmem>>, vector<16xf32>,
      tpu.vector_store %arg10[%parallel_loop3A_477, %parallel_loop3A_478], %parallel_loop3A_469 {strides = array<i32>} : memref<128x64xf32, #tpu.memory_space<vmem>>, vector<16xf32>,
      %parallel_loop3A_480 = arith.index_cast %parallel_loop3A_467 : i32 to index
      %parallel_loop3A_481 = arith.constant 0 : index
      %parallel_loop3A_482 = tpu.vector_load %arg12[%parallel_loop3A_480, %parallel_loop3A_481] {strides = array<i32>} : memref<128x64xf32, #tpu.memory_space<vmem>>, vector<16xf32>,
      tpu.vector_store %arg12[%parallel_loop3A_480, %parallel_loop3A_481], %parallel_loop3A_470 {strides = array<i32>} : memref<128x64xf32, #tpu.memory_space<vmem>>, vector<16xf32>,
      %parallel_loop3A_483 = arith.index_cast %parallel_loop3A_467 : i32 to index
      %parallel_loop3A_484 = arith.constant 16 : index
      %parallel_loop3A_485 = tpu.vector_load %arg10[%parallel_loop3A_483, %parallel_loop3A_484] {strides = array<i32>} : memref<128x64xf32, #tpu.memory_space<vmem>>, vector<16xf32>,
      tpu.vector_store %arg10[%parallel_loop3A_483, %parallel_loop3A_484], %parallel_loop3A_471 {strides = array<i32>} : memref<128x64xf32, #tpu.memory_space<vmem>>, vector<16xf32>,
      %parallel_loop3A_486 = arith.index_cast %parallel_loop3A_467 : i32 to index
      %parallel_loop3A_487 = arith.constant 16 : index
      %parallel_loop3A_488 = tpu.vector_load %arg12[%parallel_loop3A_486, %parallel_loop3A_487] {strides = array<i32>} : memref<128x64xf32, #tpu.memory_space<vmem>>, vector<16xf32>,
      tpu.vector_store %arg12[%parallel_loop3A_486, %parallel_loop3A_487], %parallel_loop3A_472 {strides = array<i32>} : memref<128x64xf32, #tpu.memory_space<vmem>>, vector<16xf32>,
      %parallel_loop3A_489 = arith.index_cast %parallel_loop3A_467 : i32 to index
      %parallel_loop3A_490 = arith.constant 32 : index
      %parallel_loop3A_491 = tpu.vector_load %arg10[%parallel_loop3A_489, %parallel_loop3A_490] {strides = array<i32>} : memref<128x64xf32, #tpu.memory_space<vmem>>, vector<16xf32>,
      tpu.vector_store %arg10[%parallel_loop3A_489, %parallel_loop3A_490], %parallel_loop3A_473 {strides = array<i32>} : memref<128x64xf32, #tpu.memory_space<vmem>>, vector<16xf32>,
      %parallel_loop3A_492 = arith.index_cast %parallel_loop3A_467 : i32 to index
      %parallel_loop3A_493 = arith.constant 32 : index
      %parallel_loop3A_494 = tpu.vector_load %arg12[%parallel_loop3A_492, %parallel_loop3A_493] {strides = array<i32>} : memref<128x64xf32, #tpu.memory_space<vmem>>, vector<16xf32>,
      tpu.vector_store %arg12[%parallel_loop3A_492, %parallel_loop3A_493], %parallel_loop3A_474 {strides = array<i32>} : memref<128x64xf32, #tpu.memory_space<vmem>>, vector<16xf32>,
      %parallel_loop3A_495 = arith.index_cast %parallel_loop3A_467 : i32 to index
      %parallel_loop3A_496 = arith.constant 48 : index
      %parallel_loop3A_497 = tpu.vector_load %arg10[%parallel_loop3A_495, %parallel_loop3A_496] {strides = array<i32>} : memref<128x64xf32, #tpu.memory_space<vmem>>, vector<16xf32>,
      tpu.vector_store %arg10[%parallel_loop3A_495, %parallel_loop3A_496], %parallel_loop3A_475 {strides = array<i32>} : memref<128x64xf32, #tpu.memory_space<vmem>>, vector<16xf32>,
      %parallel_loop3A_498 = arith.index_cast %parallel_loop3A_467 : i32 to index
      %parallel_loop3A_499 = arith.constant 48 : index
      %parallel_loop3A_500 = tpu.vector_load %arg12[%parallel_loop3A_498, %parallel_loop3A_499] {strides = array<i32>} : memref<128x64xf32, #tpu.memory_space<vmem>>, vector<16xf32>,
      tpu.vector_store %arg12[%parallel_loop3A_498, %parallel_loop3A_499], %parallel_loop3A_476 {strides = array<i32>} : memref<128x64xf32, #tpu.memory_space<vmem>>, vector<16xf32>,
    } {sc.loop_unroll_factor = 4 : i64, sc.parallel_access}
    %add3A_151 = arith.constant 128 : i32
    %add3A_152 = arith.addi %mul3A_2, %add3A_151 : i32
    %add3A_153 = arith.constant 64 : i32
    %add3A_154 = arith.addi %add3A_152, %add3A_153 : i32
    %dma_start3A_155 = arith.constant 64 : i32
    %dma_start3A_156 = arith.constant 0 : i32
    %dma_start3A_157 = tpu.memref_slice %arg10[%dma_start3A_155, %dma_start3A_156] : memref<128x64xf32, #tpu.memory_space<vmem>> -> memref<64x64xf32, #tpu.memory_space<vmem>>
    %dma_start3A_158 = arith.constant 0 : i32
    %dma_start3A_159 = tpu.memref_slice %arg4[%add3A_154, %dma_start3A_158] : memref<16384x64xf32, #tpu.memory_space<hbm>> -> memref<64x64xf32, #tpu.memory_space<hbm>>
    %dma_start3A_160 = arith.constant 0 : i32
    %dma_start3A_161 = tpu.memref_slice %arg4[%add3A_154, %dma_start3A_160] : memref<16384x64xf32, #tpu.memory_space<hbm>> -> memref<64x64xf32, #tpu.memory_space<hbm>>
    %dma_start3A_162 = arith.constant 64 : i32
    %dma_start3A_163 = arith.constant 0 : i32
    %dma_start3A_164 = tpu.memref_slice %arg10[%dma_start3A_162, %dma_start3A_163] : memref<128x64xf32, #tpu.memory_space<vmem>> -> memref<64x64xf32, #tpu.memory_space<vmem>>
    tpu.enqueue_dma source(%dma_start3A_164 : memref<64x64xf32, #tpu.memory_space<vmem>>) target(%dma_start3A_161 : memref<64x64xf32, #tpu.memory_space<hbm>>) target_semaphore(%arg14 : memref<!tpu.dma_semaphore, #tpu.memory_space<semaphore_mem>>)
    %dma_start3A_165 = arith.constant 64 : i32
    %dma_start3A_166 = arith.constant 0 : i32
    %dma_start3A_167 = tpu.memref_slice %arg12[%dma_start3A_165, %dma_start3A_166] : memref<128x64xf32, #tpu.memory_space<vmem>> -> memref<64x64xf32, #tpu.memory_space<vmem>>
    %dma_start3A_168 = arith.constant 0 : i32
    %dma_start3A_169 = tpu.memref_slice %arg5[%add3A_154, %dma_start3A_168] : memref<16384x64xf32, #tpu.memory_space<hbm>> -> memref<64x64xf32, #tpu.memory_space<hbm>>
    %dma_start3A_170 = arith.constant 0 : i32
    %dma_start3A_171 = tpu.memref_slice %arg5[%add3A_154, %dma_start3A_170] : memref<16384x64xf32, #tpu.memory_space<hbm>> -> memref<64x64xf32, #tpu.memory_space<hbm>>
    %dma_start3A_172 = arith.constant 64 : i32
    %dma_start3A_173 = arith.constant 0 : i32
    %dma_start3A_174 = tpu.memref_slice %arg12[%dma_start3A_172, %dma_start3A_173] : memref<128x64xf32, #tpu.memory_space<vmem>> -> memref<64x64xf32, #tpu.memory_space<vmem>>
    tpu.enqueue_dma source(%dma_start3A_174 : memref<64x64xf32, #tpu.memory_space<vmem>>) target(%dma_start3A_171 : memref<64x64xf32, #tpu.memory_space<hbm>>) target_semaphore(%arg14 : memref<!tpu.dma_semaphore, #tpu.memory_space<semaphore_mem>>)
    %dma_start3A_175 = arith.constant 3 : i32
    %dma_start3A_176 = arith.constant 384 : i32
    %dma_start3A_177 = tpu.memref_slice %arg6[%dma_start3A_176] : memref<512xi32, #tpu.memory_space<vmem>> -> memref<128xi32, #tpu.memory_space<vmem>>
    %dma_start3A_178 = arith.constant 0 : i32
    %dma_start3A_179 = arith.constant 0 : i32
    %dma_start3A_180 = tpu.memref_slice %arg3[%dma_start3A_178, %dma_start3A_179] : memref<100000x128xf32, #tpu.memory_space<hbm>> -> memref<100000x128xf32, #tpu.memory_space<hbm>>
    %dma_start3A_181 = tpu.memref_slice %arg13[%dma_start3A_175] : memref<4x!tpu.dma_semaphore, #tpu.memory_space<semaphore_mem>> -> memref<1x!tpu.dma_semaphore, #tpu.memory_space<semaphore_mem>>
    %dma_start3A_182 = tpu.memref_squeeze %dma_start3A_181 : memref<1x!tpu.dma_semaphore, #tpu.memory_space<semaphore_mem>> -> memref<!tpu.dma_semaphore, #tpu.memory_space<semaphore_mem>>
    tpu.enqueue_indirect_dma source(%dma_start3A_180 : memref<100000x128xf32, #tpu.memory_space<hbm>>) target(%arg8 : memref<128x128xf32, #tpu.memory_space<vmem>>) offsets(%dma_start3A_177 : memref<128xi32, #tpu.memory_space<vmem>>) semaphore(%dma_start3A_182 : memref<!tpu.dma_semaphore, #tpu.memory_space<semaphore_mem>>)
    %dma_wait3A_183 = arith.constant 2 : i32
    %dma_wait3A_184 = arith.constant 256 : i32
    %dma_wait3A_185 = tpu.memref_slice %arg6[%dma_wait3A_184] : memref<512xi32, #tpu.memory_space<vmem>> -> memref<128xi32, #tpu.memory_space<vmem>>
    %dma_wait3A_186 = arith.constant 0 : i32
    %dma_wait3A_187 = arith.constant 0 : i32
    %dma_wait3A_188 = tpu.memref_slice %arg3[%dma_wait3A_186, %dma_wait3A_187] : memref<100000x128xf32, #tpu.memory_space<hbm>> -> memref<100000x128xf32, #tpu.memory_space<hbm>>
    %dma_wait3A_189 = tpu.memref_slice %arg13[%dma_wait3A_183] : memref<4x!tpu.dma_semaphore, #tpu.memory_space<semaphore_mem>> -> memref<1x!tpu.dma_semaphore, #tpu.memory_space<semaphore_mem>>
    %dma_wait3A_190 = tpu.memref_squeeze %dma_wait3A_189 : memref<1x!tpu.dma_semaphore, #tpu.memory_space<semaphore_mem>> -> memref<!tpu.dma_semaphore, #tpu.memory_space<semaphore_mem>>
    tpu.wait_indirect_dma semaphore(%dma_wait3A_190 : memref<!tpu.dma_semaphore, #tpu.memory_space<semaphore_mem>>) src(%dma_wait3A_188 : memref<100000x128xf32, #tpu.memory_space<hbm>>) dst(%arg7 : memref<128x128xf32, #tpu.memory_space<vmem>>)
    %dma_wait3A_191 = arith.constant 0 : i32
    %dma_wait3A_192 = arith.constant 0 : i32
    %dma_wait3A_193 = tpu.memref_slice %arg9[%dma_wait3A_191, %dma_wait3A_192] : memref<128x64xf32, #tpu.memory_space<vmem>> -> memref<64x64xf32, #tpu.memory_space<vmem>>
    %dma_wait3A_194 = arith.constant 0 : i32
    %dma_wait3A_195 = tpu.memref_slice %arg4[%add3A_57, %dma_wait3A_194] : memref<16384x64xf32, #tpu.memory_space<hbm>> -> memref<64x64xf32, #tpu.memory_space<hbm>>
    %dma_wait3A_196 = arith.constant 0 : i32
    %dma_wait3A_197 = tpu.memref_slice %arg4[%add3A_57, %dma_wait3A_196] : memref<16384x64xf32, #tpu.memory_space<hbm>> -> memref<64x64xf32, #tpu.memory_space<hbm>>
    %dma_wait3A_198 = arith.constant 0 : i32
    %dma_wait3A_199 = arith.constant 0 : i32
    %dma_wait3A_200 = tpu.memref_slice %arg9[%dma_wait3A_198, %dma_wait3A_199] : memref<128x64xf32, #tpu.memory_space<vmem>> -> memref<64x64xf32, #tpu.memory_space<vmem>>
    tpu.wait_dma2 semaphore(%arg14 : memref<!tpu.dma_semaphore, #tpu.memory_space<semaphore_mem>>) src(%dma_wait3A_200 : memref<64x64xf32, #tpu.memory_space<vmem>>) dst(%dma_wait3A_197 : memref<64x64xf32, #tpu.memory_space<hbm>>)
    %dma_wait3A_201 = arith.constant 0 : i32
    %dma_wait3A_202 = arith.constant 0 : i32
    %dma_wait3A_203 = tpu.memref_slice %arg11[%dma_wait3A_201, %dma_wait3A_202] : memref<128x64xf32, #tpu.memory_space<vmem>> -> memref<64x64xf32, #tpu.memory_space<vmem>>
    %dma_wait3A_204 = arith.constant 0 : i32
    %dma_wait3A_205 = tpu.memref_slice %arg5[%add3A_57, %dma_wait3A_204] : memref<16384x64xf32, #tpu.memory_space<hbm>> -> memref<64x64xf32, #tpu.memory_space<hbm>>
    %dma_wait3A_206 = arith.constant 0 : i32
    %dma_wait3A_207 = tpu.memref_slice %arg5[%add3A_57, %dma_wait3A_206] : memref<16384x64xf32, #tpu.memory_space<hbm>> -> memref<64x64xf32, #tpu.memory_space<hbm>>
    %dma_wait3A_208 = arith.constant 0 : i32
    %dma_wait3A_209 = arith.constant 0 : i32
    %dma_wait3A_210 = tpu.memref_slice %arg11[%dma_wait3A_208, %dma_wait3A_209] : memref<128x64xf32, #tpu.memory_space<vmem>> -> memref<64x64xf32, #tpu.memory_space<vmem>>
    tpu.wait_dma2 semaphore(%arg14 : memref<!tpu.dma_semaphore, #tpu.memory_space<semaphore_mem>>) src(%dma_wait3A_210 : memref<64x64xf32, #tpu.memory_space<vmem>>) dst(%dma_wait3A_207 : memref<64x64xf32, #tpu.memory_space<hbm>>)
    %dma_wait3A_211 = arith.constant 64 : i32
    %dma_wait3A_212 = arith.constant 0 : i32
    %dma_wait3A_213 = tpu.memref_slice %arg9[%dma_wait3A_211, %dma_wait3A_212] : memref<128x64xf32, #tpu.memory_space<vmem>> -> memref<64x64xf32, #tpu.memory_space<vmem>>
    %dma_wait3A_214 = arith.constant 0 : i32
    %dma_wait3A_215 = tpu.memref_slice %arg4[%add3A_84, %dma_wait3A_214] : memref<16384x64xf32, #tpu.memory_space<hbm>> -> memref<64x64xf32, #tpu.memory_space<hbm>>
    %dma_wait3A_216 = arith.constant 0 : i32
    %dma_wait3A_217 = tpu.memref_slice %arg4[%add3A_84, %dma_wait3A_216] : memref<16384x64xf32, #tpu.memory_space<hbm>> -> memref<64x64xf32, #tpu.memory_space<hbm>>
    %dma_wait3A_218 = arith.constant 64 : i32
    %dma_wait3A_219 = arith.constant 0 : i32
    %dma_wait3A_220 = tpu.memref_slice %arg9[%dma_wait3A_218, %dma_wait3A_219] : memref<128x64xf32, #tpu.memory_space<vmem>> -> memref<64x64xf32, #tpu.memory_space<vmem>>
    tpu.wait_dma2 semaphore(%arg14 : memref<!tpu.dma_semaphore, #tpu.memory_space<semaphore_mem>>) src(%dma_wait3A_220 : memref<64x64xf32, #tpu.memory_space<vmem>>) dst(%dma_wait3A_217 : memref<64x64xf32, #tpu.memory_space<hbm>>)
    %dma_wait3A_221 = arith.constant 64 : i32
    %dma_wait3A_222 = arith.constant 0 : i32
    %dma_wait3A_223 = tpu.memref_slice %arg11[%dma_wait3A_221, %dma_wait3A_222] : memref<128x64xf32, #tpu.memory_space<vmem>> -> memref<64x64xf32, #tpu.memory_space<vmem>>
    %dma_wait3A_224 = arith.constant 0 : i32
    %dma_wait3A_225 = tpu.memref_slice %arg5[%add3A_84, %dma_wait3A_224] : memref<16384x64xf32, #tpu.memory_space<hbm>> -> memref<64x64xf32, #tpu.memory_space<hbm>>
    %dma_wait3A_226 = arith.constant 0 : i32
    %dma_wait3A_227 = tpu.memref_slice %arg5[%add3A_84, %dma_wait3A_226] : memref<16384x64xf32, #tpu.memory_space<hbm>> -> memref<64x64xf32, #tpu.memory_space<hbm>>
    %dma_wait3A_228 = arith.constant 64 : i32
    %dma_wait3A_229 = arith.constant 0 : i32
    %dma_wait3A_230 = tpu.memref_slice %arg11[%dma_wait3A_228, %dma_wait3A_229] : memref<128x64xf32, #tpu.memory_space<vmem>> -> memref<64x64xf32, #tpu.memory_space<vmem>>
    tpu.wait_dma2 semaphore(%arg14 : memref<!tpu.dma_semaphore, #tpu.memory_space<semaphore_mem>>) src(%dma_wait3A_230 : memref<64x64xf32, #tpu.memory_space<vmem>>) dst(%dma_wait3A_227 : memref<64x64xf32, #tpu.memory_space<hbm>>)
    %parallel_loop3A_231 = arith.constant 0 : i32
    %parallel_loop3A_232 = arith.constant 64 : i32
    %parallel_loop3A_233 = arith.constant 1 : i32
    scf.for %parallel_loop3A_467 = %parallel_loop3A_231 to %parallel_loop3A_232 step %parallel_loop3A_233  : i32 {
      %parallel_loop3A_468 = vector.broadcast %parallel_loop3A_467 : i32 to vector<16xi32>
      %parallel_loop3A_469 = tpu.vector_load_idx %arg7[%parallel_loop3A_468, %add3A_23] : memref<128x128xf32, #tpu.memory_space<vmem>>[vector<16xi32>, vector<16xi32>], vector<16xf32>,
      %parallel_loop3A_470 = tpu.vector_load_idx %arg7[%parallel_loop3A_468, %add3A_35] : memref<128x128xf32, #tpu.memory_space<vmem>>[vector<16xi32>, vector<16xi32>], vector<16xf32>,
      %parallel_loop3A_471 = tpu.vector_load_idx %arg7[%parallel_loop3A_468, %add3A_26] : memref<128x128xf32, #tpu.memory_space<vmem>>[vector<16xi32>, vector<16xi32>], vector<16xf32>,
      %parallel_loop3A_472 = tpu.vector_load_idx %arg7[%parallel_loop3A_468, %add3A_38] : memref<128x128xf32, #tpu.memory_space<vmem>>[vector<16xi32>, vector<16xi32>], vector<16xf32>,
      %parallel_loop3A_473 = tpu.vector_load_idx %arg7[%parallel_loop3A_468, %add3A_29] : memref<128x128xf32, #tpu.memory_space<vmem>>[vector<16xi32>, vector<16xi32>], vector<16xf32>,
      %parallel_loop3A_474 = tpu.vector_load_idx %arg7[%parallel_loop3A_468, %add3A_41] : memref<128x128xf32, #tpu.memory_space<vmem>>[vector<16xi32>, vector<16xi32>], vector<16xf32>,
      %parallel_loop3A_475 = tpu.vector_load_idx %arg7[%parallel_loop3A_468, %add3A_32] : memref<128x128xf32, #tpu.memory_space<vmem>>[vector<16xi32>, vector<16xi32>], vector<16xf32>,
      %parallel_loop3A_476 = tpu.vector_load_idx %arg7[%parallel_loop3A_468, %add3A_44] : memref<128x128xf32, #tpu.memory_space<vmem>>[vector<16xi32>, vector<16xi32>], vector<16xf32>,
      %parallel_loop3A_477 = arith.index_cast %parallel_loop3A_467 : i32 to index
      %parallel_loop3A_478 = arith.constant 0 : index
      %parallel_loop3A_479 = tpu.vector_load %arg9[%parallel_loop3A_477, %parallel_loop3A_478] {strides = array<i32>} : memref<128x64xf32, #tpu.memory_space<vmem>>, vector<16xf32>,
      tpu.vector_store %arg9[%parallel_loop3A_477, %parallel_loop3A_478], %parallel_loop3A_469 {strides = array<i32>} : memref<128x64xf32, #tpu.memory_space<vmem>>, vector<16xf32>,
      %parallel_loop3A_480 = arith.index_cast %parallel_loop3A_467 : i32 to index
      %parallel_loop3A_481 = arith.constant 0 : index
      %parallel_loop3A_482 = tpu.vector_load %arg11[%parallel_loop3A_480, %parallel_loop3A_481] {strides = array<i32>} : memref<128x64xf32, #tpu.memory_space<vmem>>, vector<16xf32>,
      tpu.vector_store %arg11[%parallel_loop3A_480, %parallel_loop3A_481], %parallel_loop3A_470 {strides = array<i32>} : memref<128x64xf32, #tpu.memory_space<vmem>>, vector<16xf32>,
      %parallel_loop3A_483 = arith.index_cast %parallel_loop3A_467 : i32 to index
      %parallel_loop3A_484 = arith.constant 16 : index
      %parallel_loop3A_485 = tpu.vector_load %arg9[%parallel_loop3A_483, %parallel_loop3A_484] {strides = array<i32>} : memref<128x64xf32, #tpu.memory_space<vmem>>, vector<16xf32>,
      tpu.vector_store %arg9[%parallel_loop3A_483, %parallel_loop3A_484], %parallel_loop3A_471 {strides = array<i32>} : memref<128x64xf32, #tpu.memory_space<vmem>>, vector<16xf32>,
      %parallel_loop3A_486 = arith.index_cast %parallel_loop3A_467 : i32 to index
      %parallel_loop3A_487 = arith.constant 16 : index
      %parallel_loop3A_488 = tpu.vector_load %arg11[%parallel_loop3A_486, %parallel_loop3A_487] {strides = array<i32>} : memref<128x64xf32, #tpu.memory_space<vmem>>, vector<16xf32>,
      tpu.vector_store %arg11[%parallel_loop3A_486, %parallel_loop3A_487], %parallel_loop3A_472 {strides = array<i32>} : memref<128x64xf32, #tpu.memory_space<vmem>>, vector<16xf32>,
      %parallel_loop3A_489 = arith.index_cast %parallel_loop3A_467 : i32 to index
      %parallel_loop3A_490 = arith.constant 32 : index
      %parallel_loop3A_491 = tpu.vector_load %arg9[%parallel_loop3A_489, %parallel_loop3A_490] {strides = array<i32>} : memref<128x64xf32, #tpu.memory_space<vmem>>, vector<16xf32>,
      tpu.vector_store %arg9[%parallel_loop3A_489, %parallel_loop3A_490], %parallel_loop3A_473 {strides = array<i32>} : memref<128x64xf32, #tpu.memory_space<vmem>>, vector<16xf32>,
      %parallel_loop3A_492 = arith.index_cast %parallel_loop3A_467 : i32 to index
      %parallel_loop3A_493 = arith.constant 32 : index
      %parallel_loop3A_494 = tpu.vector_load %arg11[%parallel_loop3A_492, %parallel_loop3A_493] {strides = array<i32>} : memref<128x64xf32, #tpu.memory_space<vmem>>, vector<16xf32>,
      tpu.vector_store %arg11[%parallel_loop3A_492, %parallel_loop3A_493], %parallel_loop3A_474 {strides = array<i32>} : memref<128x64xf32, #tpu.memory_space<vmem>>, vector<16xf32>,
      %parallel_loop3A_495 = arith.index_cast %parallel_loop3A_467 : i32 to index
      %parallel_loop3A_496 = arith.constant 48 : index
      %parallel_loop3A_497 = tpu.vector_load %arg9[%parallel_loop3A_495, %parallel_loop3A_496] {strides = array<i32>} : memref<128x64xf32, #tpu.memory_space<vmem>>, vector<16xf32>,
      tpu.vector_store %arg9[%parallel_loop3A_495, %parallel_loop3A_496], %parallel_loop3A_475 {strides = array<i32>} : memref<128x64xf32, #tpu.memory_space<vmem>>, vector<16xf32>,
      %parallel_loop3A_498 = arith.index_cast %parallel_loop3A_467 : i32 to index
      %parallel_loop3A_499 = arith.constant 48 : index
      %parallel_loop3A_500 = tpu.vector_load %arg11[%parallel_loop3A_498, %parallel_loop3A_499] {strides = array<i32>} : memref<128x64xf32, #tpu.memory_space<vmem>>, vector<16xf32>,
      tpu.vector_store %arg11[%parallel_loop3A_498, %parallel_loop3A_499], %parallel_loop3A_476 {strides = array<i32>} : memref<128x64xf32, #tpu.memory_space<vmem>>, vector<16xf32>,
    } {sc.loop_unroll_factor = 4 : i64, sc.parallel_access}
    %add3A_234 = arith.constant 256 : i32
    %add3A_235 = arith.addi %mul3A_2, %add3A_234 : i32
    %add3A_236 = arith.constant 0 : i32
    %add3A_237 = arith.addi %add3A_235, %add3A_236 : i32
    %dma_start3A_238 = arith.constant 0 : i32
    %dma_start3A_239 = arith.constant 0 : i32
    %dma_start3A_240 = tpu.memref_slice %arg9[%dma_start3A_238, %dma_start3A_239] : memref<128x64xf32, #tpu.memory_space<vmem>> -> memref<64x64xf32, #tpu.memory_space<vmem>>
    %dma_start3A_241 = arith.constant 0 : i32
    %dma_start3A_242 = tpu.memref_slice %arg4[%add3A_237, %dma_start3A_241] : memref<16384x64xf32, #tpu.memory_space<hbm>> -> memref<64x64xf32, #tpu.memory_space<hbm>>
    %dma_start3A_243 = arith.constant 0 : i32
    %dma_start3A_244 = tpu.memref_slice %arg4[%add3A_237, %dma_start3A_243] : memref<16384x64xf32, #tpu.memory_space<hbm>> -> memref<64x64xf32, #tpu.memory_space<hbm>>
    %dma_start3A_245 = arith.constant 0 : i32
    %dma_start3A_246 = arith.constant 0 : i32
    %dma_start3A_247 = tpu.memref_slice %arg9[%dma_start3A_245, %dma_start3A_246] : memref<128x64xf32, #tpu.memory_space<vmem>> -> memref<64x64xf32, #tpu.memory_space<vmem>>
    tpu.enqueue_dma source(%dma_start3A_247 : memref<64x64xf32, #tpu.memory_space<vmem>>) target(%dma_start3A_244 : memref<64x64xf32, #tpu.memory_space<hbm>>) target_semaphore(%arg14 : memref<!tpu.dma_semaphore, #tpu.memory_space<semaphore_mem>>)
    %dma_start3A_248 = arith.constant 0 : i32
    %dma_start3A_249 = arith.constant 0 : i32
    %dma_start3A_250 = tpu.memref_slice %arg11[%dma_start3A_248, %dma_start3A_249] : memref<128x64xf32, #tpu.memory_space<vmem>> -> memref<64x64xf32, #tpu.memory_space<vmem>>
    %dma_start3A_251 = arith.constant 0 : i32
    %dma_start3A_252 = tpu.memref_slice %arg5[%add3A_237, %dma_start3A_251] : memref<16384x64xf32, #tpu.memory_space<hbm>> -> memref<64x64xf32, #tpu.memory_space<hbm>>
    %dma_start3A_253 = arith.constant 0 : i32
    %dma_start3A_254 = tpu.memref_slice %arg5[%add3A_237, %dma_start3A_253] : memref<16384x64xf32, #tpu.memory_space<hbm>> -> memref<64x64xf32, #tpu.memory_space<hbm>>
    %dma_start3A_255 = arith.constant 0 : i32
    %dma_start3A_256 = arith.constant 0 : i32
    %dma_start3A_257 = tpu.memref_slice %arg11[%dma_start3A_255, %dma_start3A_256] : memref<128x64xf32, #tpu.memory_space<vmem>> -> memref<64x64xf32, #tpu.memory_space<vmem>>
    tpu.enqueue_dma source(%dma_start3A_257 : memref<64x64xf32, #tpu.memory_space<vmem>>) target(%dma_start3A_254 : memref<64x64xf32, #tpu.memory_space<hbm>>) target_semaphore(%arg14 : memref<!tpu.dma_semaphore, #tpu.memory_space<semaphore_mem>>)
    %parallel_loop3A_258 = arith.constant 64 : i32
    %parallel_loop3A_259 = arith.constant 128 : i32
    %parallel_loop3A_260 = arith.constant 1 : i32
    scf.for %parallel_loop3A_467 = %parallel_loop3A_258 to %parallel_loop3A_259 step %parallel_loop3A_260  : i32 {
      %parallel_loop3A_468 = vector.broadcast %parallel_loop3A_467 : i32 to vector<16xi32>
      %parallel_loop3A_469 = tpu.vector_load_idx %arg7[%parallel_loop3A_468, %add3A_23] : memref<128x128xf32, #tpu.memory_space<vmem>>[vector<16xi32>, vector<16xi32>], vector<16xf32>,
      %parallel_loop3A_470 = tpu.vector_load_idx %arg7[%parallel_loop3A_468, %add3A_35] : memref<128x128xf32, #tpu.memory_space<vmem>>[vector<16xi32>, vector<16xi32>], vector<16xf32>,
      %parallel_loop3A_471 = tpu.vector_load_idx %arg7[%parallel_loop3A_468, %add3A_26] : memref<128x128xf32, #tpu.memory_space<vmem>>[vector<16xi32>, vector<16xi32>], vector<16xf32>,
      %parallel_loop3A_472 = tpu.vector_load_idx %arg7[%parallel_loop3A_468, %add3A_38] : memref<128x128xf32, #tpu.memory_space<vmem>>[vector<16xi32>, vector<16xi32>], vector<16xf32>,
      %parallel_loop3A_473 = tpu.vector_load_idx %arg7[%parallel_loop3A_468, %add3A_29] : memref<128x128xf32, #tpu.memory_space<vmem>>[vector<16xi32>, vector<16xi32>], vector<16xf32>,
      %parallel_loop3A_474 = tpu.vector_load_idx %arg7[%parallel_loop3A_468, %add3A_41] : memref<128x128xf32, #tpu.memory_space<vmem>>[vector<16xi32>, vector<16xi32>], vector<16xf32>,
      %parallel_loop3A_475 = tpu.vector_load_idx %arg7[%parallel_loop3A_468, %add3A_32] : memref<128x128xf32, #tpu.memory_space<vmem>>[vector<16xi32>, vector<16xi32>], vector<16xf32>,
      %parallel_loop3A_476 = tpu.vector_load_idx %arg7[%parallel_loop3A_468, %add3A_44] : memref<128x128xf32, #tpu.memory_space<vmem>>[vector<16xi32>, vector<16xi32>], vector<16xf32>,
      %parallel_loop3A_477 = arith.index_cast %parallel_loop3A_467 : i32 to index
      %parallel_loop3A_478 = arith.constant 0 : index
      %parallel_loop3A_479 = tpu.vector_load %arg9[%parallel_loop3A_477, %parallel_loop3A_478] {strides = array<i32>} : memref<128x64xf32, #tpu.memory_space<vmem>>, vector<16xf32>,
      tpu.vector_store %arg9[%parallel_loop3A_477, %parallel_loop3A_478], %parallel_loop3A_469 {strides = array<i32>} : memref<128x64xf32, #tpu.memory_space<vmem>>, vector<16xf32>,
      %parallel_loop3A_480 = arith.index_cast %parallel_loop3A_467 : i32 to index
      %parallel_loop3A_481 = arith.constant 0 : index
      %parallel_loop3A_482 = tpu.vector_load %arg11[%parallel_loop3A_480, %parallel_loop3A_481] {strides = array<i32>} : memref<128x64xf32, #tpu.memory_space<vmem>>, vector<16xf32>,
      tpu.vector_store %arg11[%parallel_loop3A_480, %parallel_loop3A_481], %parallel_loop3A_470 {strides = array<i32>} : memref<128x64xf32, #tpu.memory_space<vmem>>, vector<16xf32>,
      %parallel_loop3A_483 = arith.index_cast %parallel_loop3A_467 : i32 to index
      %parallel_loop3A_484 = arith.constant 16 : index
      %parallel_loop3A_485 = tpu.vector_load %arg9[%parallel_loop3A_483, %parallel_loop3A_484] {strides = array<i32>} : memref<128x64xf32, #tpu.memory_space<vmem>>, vector<16xf32>,
      tpu.vector_store %arg9[%parallel_loop3A_483, %parallel_loop3A_484], %parallel_loop3A_471 {strides = array<i32>} : memref<128x64xf32, #tpu.memory_space<vmem>>, vector<16xf32>,
      %parallel_loop3A_486 = arith.index_cast %parallel_loop3A_467 : i32 to index
      %parallel_loop3A_487 = arith.constant 16 : index
      %parallel_loop3A_488 = tpu.vector_load %arg11[%parallel_loop3A_486, %parallel_loop3A_487] {strides = array<i32>} : memref<128x64xf32, #tpu.memory_space<vmem>>, vector<16xf32>,
      tpu.vector_store %arg11[%parallel_loop3A_486, %parallel_loop3A_487], %parallel_loop3A_472 {strides = array<i32>} : memref<128x64xf32, #tpu.memory_space<vmem>>, vector<16xf32>,
      %parallel_loop3A_489 = arith.index_cast %parallel_loop3A_467 : i32 to index
      %parallel_loop3A_490 = arith.constant 32 : index
      %parallel_loop3A_491 = tpu.vector_load %arg9[%parallel_loop3A_489, %parallel_loop3A_490] {strides = array<i32>} : memref<128x64xf32, #tpu.memory_space<vmem>>, vector<16xf32>,
      tpu.vector_store %arg9[%parallel_loop3A_489, %parallel_loop3A_490], %parallel_loop3A_473 {strides = array<i32>} : memref<128x64xf32, #tpu.memory_space<vmem>>, vector<16xf32>,
      %parallel_loop3A_492 = arith.index_cast %parallel_loop3A_467 : i32 to index
      %parallel_loop3A_493 = arith.constant 32 : index
      %parallel_loop3A_494 = tpu.vector_load %arg11[%parallel_loop3A_492, %parallel_loop3A_493] {strides = array<i32>} : memref<128x64xf32, #tpu.memory_space<vmem>>, vector<16xf32>,
      tpu.vector_store %arg11[%parallel_loop3A_492, %parallel_loop3A_493], %parallel_loop3A_474 {strides = array<i32>} : memref<128x64xf32, #tpu.memory_space<vmem>>, vector<16xf32>,
      %parallel_loop3A_495 = arith.index_cast %parallel_loop3A_467 : i32 to index
      %parallel_loop3A_496 = arith.constant 48 : index
      %parallel_loop3A_497 = tpu.vector_load %arg9[%parallel_loop3A_495, %parallel_loop3A_496] {strides = array<i32>} : memref<128x64xf32, #tpu.memory_space<vmem>>, vector<16xf32>,
      tpu.vector_store %arg9[%parallel_loop3A_495, %parallel_loop3A_496], %parallel_loop3A_475 {strides = array<i32>} : memref<128x64xf32, #tpu.memory_space<vmem>>, vector<16xf32>,
      %parallel_loop3A_498 = arith.index_cast %parallel_loop3A_467 : i32 to index
      %parallel_loop3A_499 = arith.constant 48 : index
      %parallel_loop3A_500 = tpu.vector_load %arg11[%parallel_loop3A_498, %parallel_loop3A_499] {strides = array<i32>} : memref<128x64xf32, #tpu.memory_space<vmem>>, vector<16xf32>,
      tpu.vector_store %arg11[%parallel_loop3A_498, %parallel_loop3A_499], %parallel_loop3A_476 {strides = array<i32>} : memref<128x64xf32, #tpu.memory_space<vmem>>, vector<16xf32>,
    } {sc.loop_unroll_factor = 4 : i64, sc.parallel_access}
    %add3A_261 = arith.constant 256 : i32
    %add3A_262 = arith.addi %mul3A_2, %add3A_261 : i32
    %add3A_263 = arith.constant 64 : i32
    %add3A_264 = arith.addi %add3A_262, %add3A_263 : i32
    %dma_start3A_265 = arith.constant 64 : i32
    %dma_start3A_266 = arith.constant 0 : i32
    %dma_start3A_267 = tpu.memref_slice %arg9[%dma_start3A_265, %dma_start3A_266] : memref<128x64xf32, #tpu.memory_space<vmem>> -> memref<64x64xf32, #tpu.memory_space<vmem>>
    %dma_start3A_268 = arith.constant 0 : i32
    %dma_start3A_269 = tpu.memref_slice %arg4[%add3A_264, %dma_start3A_268] : memref<16384x64xf32, #tpu.memory_space<hbm>> -> memref<64x64xf32, #tpu.memory_space<hbm>>
    %dma_start3A_270 = arith.constant 0 : i32
    %dma_start3A_271 = tpu.memref_slice %arg4[%add3A_264, %dma_start3A_270] : memref<16384x64xf32, #tpu.memory_space<hbm>> -> memref<64x64xf32, #tpu.memory_space<hbm>>
    %dma_start3A_272 = arith.constant 64 : i32
    %dma_start3A_273 = arith.constant 0 : i32
    %dma_start3A_274 = tpu.memref_slice %arg9[%dma_start3A_272, %dma_start3A_273] : memref<128x64xf32, #tpu.memory_space<vmem>> -> memref<64x64xf32, #tpu.memory_space<vmem>>
    tpu.enqueue_dma source(%dma_start3A_274 : memref<64x64xf32, #tpu.memory_space<vmem>>) target(%dma_start3A_271 : memref<64x64xf32, #tpu.memory_space<hbm>>) target_semaphore(%arg14 : memref<!tpu.dma_semaphore, #tpu.memory_space<semaphore_mem>>)
    %dma_start3A_275 = arith.constant 64 : i32
    %dma_start3A_276 = arith.constant 0 : i32
    %dma_start3A_277 = tpu.memref_slice %arg11[%dma_start3A_275, %dma_start3A_276] : memref<128x64xf32, #tpu.memory_space<vmem>> -> memref<64x64xf32, #tpu.memory_space<vmem>>
    %dma_start3A_278 = arith.constant 0 : i32
    %dma_start3A_279 = tpu.memref_slice %arg5[%add3A_264, %dma_start3A_278] : memref<16384x64xf32, #tpu.memory_space<hbm>> -> memref<64x64xf32, #tpu.memory_space<hbm>>
    %dma_start3A_280 = arith.constant 0 : i32
    %dma_start3A_281 = tpu.memref_slice %arg5[%add3A_264, %dma_start3A_280] : memref<16384x64xf32, #tpu.memory_space<hbm>> -> memref<64x64xf32, #tpu.memory_space<hbm>>
    %dma_start3A_282 = arith.constant 64 : i32
    %dma_start3A_283 = arith.constant 0 : i32
    %dma_start3A_284 = tpu.memref_slice %arg11[%dma_start3A_282, %dma_start3A_283] : memref<128x64xf32, #tpu.memory_space<vmem>> -> memref<64x64xf32, #tpu.memory_space<vmem>>
    tpu.enqueue_dma source(%dma_start3A_284 : memref<64x64xf32, #tpu.memory_space<vmem>>) target(%dma_start3A_281 : memref<64x64xf32, #tpu.memory_space<hbm>>) target_semaphore(%arg14 : memref<!tpu.dma_semaphore, #tpu.memory_space<semaphore_mem>>)
    %dma_wait3A_285 = arith.constant 3 : i32
    %dma_wait3A_286 = arith.constant 384 : i32
    %dma_wait3A_287 = tpu.memref_slice %arg6[%dma_wait3A_286] : memref<512xi32, #tpu.memory_space<vmem>> -> memref<128xi32, #tpu.memory_space<vmem>>
    %dma_wait3A_288 = arith.constant 0 : i32
    %dma_wait3A_289 = arith.constant 0 : i32
    %dma_wait3A_290 = tpu.memref_slice %arg3[%dma_wait3A_288, %dma_wait3A_289] : memref<100000x128xf32, #tpu.memory_space<hbm>> -> memref<100000x128xf32, #tpu.memory_space<hbm>>
    %dma_wait3A_291 = tpu.memref_slice %arg13[%dma_wait3A_285] : memref<4x!tpu.dma_semaphore, #tpu.memory_space<semaphore_mem>> -> memref<1x!tpu.dma_semaphore, #tpu.memory_space<semaphore_mem>>
    %dma_wait3A_292 = tpu.memref_squeeze %dma_wait3A_291 : memref<1x!tpu.dma_semaphore, #tpu.memory_space<semaphore_mem>> -> memref<!tpu.dma_semaphore, #tpu.memory_space<semaphore_mem>>
    tpu.wait_indirect_dma semaphore(%dma_wait3A_292 : memref<!tpu.dma_semaphore, #tpu.memory_space<semaphore_mem>>) src(%dma_wait3A_290 : memref<100000x128xf32, #tpu.memory_space<hbm>>) dst(%arg8 : memref<128x128xf32, #tpu.memory_space<vmem>>)
    %dma_wait3A_293 = arith.constant 0 : i32
    %dma_wait3A_294 = arith.constant 0 : i32
    %dma_wait3A_295 = tpu.memref_slice %arg10[%dma_wait3A_293, %dma_wait3A_294] : memref<128x64xf32, #tpu.memory_space<vmem>> -> memref<64x64xf32, #tpu.memory_space<vmem>>
    %dma_wait3A_296 = arith.constant 0 : i32
    %dma_wait3A_297 = tpu.memref_slice %arg4[%add3A_127, %dma_wait3A_296] : memref<16384x64xf32, #tpu.memory_space<hbm>> -> memref<64x64xf32, #tpu.memory_space<hbm>>
    %dma_wait3A_298 = arith.constant 0 : i32
    %dma_wait3A_299 = tpu.memref_slice %arg4[%add3A_127, %dma_wait3A_298] : memref<16384x64xf32, #tpu.memory_space<hbm>> -> memref<64x64xf32, #tpu.memory_space<hbm>>
    %dma_wait3A_300 = arith.constant 0 : i32
    %dma_wait3A_301 = arith.constant 0 : i32
    %dma_wait3A_302 = tpu.memref_slice %arg10[%dma_wait3A_300, %dma_wait3A_301] : memref<128x64xf32, #tpu.memory_space<vmem>> -> memref<64x64xf32, #tpu.memory_space<vmem>>
    tpu.wait_dma2 semaphore(%arg14 : memref<!tpu.dma_semaphore, #tpu.memory_space<semaphore_mem>>) src(%dma_wait3A_302 : memref<64x64xf32, #tpu.memory_space<vmem>>) dst(%dma_wait3A_299 : memref<64x64xf32, #tpu.memory_space<hbm>>)
    %dma_wait3A_303 = arith.constant 0 : i32
    %dma_wait3A_304 = arith.constant 0 : i32
    %dma_wait3A_305 = tpu.memref_slice %arg12[%dma_wait3A_303, %dma_wait3A_304] : memref<128x64xf32, #tpu.memory_space<vmem>> -> memref<64x64xf32, #tpu.memory_space<vmem>>
    %dma_wait3A_306 = arith.constant 0 : i32
    %dma_wait3A_307 = tpu.memref_slice %arg5[%add3A_127, %dma_wait3A_306] : memref<16384x64xf32, #tpu.memory_space<hbm>> -> memref<64x64xf32, #tpu.memory_space<hbm>>
    %dma_wait3A_308 = arith.constant 0 : i32
    %dma_wait3A_309 = tpu.memref_slice %arg5[%add3A_127, %dma_wait3A_308] : memref<16384x64xf32, #tpu.memory_space<hbm>> -> memref<64x64xf32, #tpu.memory_space<hbm>>
    %dma_wait3A_310 = arith.constant 0 : i32
    %dma_wait3A_311 = arith.constant 0 : i32
    %dma_wait3A_312 = tpu.memref_slice %arg12[%dma_wait3A_310, %dma_wait3A_311] : memref<128x64xf32, #tpu.memory_space<vmem>> -> memref<64x64xf32, #tpu.memory_space<vmem>>
    tpu.wait_dma2 semaphore(%arg14 : memref<!tpu.dma_semaphore, #tpu.memory_space<semaphore_mem>>) src(%dma_wait3A_312 : memref<64x64xf32, #tpu.memory_space<vmem>>) dst(%dma_wait3A_309 : memref<64x64xf32, #tpu.memory_space<hbm>>)
    %dma_wait3A_313 = arith.constant 64 : i32
    %dma_wait3A_314 = arith.constant 0 : i32
    %dma_wait3A_315 = tpu.memref_slice %arg10[%dma_wait3A_313, %dma_wait3A_314] : memref<128x64xf32, #tpu.memory_space<vmem>> -> memref<64x64xf32, #tpu.memory_space<vmem>>
    %dma_wait3A_316 = arith.constant 0 : i32
    %dma_wait3A_317 = tpu.memref_slice %arg4[%add3A_154, %dma_wait3A_316] : memref<16384x64xf32, #tpu.memory_space<hbm>> -> memref<64x64xf32, #tpu.memory_space<hbm>>
    %dma_wait3A_318 = arith.constant 0 : i32
    %dma_wait3A_319 = tpu.memref_slice %arg4[%add3A_154, %dma_wait3A_318] : memref<16384x64xf32, #tpu.memory_space<hbm>> -> memref<64x64xf32, #tpu.memory_space<hbm>>
    %dma_wait3A_320 = arith.constant 64 : i32
    %dma_wait3A_321 = arith.constant 0 : i32
    %dma_wait3A_322 = tpu.memref_slice %arg10[%dma_wait3A_320, %dma_wait3A_321] : memref<128x64xf32, #tpu.memory_space<vmem>> -> memref<64x64xf32, #tpu.memory_space<vmem>>
    tpu.wait_dma2 semaphore(%arg14 : memref<!tpu.dma_semaphore, #tpu.memory_space<semaphore_mem>>) src(%dma_wait3A_322 : memref<64x64xf32, #tpu.memory_space<vmem>>) dst(%dma_wait3A_319 : memref<64x64xf32, #tpu.memory_space<hbm>>)
    %dma_wait3A_323 = arith.constant 64 : i32
    %dma_wait3A_324 = arith.constant 0 : i32
    %dma_wait3A_325 = tpu.memref_slice %arg12[%dma_wait3A_323, %dma_wait3A_324] : memref<128x64xf32, #tpu.memory_space<vmem>> -> memref<64x64xf32, #tpu.memory_space<vmem>>
    %dma_wait3A_326 = arith.constant 0 : i32
    %dma_wait3A_327 = tpu.memref_slice %arg5[%add3A_154, %dma_wait3A_326] : memref<16384x64xf32, #tpu.memory_space<hbm>> -> memref<64x64xf32, #tpu.memory_space<hbm>>
    %dma_wait3A_328 = arith.constant 0 : i32
    %dma_wait3A_329 = tpu.memref_slice %arg5[%add3A_154, %dma_wait3A_328] : memref<16384x64xf32, #tpu.memory_space<hbm>> -> memref<64x64xf32, #tpu.memory_space<hbm>>
    %dma_wait3A_330 = arith.constant 64 : i32
    %dma_wait3A_331 = arith.constant 0 : i32
    %dma_wait3A_332 = tpu.memref_slice %arg12[%dma_wait3A_330, %dma_wait3A_331] : memref<128x64xf32, #tpu.memory_space<vmem>> -> memref<64x64xf32, #tpu.memory_space<vmem>>
    tpu.wait_dma2 semaphore(%arg14 : memref<!tpu.dma_semaphore, #tpu.memory_space<semaphore_mem>>) src(%dma_wait3A_332 : memref<64x64xf32, #tpu.memory_space<vmem>>) dst(%dma_wait3A_329 : memref<64x64xf32, #tpu.memory_space<hbm>>)
    %parallel_loop3A_333 = arith.constant 0 : i32
    %parallel_loop3A_334 = arith.constant 64 : i32
    %parallel_loop3A_335 = arith.constant 1 : i32
    scf.for %parallel_loop3A_467 = %parallel_loop3A_333 to %parallel_loop3A_334 step %parallel_loop3A_335  : i32 {
      %parallel_loop3A_468 = vector.broadcast %parallel_loop3A_467 : i32 to vector<16xi32>
      %parallel_loop3A_469 = tpu.vector_load_idx %arg8[%parallel_loop3A_468, %add3A_23] : memref<128x128xf32, #tpu.memory_space<vmem>>[vector<16xi32>, vector<16xi32>], vector<16xf32>,
      %parallel_loop3A_470 = tpu.vector_load_idx %arg8[%parallel_loop3A_468, %add3A_35] : memref<128x128xf32, #tpu.memory_space<vmem>>[vector<16xi32>, vector<16xi32>], vector<16xf32>,
      %parallel_loop3A_471 = tpu.vector_load_idx %arg8[%parallel_loop3A_468, %add3A_26] : memref<128x128xf32, #tpu.memory_space<vmem>>[vector<16xi32>, vector<16xi32>], vector<16xf32>,
      %parallel_loop3A_472 = tpu.vector_load_idx %arg8[%parallel_loop3A_468, %add3A_38] : memref<128x128xf32, #tpu.memory_space<vmem>>[vector<16xi32>, vector<16xi32>], vector<16xf32>,
      %parallel_loop3A_473 = tpu.vector_load_idx %arg8[%parallel_loop3A_468, %add3A_29] : memref<128x128xf32, #tpu.memory_space<vmem>>[vector<16xi32>, vector<16xi32>], vector<16xf32>,
      %parallel_loop3A_474 = tpu.vector_load_idx %arg8[%parallel_loop3A_468, %add3A_41] : memref<128x128xf32, #tpu.memory_space<vmem>>[vector<16xi32>, vector<16xi32>], vector<16xf32>,
      %parallel_loop3A_475 = tpu.vector_load_idx %arg8[%parallel_loop3A_468, %add3A_32] : memref<128x128xf32, #tpu.memory_space<vmem>>[vector<16xi32>, vector<16xi32>], vector<16xf32>,
      %parallel_loop3A_476 = tpu.vector_load_idx %arg8[%parallel_loop3A_468, %add3A_44] : memref<128x128xf32, #tpu.memory_space<vmem>>[vector<16xi32>, vector<16xi32>], vector<16xf32>,
      %parallel_loop3A_477 = arith.index_cast %parallel_loop3A_467 : i32 to index
      %parallel_loop3A_478 = arith.constant 0 : index
      %parallel_loop3A_479 = tpu.vector_load %arg10[%parallel_loop3A_477, %parallel_loop3A_478] {strides = array<i32>} : memref<128x64xf32, #tpu.memory_space<vmem>>, vector<16xf32>,
      tpu.vector_store %arg10[%parallel_loop3A_477, %parallel_loop3A_478], %parallel_loop3A_469 {strides = array<i32>} : memref<128x64xf32, #tpu.memory_space<vmem>>, vector<16xf32>,
      %parallel_loop3A_480 = arith.index_cast %parallel_loop3A_467 : i32 to index
      %parallel_loop3A_481 = arith.constant 0 : index
      %parallel_loop3A_482 = tpu.vector_load %arg12[%parallel_loop3A_480, %parallel_loop3A_481] {strides = array<i32>} : memref<128x64xf32, #tpu.memory_space<vmem>>, vector<16xf32>,
      tpu.vector_store %arg12[%parallel_loop3A_480, %parallel_loop3A_481], %parallel_loop3A_470 {strides = array<i32>} : memref<128x64xf32, #tpu.memory_space<vmem>>, vector<16xf32>,
      %parallel_loop3A_483 = arith.index_cast %parallel_loop3A_467 : i32 to index
      %parallel_loop3A_484 = arith.constant 16 : index
      %parallel_loop3A_485 = tpu.vector_load %arg10[%parallel_loop3A_483, %parallel_loop3A_484] {strides = array<i32>} : memref<128x64xf32, #tpu.memory_space<vmem>>, vector<16xf32>,
      tpu.vector_store %arg10[%parallel_loop3A_483, %parallel_loop3A_484], %parallel_loop3A_471 {strides = array<i32>} : memref<128x64xf32, #tpu.memory_space<vmem>>, vector<16xf32>,
      %parallel_loop3A_486 = arith.index_cast %parallel_loop3A_467 : i32 to index
      %parallel_loop3A_487 = arith.constant 16 : index
      %parallel_loop3A_488 = tpu.vector_load %arg12[%parallel_loop3A_486, %parallel_loop3A_487] {strides = array<i32>} : memref<128x64xf32, #tpu.memory_space<vmem>>, vector<16xf32>,
      tpu.vector_store %arg12[%parallel_loop3A_486, %parallel_loop3A_487], %parallel_loop3A_472 {strides = array<i32>} : memref<128x64xf32, #tpu.memory_space<vmem>>, vector<16xf32>,
      %parallel_loop3A_489 = arith.index_cast %parallel_loop3A_467 : i32 to index
      %parallel_loop3A_490 = arith.constant 32 : index
      %parallel_loop3A_491 = tpu.vector_load %arg10[%parallel_loop3A_489, %parallel_loop3A_490] {strides = array<i32>} : memref<128x64xf32, #tpu.memory_space<vmem>>, vector<16xf32>,
      tpu.vector_store %arg10[%parallel_loop3A_489, %parallel_loop3A_490], %parallel_loop3A_473 {strides = array<i32>} : memref<128x64xf32, #tpu.memory_space<vmem>>, vector<16xf32>,
      %parallel_loop3A_492 = arith.index_cast %parallel_loop3A_467 : i32 to index
      %parallel_loop3A_493 = arith.constant 32 : index
      %parallel_loop3A_494 = tpu.vector_load %arg12[%parallel_loop3A_492, %parallel_loop3A_493] {strides = array<i32>} : memref<128x64xf32, #tpu.memory_space<vmem>>, vector<16xf32>,
      tpu.vector_store %arg12[%parallel_loop3A_492, %parallel_loop3A_493], %parallel_loop3A_474 {strides = array<i32>} : memref<128x64xf32, #tpu.memory_space<vmem>>, vector<16xf32>,
      %parallel_loop3A_495 = arith.index_cast %parallel_loop3A_467 : i32 to index
      %parallel_loop3A_496 = arith.constant 48 : index
      %parallel_loop3A_497 = tpu.vector_load %arg10[%parallel_loop3A_495, %parallel_loop3A_496] {strides = array<i32>} : memref<128x64xf32, #tpu.memory_space<vmem>>, vector<16xf32>,
      tpu.vector_store %arg10[%parallel_loop3A_495, %parallel_loop3A_496], %parallel_loop3A_475 {strides = array<i32>} : memref<128x64xf32, #tpu.memory_space<vmem>>, vector<16xf32>,
      %parallel_loop3A_498 = arith.index_cast %parallel_loop3A_467 : i32 to index
      %parallel_loop3A_499 = arith.constant 48 : index
      %parallel_loop3A_500 = tpu.vector_load %arg12[%parallel_loop3A_498, %parallel_loop3A_499] {strides = array<i32>} : memref<128x64xf32, #tpu.memory_space<vmem>>, vector<16xf32>,
      tpu.vector_store %arg12[%parallel_loop3A_498, %parallel_loop3A_499], %parallel_loop3A_476 {strides = array<i32>} : memref<128x64xf32, #tpu.memory_space<vmem>>, vector<16xf32>,
    } {sc.loop_unroll_factor = 4 : i64, sc.parallel_access}
    %add3A_336 = arith.constant 384 : i32
    %add3A_337 = arith.addi %mul3A_2, %add3A_336 : i32
    %add3A_338 = arith.constant 0 : i32
    %add3A_339 = arith.addi %add3A_337, %add3A_338 : i32
    %dma_start3A_340 = arith.constant 0 : i32
    %dma_start3A_341 = arith.constant 0 : i32
    %dma_start3A_342 = tpu.memref_slice %arg10[%dma_start3A_340, %dma_start3A_341] : memref<128x64xf32, #tpu.memory_space<vmem>> -> memref<64x64xf32, #tpu.memory_space<vmem>>
    %dma_start3A_343 = arith.constant 0 : i32
    %dma_start3A_344 = tpu.memref_slice %arg4[%add3A_339, %dma_start3A_343] : memref<16384x64xf32, #tpu.memory_space<hbm>> -> memref<64x64xf32, #tpu.memory_space<hbm>>
    %dma_start3A_345 = arith.constant 0 : i32
    %dma_start3A_346 = tpu.memref_slice %arg4[%add3A_339, %dma_start3A_345] : memref<16384x64xf32, #tpu.memory_space<hbm>> -> memref<64x64xf32, #tpu.memory_space<hbm>>
    %dma_start3A_347 = arith.constant 0 : i32
    %dma_start3A_348 = arith.constant 0 : i32
    %dma_start3A_349 = tpu.memref_slice %arg10[%dma_start3A_347, %dma_start3A_348] : memref<128x64xf32, #tpu.memory_space<vmem>> -> memref<64x64xf32, #tpu.memory_space<vmem>>
    tpu.enqueue_dma source(%dma_start3A_349 : memref<64x64xf32, #tpu.memory_space<vmem>>) target(%dma_start3A_346 : memref<64x64xf32, #tpu.memory_space<hbm>>) target_semaphore(%arg14 : memref<!tpu.dma_semaphore, #tpu.memory_space<semaphore_mem>>)
    %dma_start3A_350 = arith.constant 0 : i32
    %dma_start3A_351 = arith.constant 0 : i32
    %dma_start3A_352 = tpu.memref_slice %arg12[%dma_start3A_350, %dma_start3A_351] : memref<128x64xf32, #tpu.memory_space<vmem>> -> memref<64x64xf32, #tpu.memory_space<vmem>>
    %dma_start3A_353 = arith.constant 0 : i32
    %dma_start3A_354 = tpu.memref_slice %arg5[%add3A_339, %dma_start3A_353] : memref<16384x64xf32, #tpu.memory_space<hbm>> -> memref<64x64xf32, #tpu.memory_space<hbm>>
    %dma_start3A_355 = arith.constant 0 : i32
    %dma_start3A_356 = tpu.memref_slice %arg5[%add3A_339, %dma_start3A_355] : memref<16384x64xf32, #tpu.memory_space<hbm>> -> memref<64x64xf32, #tpu.memory_space<hbm>>
    %dma_start3A_357 = arith.constant 0 : i32
    %dma_start3A_358 = arith.constant 0 : i32
    %dma_start3A_359 = tpu.memref_slice %arg12[%dma_start3A_357, %dma_start3A_358] : memref<128x64xf32, #tpu.memory_space<vmem>> -> memref<64x64xf32, #tpu.memory_space<vmem>>
    tpu.enqueue_dma source(%dma_start3A_359 : memref<64x64xf32, #tpu.memory_space<vmem>>) target(%dma_start3A_356 : memref<64x64xf32, #tpu.memory_space<hbm>>) target_semaphore(%arg14 : memref<!tpu.dma_semaphore, #tpu.memory_space<semaphore_mem>>)
    %parallel_loop3A_360 = arith.constant 64 : i32
    %parallel_loop3A_361 = arith.constant 128 : i32
    %parallel_loop3A_362 = arith.constant 1 : i32
    scf.for %parallel_loop3A_467 = %parallel_loop3A_360 to %parallel_loop3A_361 step %parallel_loop3A_362  : i32 {
      %parallel_loop3A_468 = vector.broadcast %parallel_loop3A_467 : i32 to vector<16xi32>
      %parallel_loop3A_469 = tpu.vector_load_idx %arg8[%parallel_loop3A_468, %add3A_23] : memref<128x128xf32, #tpu.memory_space<vmem>>[vector<16xi32>, vector<16xi32>], vector<16xf32>,
      %parallel_loop3A_470 = tpu.vector_load_idx %arg8[%parallel_loop3A_468, %add3A_35] : memref<128x128xf32, #tpu.memory_space<vmem>>[vector<16xi32>, vector<16xi32>], vector<16xf32>,
      %parallel_loop3A_471 = tpu.vector_load_idx %arg8[%parallel_loop3A_468, %add3A_26] : memref<128x128xf32, #tpu.memory_space<vmem>>[vector<16xi32>, vector<16xi32>], vector<16xf32>,
      %parallel_loop3A_472 = tpu.vector_load_idx %arg8[%parallel_loop3A_468, %add3A_38] : memref<128x128xf32, #tpu.memory_space<vmem>>[vector<16xi32>, vector<16xi32>], vector<16xf32>,
      %parallel_loop3A_473 = tpu.vector_load_idx %arg8[%parallel_loop3A_468, %add3A_29] : memref<128x128xf32, #tpu.memory_space<vmem>>[vector<16xi32>, vector<16xi32>], vector<16xf32>,
      %parallel_loop3A_474 = tpu.vector_load_idx %arg8[%parallel_loop3A_468, %add3A_41] : memref<128x128xf32, #tpu.memory_space<vmem>>[vector<16xi32>, vector<16xi32>], vector<16xf32>,
      %parallel_loop3A_475 = tpu.vector_load_idx %arg8[%parallel_loop3A_468, %add3A_32] : memref<128x128xf32, #tpu.memory_space<vmem>>[vector<16xi32>, vector<16xi32>], vector<16xf32>,
      %parallel_loop3A_476 = tpu.vector_load_idx %arg8[%parallel_loop3A_468, %add3A_44] : memref<128x128xf32, #tpu.memory_space<vmem>>[vector<16xi32>, vector<16xi32>], vector<16xf32>,
      %parallel_loop3A_477 = arith.index_cast %parallel_loop3A_467 : i32 to index
      %parallel_loop3A_478 = arith.constant 0 : index
      %parallel_loop3A_479 = tpu.vector_load %arg10[%parallel_loop3A_477, %parallel_loop3A_478] {strides = array<i32>} : memref<128x64xf32, #tpu.memory_space<vmem>>, vector<16xf32>,
      tpu.vector_store %arg10[%parallel_loop3A_477, %parallel_loop3A_478], %parallel_loop3A_469 {strides = array<i32>} : memref<128x64xf32, #tpu.memory_space<vmem>>, vector<16xf32>,
      %parallel_loop3A_480 = arith.index_cast %parallel_loop3A_467 : i32 to index
      %parallel_loop3A_481 = arith.constant 0 : index
      %parallel_loop3A_482 = tpu.vector_load %arg12[%parallel_loop3A_480, %parallel_loop3A_481] {strides = array<i32>} : memref<128x64xf32, #tpu.memory_space<vmem>>, vector<16xf32>,
      tpu.vector_store %arg12[%parallel_loop3A_480, %parallel_loop3A_481], %parallel_loop3A_470 {strides = array<i32>} : memref<128x64xf32, #tpu.memory_space<vmem>>, vector<16xf32>,
      %parallel_loop3A_483 = arith.index_cast %parallel_loop3A_467 : i32 to index
      %parallel_loop3A_484 = arith.constant 16 : index
      %parallel_loop3A_485 = tpu.vector_load %arg10[%parallel_loop3A_483, %parallel_loop3A_484] {strides = array<i32>} : memref<128x64xf32, #tpu.memory_space<vmem>>, vector<16xf32>,
      tpu.vector_store %arg10[%parallel_loop3A_483, %parallel_loop3A_484], %parallel_loop3A_471 {strides = array<i32>} : memref<128x64xf32, #tpu.memory_space<vmem>>, vector<16xf32>,
      %parallel_loop3A_486 = arith.index_cast %parallel_loop3A_467 : i32 to index
      %parallel_loop3A_487 = arith.constant 16 : index
      %parallel_loop3A_488 = tpu.vector_load %arg12[%parallel_loop3A_486, %parallel_loop3A_487] {strides = array<i32>} : memref<128x64xf32, #tpu.memory_space<vmem>>, vector<16xf32>,
      tpu.vector_store %arg12[%parallel_loop3A_486, %parallel_loop3A_487], %parallel_loop3A_472 {strides = array<i32>} : memref<128x64xf32, #tpu.memory_space<vmem>>, vector<16xf32>,
      %parallel_loop3A_489 = arith.index_cast %parallel_loop3A_467 : i32 to index
      %parallel_loop3A_490 = arith.constant 32 : index
      %parallel_loop3A_491 = tpu.vector_load %arg10[%parallel_loop3A_489, %parallel_loop3A_490] {strides = array<i32>} : memref<128x64xf32, #tpu.memory_space<vmem>>, vector<16xf32>,
      tpu.vector_store %arg10[%parallel_loop3A_489, %parallel_loop3A_490], %parallel_loop3A_473 {strides = array<i32>} : memref<128x64xf32, #tpu.memory_space<vmem>>, vector<16xf32>,
      %parallel_loop3A_492 = arith.index_cast %parallel_loop3A_467 : i32 to index
      %parallel_loop3A_493 = arith.constant 32 : index
      %parallel_loop3A_494 = tpu.vector_load %arg12[%parallel_loop3A_492, %parallel_loop3A_493] {strides = array<i32>} : memref<128x64xf32, #tpu.memory_space<vmem>>, vector<16xf32>,
      tpu.vector_store %arg12[%parallel_loop3A_492, %parallel_loop3A_493], %parallel_loop3A_474 {strides = array<i32>} : memref<128x64xf32, #tpu.memory_space<vmem>>, vector<16xf32>,
      %parallel_loop3A_495 = arith.index_cast %parallel_loop3A_467 : i32 to index
      %parallel_loop3A_496 = arith.constant 48 : index
      %parallel_loop3A_497 = tpu.vector_load %arg10[%parallel_loop3A_495, %parallel_loop3A_496] {strides = array<i32>} : memref<128x64xf32, #tpu.memory_space<vmem>>, vector<16xf32>,
      tpu.vector_store %arg10[%parallel_loop3A_495, %parallel_loop3A_496], %parallel_loop3A_475 {strides = array<i32>} : memref<128x64xf32, #tpu.memory_space<vmem>>, vector<16xf32>,
      %parallel_loop3A_498 = arith.index_cast %parallel_loop3A_467 : i32 to index
      %parallel_loop3A_499 = arith.constant 48 : index
      %parallel_loop3A_500 = tpu.vector_load %arg12[%parallel_loop3A_498, %parallel_loop3A_499] {strides = array<i32>} : memref<128x64xf32, #tpu.memory_space<vmem>>, vector<16xf32>,
      tpu.vector_store %arg12[%parallel_loop3A_498, %parallel_loop3A_499], %parallel_loop3A_476 {strides = array<i32>} : memref<128x64xf32, #tpu.memory_space<vmem>>, vector<16xf32>,
    } {sc.loop_unroll_factor = 4 : i64, sc.parallel_access}
    %add3A_363 = arith.constant 384 : i32
    %add3A_364 = arith.addi %mul3A_2, %add3A_363 : i32
    %add3A_365 = arith.constant 64 : i32
    %add3A_366 = arith.addi %add3A_364, %add3A_365 : i32
    %dma_start3A_367 = arith.constant 64 : i32
    %dma_start3A_368 = arith.constant 0 : i32
    %dma_start3A_369 = tpu.memref_slice %arg10[%dma_start3A_367, %dma_start3A_368] : memref<128x64xf32, #tpu.memory_space<vmem>> -> memref<64x64xf32, #tpu.memory_space<vmem>>
    %dma_start3A_370 = arith.constant 0 : i32
    %dma_start3A_371 = tpu.memref_slice %arg4[%add3A_366, %dma_start3A_370] : memref<16384x64xf32, #tpu.memory_space<hbm>> -> memref<64x64xf32, #tpu.memory_space<hbm>>
    %dma_start3A_372 = arith.constant 0 : i32
    %dma_start3A_373 = tpu.memref_slice %arg4[%add3A_366, %dma_start3A_372] : memref<16384x64xf32, #tpu.memory_space<hbm>> -> memref<64x64xf32, #tpu.memory_space<hbm>>
    %dma_start3A_374 = arith.constant 64 : i32
    %dma_start3A_375 = arith.constant 0 : i32
    %dma_start3A_376 = tpu.memref_slice %arg10[%dma_start3A_374, %dma_start3A_375] : memref<128x64xf32, #tpu.memory_space<vmem>> -> memref<64x64xf32, #tpu.memory_space<vmem>>
    tpu.enqueue_dma source(%dma_start3A_376 : memref<64x64xf32, #tpu.memory_space<vmem>>) target(%dma_start3A_373 : memref<64x64xf32, #tpu.memory_space<hbm>>) target_semaphore(%arg14 : memref<!tpu.dma_semaphore, #tpu.memory_space<semaphore_mem>>)
    %dma_start3A_377 = arith.constant 64 : i32
    %dma_start3A_378 = arith.constant 0 : i32
    %dma_start3A_379 = tpu.memref_slice %arg12[%dma_start3A_377, %dma_start3A_378] : memref<128x64xf32, #tpu.memory_space<vmem>> -> memref<64x64xf32, #tpu.memory_space<vmem>>
    %dma_start3A_380 = arith.constant 0 : i32
    %dma_start3A_381 = tpu.memref_slice %arg5[%add3A_366, %dma_start3A_380] : memref<16384x64xf32, #tpu.memory_space<hbm>> -> memref<64x64xf32, #tpu.memory_space<hbm>>
    %dma_start3A_382 = arith.constant 0 : i32
    %dma_start3A_383 = tpu.memref_slice %arg5[%add3A_366, %dma_start3A_382] : memref<16384x64xf32, #tpu.memory_space<hbm>> -> memref<64x64xf32, #tpu.memory_space<hbm>>
    %dma_start3A_384 = arith.constant 64 : i32
    %dma_start3A_385 = arith.constant 0 : i32
    %dma_start3A_386 = tpu.memref_slice %arg12[%dma_start3A_384, %dma_start3A_385] : memref<128x64xf32, #tpu.memory_space<vmem>> -> memref<64x64xf32, #tpu.memory_space<vmem>>
    tpu.enqueue_dma source(%dma_start3A_386 : memref<64x64xf32, #tpu.memory_space<vmem>>) target(%dma_start3A_383 : memref<64x64xf32, #tpu.memory_space<hbm>>) target_semaphore(%arg14 : memref<!tpu.dma_semaphore, #tpu.memory_space<semaphore_mem>>)
    %dma_wait3A_387 = arith.constant 0 : i32
    %dma_wait3A_388 = arith.constant 0 : i32
    %dma_wait3A_389 = tpu.memref_slice %arg9[%dma_wait3A_387, %dma_wait3A_388] : memref<128x64xf32, #tpu.memory_space<vmem>> -> memref<64x64xf32, #tpu.memory_space<vmem>>
    %dma_wait3A_390 = arith.constant 0 : i32
    %dma_wait3A_391 = tpu.memref_slice %arg4[%add3A_237, %dma_wait3A_390] : memref<16384x64xf32, #tpu.memory_space<hbm>> -> memref<64x64xf32, #tpu.memory_space<hbm>>
    %dma_wait3A_392 = arith.constant 0 : i32
    %dma_wait3A_393 = tpu.memref_slice %arg4[%add3A_237, %dma_wait3A_392] : memref<16384x64xf32, #tpu.memory_space<hbm>> -> memref<64x64xf32, #tpu.memory_space<hbm>>
    %dma_wait3A_394 = arith.constant 0 : i32
    %dma_wait3A_395 = arith.constant 0 : i32
    %dma_wait3A_396 = tpu.memref_slice %arg9[%dma_wait3A_394, %dma_wait3A_395] : memref<128x64xf32, #tpu.memory_space<vmem>> -> memref<64x64xf32, #tpu.memory_space<vmem>>
    tpu.wait_dma2 semaphore(%arg14 : memref<!tpu.dma_semaphore, #tpu.memory_space<semaphore_mem>>) src(%dma_wait3A_396 : memref<64x64xf32, #tpu.memory_space<vmem>>) dst(%dma_wait3A_393 : memref<64x64xf32, #tpu.memory_space<hbm>>)
    %dma_wait3A_397 = arith.constant 0 : i32
    %dma_wait3A_398 = arith.constant 0 : i32
    %dma_wait3A_399 = tpu.memref_slice %arg11[%dma_wait3A_397, %dma_wait3A_398] : memref<128x64xf32, #tpu.memory_space<vmem>> -> memref<64x64xf32, #tpu.memory_space<vmem>>
    %dma_wait3A_400 = arith.constant 0 : i32
    %dma_wait3A_401 = tpu.memref_slice %arg5[%add3A_237, %dma_wait3A_400] : memref<16384x64xf32, #tpu.memory_space<hbm>> -> memref<64x64xf32, #tpu.memory_space<hbm>>
    %dma_wait3A_402 = arith.constant 0 : i32
    %dma_wait3A_403 = tpu.memref_slice %arg5[%add3A_237, %dma_wait3A_402] : memref<16384x64xf32, #tpu.memory_space<hbm>> -> memref<64x64xf32, #tpu.memory_space<hbm>>
    %dma_wait3A_404 = arith.constant 0 : i32
    %dma_wait3A_405 = arith.constant 0 : i32
    %dma_wait3A_406 = tpu.memref_slice %arg11[%dma_wait3A_404, %dma_wait3A_405] : memref<128x64xf32, #tpu.memory_space<vmem>> -> memref<64x64xf32, #tpu.memory_space<vmem>>
    tpu.wait_dma2 semaphore(%arg14 : memref<!tpu.dma_semaphore, #tpu.memory_space<semaphore_mem>>) src(%dma_wait3A_406 : memref<64x64xf32, #tpu.memory_space<vmem>>) dst(%dma_wait3A_403 : memref<64x64xf32, #tpu.memory_space<hbm>>)
    %dma_wait3A_407 = arith.constant 64 : i32
    %dma_wait3A_408 = arith.constant 0 : i32
    %dma_wait3A_409 = tpu.memref_slice %arg9[%dma_wait3A_407, %dma_wait3A_408] : memref<128x64xf32, #tpu.memory_space<vmem>> -> memref<64x64xf32, #tpu.memory_space<vmem>>
    %dma_wait3A_410 = arith.constant 0 : i32
    %dma_wait3A_411 = tpu.memref_slice %arg4[%add3A_264, %dma_wait3A_410] : memref<16384x64xf32, #tpu.memory_space<hbm>> -> memref<64x64xf32, #tpu.memory_space<hbm>>
    %dma_wait3A_412 = arith.constant 0 : i32
    %dma_wait3A_413 = tpu.memref_slice %arg4[%add3A_264, %dma_wait3A_412] : memref<16384x64xf32, #tpu.memory_space<hbm>> -> memref<64x64xf32, #tpu.memory_space<hbm>>
    %dma_wait3A_414 = arith.constant 64 : i32
    %dma_wait3A_415 = arith.constant 0 : i32
    %dma_wait3A_416 = tpu.memref_slice %arg9[%dma_wait3A_414, %dma_wait3A_415] : memref<128x64xf32, #tpu.memory_space<vmem>> -> memref<64x64xf32, #tpu.memory_space<vmem>>
    tpu.wait_dma2 semaphore(%arg14 : memref<!tpu.dma_semaphore, #tpu.memory_space<semaphore_mem>>) src(%dma_wait3A_416 : memref<64x64xf32, #tpu.memory_space<vmem>>) dst(%dma_wait3A_413 : memref<64x64xf32, #tpu.memory_space<hbm>>)
    %dma_wait3A_417 = arith.constant 64 : i32
    %dma_wait3A_418 = arith.constant 0 : i32
    %dma_wait3A_419 = tpu.memref_slice %arg11[%dma_wait3A_417, %dma_wait3A_418] : memref<128x64xf32, #tpu.memory_space<vmem>> -> memref<64x64xf32, #tpu.memory_space<vmem>>
    %dma_wait3A_420 = arith.constant 0 : i32
    %dma_wait3A_421 = tpu.memref_slice %arg5[%add3A_264, %dma_wait3A_420] : memref<16384x64xf32, #tpu.memory_space<hbm>> -> memref<64x64xf32, #tpu.memory_space<hbm>>
    %dma_wait3A_422 = arith.constant 0 : i32
    %dma_wait3A_423 = tpu.memref_slice %arg5[%add3A_264, %dma_wait3A_422] : memref<16384x64xf32, #tpu.memory_space<hbm>> -> memref<64x64xf32, #tpu.memory_space<hbm>>
    %dma_wait3A_424 = arith.constant 64 : i32
    %dma_wait3A_425 = arith.constant 0 : i32
    %dma_wait3A_426 = tpu.memref_slice %arg11[%dma_wait3A_424, %dma_wait3A_425] : memref<128x64xf32, #tpu.memory_space<vmem>> -> memref<64x64xf32, #tpu.memory_space<vmem>>
    tpu.wait_dma2 semaphore(%arg14 : memref<!tpu.dma_semaphore, #tpu.memory_space<semaphore_mem>>) src(%dma_wait3A_426 : memref<64x64xf32, #tpu.memory_space<vmem>>) dst(%dma_wait3A_423 : memref<64x64xf32, #tpu.memory_space<hbm>>)
    %dma_wait3A_427 = arith.constant 0 : i32
    %dma_wait3A_428 = arith.constant 0 : i32
    %dma_wait3A_429 = tpu.memref_slice %arg10[%dma_wait3A_427, %dma_wait3A_428] : memref<128x64xf32, #tpu.memory_space<vmem>> -> memref<64x64xf32, #tpu.memory_space<vmem>>
    %dma_wait3A_430 = arith.constant 0 : i32
    %dma_wait3A_431 = tpu.memref_slice %arg4[%add3A_339, %dma_wait3A_430] : memref<16384x64xf32, #tpu.memory_space<hbm>> -> memref<64x64xf32, #tpu.memory_space<hbm>>
    %dma_wait3A_432 = arith.constant 0 : i32
    %dma_wait3A_433 = tpu.memref_slice %arg4[%add3A_339, %dma_wait3A_432] : memref<16384x64xf32, #tpu.memory_space<hbm>> -> memref<64x64xf32, #tpu.memory_space<hbm>>
    %dma_wait3A_434 = arith.constant 0 : i32
    %dma_wait3A_435 = arith.constant 0 : i32
    %dma_wait3A_436 = tpu.memref_slice %arg10[%dma_wait3A_434, %dma_wait3A_435] : memref<128x64xf32, #tpu.memory_space<vmem>> -> memref<64x64xf32, #tpu.memory_space<vmem>>
    tpu.wait_dma2 semaphore(%arg14 : memref<!tpu.dma_semaphore, #tpu.memory_space<semaphore_mem>>) src(%dma_wait3A_436 : memref<64x64xf32, #tpu.memory_space<vmem>>) dst(%dma_wait3A_433 : memref<64x64xf32, #tpu.memory_space<hbm>>)
    %dma_wait3A_437 = arith.constant 0 : i32
    %dma_wait3A_438 = arith.constant 0 : i32
    %dma_wait3A_439 = tpu.memref_slice %arg12[%dma_wait3A_437, %dma_wait3A_438] : memref<128x64xf32, #tpu.memory_space<vmem>> -> memref<64x64xf32, #tpu.memory_space<vmem>>
    %dma_wait3A_440 = arith.constant 0 : i32
    %dma_wait3A_441 = tpu.memref_slice %arg5[%add3A_339, %dma_wait3A_440] : memref<16384x64xf32, #tpu.memory_space<hbm>> -> memref<64x64xf32, #tpu.memory_space<hbm>>
    %dma_wait3A_442 = arith.constant 0 : i32
    %dma_wait3A_443 = tpu.memref_slice %arg5[%add3A_339, %dma_wait3A_442] : memref<16384x64xf32, #tpu.memory_space<hbm>> -> memref<64x64xf32, #tpu.memory_space<hbm>>
    %dma_wait3A_444 = arith.constant 0 : i32
    %dma_wait3A_445 = arith.constant 0 : i32
    %dma_wait3A_446 = tpu.memref_slice %arg12[%dma_wait3A_444, %dma_wait3A_445] : memref<128x64xf32, #tpu.memory_space<vmem>> -> memref<64x64xf32, #tpu.memory_space<vmem>>
    tpu.wait_dma2 semaphore(%arg14 : memref<!tpu.dma_semaphore, #tpu.memory_space<semaphore_mem>>) src(%dma_wait3A_446 : memref<64x64xf32, #tpu.memory_space<vmem>>) dst(%dma_wait3A_443 : memref<64x64xf32, #tpu.memory_space<hbm>>)
    %dma_wait3A_447 = arith.constant 64 : i32
    %dma_wait3A_448 = arith.constant 0 : i32
    %dma_wait3A_449 = tpu.memref_slice %arg10[%dma_wait3A_447, %dma_wait3A_448] : memref<128x64xf32, #tpu.memory_space<vmem>> -> memref<64x64xf32, #tpu.memory_space<vmem>>
    %dma_wait3A_450 = arith.constant 0 : i32
    %dma_wait3A_451 = tpu.memref_slice %arg4[%add3A_366, %dma_wait3A_450] : memref<16384x64xf32, #tpu.memory_space<hbm>> -> memref<64x64xf32, #tpu.memory_space<hbm>>
    %dma_wait3A_452 = arith.constant 0 : i32
    %dma_wait3A_453 = tpu.memref_slice %arg4[%add3A_366, %dma_wait3A_452] : memref<16384x64xf32, #tpu.memory_space<hbm>> -> memref<64x64xf32, #tpu.memory_space<hbm>>
    %dma_wait3A_454 = arith.constant 64 : i32
    %dma_wait3A_455 = arith.constant 0 : i32
    %dma_wait3A_456 = tpu.memref_slice %arg10[%dma_wait3A_454, %dma_wait3A_455] : memref<128x64xf32, #tpu.memory_space<vmem>> -> memref<64x64xf32, #tpu.memory_space<vmem>>
    tpu.wait_dma2 semaphore(%arg14 : memref<!tpu.dma_semaphore, #tpu.memory_space<semaphore_mem>>) src(%dma_wait3A_456 : memref<64x64xf32, #tpu.memory_space<vmem>>) dst(%dma_wait3A_453 : memref<64x64xf32, #tpu.memory_space<hbm>>)
    %dma_wait3A_457 = arith.constant 64 : i32
    %dma_wait3A_458 = arith.constant 0 : i32
    %dma_wait3A_459 = tpu.memref_slice %arg12[%dma_wait3A_457, %dma_wait3A_458] : memref<128x64xf32, #tpu.memory_space<vmem>> -> memref<64x64xf32, #tpu.memory_space<vmem>>
    %dma_wait3A_460 = arith.constant 0 : i32
    %dma_wait3A_461 = tpu.memref_slice %arg5[%add3A_366, %dma_wait3A_460] : memref<16384x64xf32, #tpu.memory_space<hbm>> -> memref<64x64xf32, #tpu.memory_space<hbm>>
    %dma_wait3A_462 = arith.constant 0 : i32
    %dma_wait3A_463 = tpu.memref_slice %arg5[%add3A_366, %dma_wait3A_462] : memref<16384x64xf32, #tpu.memory_space<hbm>> -> memref<64x64xf32, #tpu.memory_space<hbm>>
    %dma_wait3A_464 = arith.constant 64 : i32
    %dma_wait3A_465 = arith.constant 0 : i32
    %dma_wait3A_466 = tpu.memref_slice %arg12[%dma_wait3A_464, %dma_wait3A_465] : memref<128x64xf32, #tpu.memory_space<vmem>> -> memref<64x64xf32, #tpu.memory_space<vmem>>
    tpu.wait_dma2 semaphore(%arg14 : memref<!tpu.dma_semaphore, #tpu.memory_space<semaphore_mem>>) src(%dma_wait3A_466 : memref<64x64xf32, #tpu.memory_space<vmem>>) dst(%dma_wait3A_463 : memref<64x64xf32, #tpu.memory_space<hbm>>)
    return
  }
}

</mosaic_0001>

<sc_bundles>
// kernel: kernel.3.cloned.1.call-start
scs
__scs_entry_jumppad:
0x0: {  	(pc) =	sbr.rel $0x88, $3  }
0x1: {  	(tag) =	ssettag $0x0;
	lr =	simm.s32 $0x1  }
0x2: {  	[smem:$0x3F9F] =	sst lr;
	_ =	strace $0xD0000000  }
0x3: {  	_ = 	snop  }
0x4: {  	_ = 	snop  }
0x5: {  	_ = 	snop  }
0x6: {  	_ = 	snop  }
0x7: {  	_ = 	snop  }
__scs_overlays_trampoline_lowered:
0x8: {  	[smem:$0x3FAE] =	sst s0  }
0x9: {  	[smem:$0x3FAF] =	sst s1  }
0xa: {  	[smem:$0x3FB0] =	sst s2  }
0xb: {  	[smem:$0x3FB1] =	sst s3  }
0xc: {  	[smem:$0x3FB2] =	sst s4  }
0xd: {  	[smem:$0x3FB3] =	sst s5  }
0xe: {  	[smem:$0x3FB4] =	sst s6  }
0xf: {  	[smem:$0x3FB5] =	sst s7  }
0x10: {  	[smem:$0x3FB6] =	sst s8  }
0x11: {  	[smem:$0x3FB7] =	sst s9;
	s0 =	simm.s32 @!p0 $0x0  }
0x12: {  	s1 =	sld [smem:$0x3F9D];
	s0 =	simm.s32 @p0 $0x1  }
0x13: {  	[smem:$0x3FB8] =	sst s0;
	s0 =	simm.s32 @!p1 $0x0  }
0x14: {  	s2 =	sld [smem:$0x3F9C];
	s0 =	simm.s32 @p1 $0x1  }
0x15: {  	[smem:$0x3FB9] =	sst s0;
	s0 =	simm.s32 @!p2 $0x0  }
0x16: {  	s3 =	sld [smem:$0x3FDB];
	s0 =	simm.s32 @p2 $0x1  }
0x17: {  	s4 =	simm.s32 $0x1BF5;
	[smem:$0x3FBB] =	sst s0  }
0x18: {  	s0 =	sld [smem:$0x3F9E];
	_ =	swait.ge [sflag:s4], $0x0  }
0x19: {  	s7 =	sld [smem:$0x3F9F]  }
0x1a: {  	s8 =	sadd.s32 $0xFFFFE003, lr  }
0x1b: {  	s9 =	sadd.s32 $0xFFFFFEF7, lr;
	s5 =	simm.s32 $0xFFFFFFFF;
	p2 =	slt.u32 s8, $0xFFFFF086  }
0x1c: {  	p1 =	slt.u32 s9, $0xF7A;
	s5 =	simm.s32 @!p2 $0x0  }
0x1d: {  	s5 =	simm.s32 @p1 $0x1;
	p0 =	seq.s32 s7, s2  }
0x1e: {  	s7 =	smul.u32 @!p0 $0xF7A, s2;
	p2 =	seq.s32 @!p0 s5, $0x0  }
0x1f: {  	s9 =	smul.u32 $0xF7A, s1;
	s8 =	simm.s32 @!p0 $0x1BF5;
	p2 =	por !p2, p0  }
0x20: {  	[sflag:s8] =	ssyncset.s32 @!p0 $0xFFFFF086;
	s6 =	sadd.s32 @!p0 s3, s7;
	s7 =	simm.s32 @!p0 $0x108  }
0x21: {  	s3 =	sadd.s32 s3, s9;
	s6 =	sadd.s32 @!p0 $0x88, s6;
	s7 =	simm.s32 @p2 $0x1082  }
0x22: {  	[simem:s7], [sflag:s8] =	dma.local @!p0 [hbm:s6], $0xF7A  }
0x23: {  	s9 =	sor.u32 $0xD0000000, s2;
	s6 =	simm.s32 $0x108;
	_ =	swait.ge @!p0 [sflag:s8], $0x0  }
0x24: {  	s3 =	sadd.s32 $0x88, s3;
	s6 =	simm.s32 @!p1 $0x1082;
	[sflag:s4] =	ssyncset.s32 $0xFFFFF086  }
0x25: {  	[simem:s6], [sflag:s4] =	dma.local [hbm:s3], $0xF7A  }
0x26: {  	[smem:$0x3F9F] =	sst s1;
	(tag) =	ssettag s2;
	_ =	strace s9  }
0x27: {  	s1 =	sld [smem:$0x3FAF]  }
0x28: {  	s2 =	sld [smem:$0x3FB0]  }
0x29: {  	s4 =	sld [smem:$0x3FB2]  }
0x2a: {  	p0 =	seq.s32 s5, $0x0;
	s5 =	sld [smem:$0x3FB3]  }
0x2b: {  	s6 =	sld [smem:$0x3FB4]  }
0x2c: {  	s7 =	sld [smem:$0x3FB5]  }
0x2d: {  	s3 =	simm.s32 $0x108;
	s8 =	sld [smem:$0x3FB6]  }
0x2e: {  	s3 =	simm.s32 @!p0 $0x1082;
	s9 =	sld [smem:$0x3FB7]  }
0x2f: {  	lr =	sadd.s32 s0, s3;
	s0 =	sld [smem:$0x3FAE]  }
0x30: {  	s3 =	sld [smem:$0x3FB1]  }
0x31: {  	[smem:$0x3FBA] =	sst s10  }
0x32: {  	s10 =	sld [smem:$0x3FB8];
	_ =	sdelay $0x3  }
0x33: {  	p0 =	seq.s32 s10, $0x1;
	s10 =	sld [smem:$0x3FBA];
	_ =	sdelay $0x3  }
0x34: {  	[smem:$0x3FBA] =	sst s10  }
0x35: {  	s10 =	sld [smem:$0x3FB9];
	_ =	sdelay $0x3  }
0x36: {  	p1 =	seq.s32 s10, $0x1;
	s10 =	sld [smem:$0x3FBA];
	_ =	sdelay $0x3  }
0x37: {  	[smem:$0x3FBA] =	sst s10  }
0x38: {  	s10 =	sld [smem:$0x3FBB]  }
0x39: {  	_ = 	snop;
	(pc) =	sbr.ind lr, $3  }
0x3a: {  	_ = 	snop  }
0x3b: {  	_ = 	snop  }
0x3c: {  	p2 =	seq.s32 s10, $0x1;
	s10 =	sld [smem:$0x3FBA]  }
0x3d: {  	_ =	shalt  }
0x3e: {  	_ =	shalt  }
0x3f: {  	_ =	shalt  }
0x40: {  	_ =	shalt  }
0x41: {  	_ =	shalt  }
0x42: {  	_ =	shalt  }
0x43: {  	_ =	shalt  }
0x44: {  	_ =	shalt  }
0x45: {  	_ =	shalt  }
0x46: {  	_ =	shalt  }
0x47: {  	_ =	shalt  }
0x48: {  	_ =	shalt  }
0x49: {  	_ =	shalt  }
0x4a: {  	_ =	shalt  }
0x4b: {  	_ =	shalt  }
0x4c: {  	_ =	shalt  }
0x4d: {  	_ =	shalt  }
0x4e: {  	_ =	shalt  }
0x4f: {  	_ =	shalt  }
0x50: {  	_ =	shalt  }
0x51: {  	_ =	shalt  }
0x52: {  	_ =	shalt  }
0x53: {  	_ =	shalt  }
0x54: {  	_ =	shalt  }
0x55: {  	_ =	shalt  }
0x56: {  	_ =	shalt  }
0x57: {  	_ =	shalt  }
0x58: {  	_ =	shalt  }
0x59: {  	_ =	shalt  }
0x5a: {  	_ =	shalt  }
0x5b: {  	_ =	shalt  }
0x5c: {  	_ =	shalt  }
0x5d: {  	_ =	shalt  }
0x5e: {  	_ =	shalt  }
0x5f: {  	_ =	shalt  }
0x60: {  	_ =	shalt  }
0x61: {  	_ =	shalt  }
0x62: {  	_ =	shalt  }
0x63: {  	_ =	shalt  }
0x64: {  	_ =	shalt  }
0x65: {  	_ =	shalt  }
0x66: {  	_ =	shalt  }
0x67: {  	_ =	shalt  }
0x68: {  	_ =	shalt  }
0x69: {  	_ =	shalt  }
0x6a: {  	_ =	shalt  }
0x6b: {  	_ =	shalt  }
0x6c: {  	_ =	shalt  }
0x6d: {  	_ =	shalt  }
0x6e: {  	_ =	shalt  }
0x6f: {  	_ =	shalt  }
0x70: {  	_ =	shalt  }
0x71: {  	_ =	shalt  }
0x72: {  	_ =	shalt  }
0x73: {  	_ =	shalt  }
0x74: {  	_ =	shalt  }
0x75: {  	_ =	shalt  }
0x76: {  	_ =	shalt  }
0x77: {  	_ =	shalt  }
0x78: {  	_ =	shalt  }
0x79: {  	_ =	shalt  }
0x7a: {  	_ =	shalt  }
0x7b: {  	_ =	shalt  }
0x7c: {  	_ =	shalt  }
0x7d: {  	_ =	shalt  }
0x7e: {  	_ =	shalt  }
0x7f: {  	_ =	shalt  }
0x80: {  	_ =	shalt  }
0x81: {  	_ =	shalt  }
0x82: {  	_ =	shalt  }
0x83: {  	_ =	shalt  }
0x84: {  	_ =	shalt  }
0x85: {  	_ =	shalt  }
0x86: {  	_ =	shalt  }
0x87: {  	_ =	shalt  }
.Lfunc_end0:
.L_simem_size_0:
called_computation_lowered:
.L_overlay_start_0:
0x88: {  	s2 =	sld [smem:$0x3FD9]  }
0x89: {  	s3 =	sld [smem:$0x3FFE];
	_ =	sdelay $0x1  }
0x8a: {  	s1 =	srdreg.scid  }
0x8b: {  	s0 =	sand.u32 $0x1, s1  }
0x8c: {  	s17 =	sshll.u32 s0, $0xA;
	s2 =	sadd.s32 s3, s2  }
0x8d: {  	s2 =	sadd.s32 s2, s17  }
0x8e: {  	[smem:$0x3FC6] =	sst s2  }
0x8f: {  	_ = 	snop  }
0x90: {  	s2 =	sld [smem:$0x3FC9]  }
0x91: {  	s18 =	sld [smem:$0x3FC8];
	(tm) =	ssettm $0x1  }
0x92: {  	s4 =	sld [smem:$0x3FFB];
	_ =	sdelay $0x3  }
0x93: {  	_ =	strace s4  }
0x94: {  	s4 =	sld [smem:$0x3FFC];
	_ =	sdelay $0x3  }
0x95: {  	_ =	strace s4  }
0x96: {  	s4 =	sld [smem:$0x3FFD];
	_ =	sdelay $0x3  }
0x97: {  	_ =	strace s4  }
0x98: {  	_ =	strace $0x8FFFFFFF  }
0x99: {  	s19 =	sld [smem:$0x3FDB];
	_ =	sdelay $0x1  }
0x9a: {  	s5 =	simm.s32 $_scs_section_size  }
0x9b: {  	s6 =	simm.s32 $_size__tile_overlayer_lowered;
	s7 =	simm.s32 $_tile_overlayer_lowered  }
0x9c: {  	s22 =	simm.s32 $0x1BFF;
	s21 =	sshll.u32 s7, $0x1;
	s4 =	sadd.s32 s5, s19  }
0x9d: {  	s8 =	simm.s32 $0x0;
	s20 =	sshll.u32 s6, $0x1;
	s6 =	sadd.s32 s21, s4  }
0x9e: {  	[timem:s8], [sflag:s22] =	dma.local [hbm:s6], s20  }
0x9f: {  	_ =	swait.ge [sflag:s22], s20  }
0xa0: {  	s5 =	ssub.s32 $0x0, s20;
	[sflag:s22] =	ssyncset.done $0x0  }
0xa1: {  	[sflag:s22] =	ssyncadd.s32 s5;
	_ =	sdelay $0x1  }
0xa2: {  	s23 =	simm.s32 $0x1B8B  }
0xa3: {  	_ =	swait.ge [sflag:s23], $0x1  }
0xa4: {  	[sflag:s23] =	ssyncset.done $0x0  }
0xa5: {  	s25 =	simm.s32 $0x1B8E;
	s24 =	sld [smem:$0x3FFE];
	[sflag:s23] =	ssyncadd.s32 $0xFFFFFFFF  }
0xa6: {  	s26 =	simm.s32 $execute0_lowered;
	[smem:$0x3FD2] =	sst s25  }
0xa7: {  	s6 =	sshll.u32 s26, $0x1;
	_ =	strace $0x80000046;
	[dreg:$0x1] =	wrdreg $0xFFFFFFFF  }
0xa8: {  	s28 =	simm.s32 $_size_execute0_lowered;
	s4 =	sadd.s32 s4, s6;
	[dreg:$0x0] =	wrdreg $0x0  }
0xa9: {  	s6 =	sshll.u32 s28, $0x1;
	[dreg:$0x2] =	wrdreg s4  }
0xaa: {  	[dreg:$0x3] =	wrdreg s6  }
0xab: {  	[dreg:$0x4] =	wrdreg $0xC0  }
0xac: {  	_ =	task [dreg:s8], $0x5FFFF  }
0xad: {  	[dreg:$0x1] =	wrdreg $0xFFFFFFFF  }
0xae: {  	[dreg:$0x0] =	wrdreg $0x60  }
0xaf: {  	[dreg:$0x2] =	wrdreg s2  }
0xb0: {  	[dreg:$0x3] =	wrdreg s18  }
0xb1: {  	[dreg:$0x4] =	wrdreg s24  }
0xb2: {  	[dreg:$0x5] =	wrdreg $0x9  }
0xb3: {  	_ =	task.clear_ibuf [dreg:s8], $0x6FFFF;
	_ =	strace $0x90000046  }
0xb4: {  	s29 =	simm.s32 $0x9;
	_ =	strace $0x80000048  }
0xb5: {  	_ =	swait.ge [sflag:s29], $0x1  }
0xb6: {  	[sflag:s29] =	ssyncadd.s32 $0xFFFFFFFF  }
0xb7: {  	_ =	strace $0x90000048  }
0xb8: {  	_ =	sfence  }
0xb9: {  	s30 =	sld [smem:$0x0];
	_ =	sdelay $0x2  }
0xba: {  	s31 =	sshll.u32 s1, $0xD;
	s1 =	sshrl.u32 s1, $0x2  }
0xbb: {  	s3 =	sand.u32 $0x4000, s31;
	s1 =	sadd.s32 s1, s30  }
0xbc: {  	s0 =	sor.u32 s3, s0;
	s1 =	sshll.u32 s1, $0x11  }
0xbd: {  	s0 =	sor.u32 s1, s0  }
0xbe: {  	s0 =	sadd.s32 $0x8F2B, s0  }
0xbf: {  	[sflag:s0] =	ssyncadd.remote.s32 $0x1  }
0xc0: {  	_ =	sfence.sel $0xFFFF  }
0xc1: {  	[dreg:$0x0] =	wrdreg $0xFFFFFFFF;
	(pc) =	sbr.abs _section_cstart, $3  }
0xc2: {  	[dreg:$0x1] =	wrdreg $0xFFFFFFFF  }
0xc3: {  	_ =	task.clear_ibuf [dreg:s8], $0x2FFFF;
	_ =	strace $0x9FFFFFFF  }
0xc4: {  	(tm) =	ssettm $0x7FFFFFFF  }
0xc5: {  	_ =	shalt  }
tec
execute0_lowered:
.L_overlay_start_1:
0x0: {  	(tag) =	ssettag $0x1  }
0x1: {  	s0 =	rddreg [dreg:$0x0]  }
0x2: {  	s1 =	rddreg [dreg:$0x1]  }
0x3: {  	s3 =	rddreg [dreg:$0x2]  }
0x4: {  	s2 =	simm.s32 $0x0;
	s4 =	srdreg.scid;
	s7 =	stileid.u32  }
0x5: {  	s31 =	simm.s32 $0x3;
	s28 =	simm.s32 $0x4;
	s29 =	simm.s32 $0x0  }
0x6: {  	[smem:$0x7FF] =	sst s2;
	s5 =	sadd.s32 $0xA00, s3;
	s4 =	sand.u32 $0x1, s4  }
0x7: {  	s7 =	sshll.u32 s7, $0xA;
	s6 =	ssub.s32 $0x2, s4;
	s4 =	sshll.u32 s4, $0x9  }
0x8: {  	s3 =	sadd.s32 $0x40A00, s3;
	_ =	strace $0x80000047;
	s4 =	sor.u32 s4, s7  }
0x9: {  	s8 =	sshrl.u32 s6, $0x1;
	s7 =	sshrl.u32 s4, $0x3;
	s4 =	sshll.u32 s4, $0x4  }
0xa: {  	s6 =	ssub.s32 s6, s8;
	s0 =	sadd.s32 s0, s7;
	s17 =	sadd.s32 s5, s4  }
0xb: {  	s18 =	sor.u32 $0x400, s4;
	s19 =	sadd.s32 s3, s4;
	s21 =	sor.u32 $0x800, s4  }
0xc: {  	s23 =	sor.u32 $0xC00, s4;
	s24 =	sor.u32 $0x1000, s4;
	[dreg:$0x4] =	wrdreg s0  }
0xd: {  	s25 =	sor.u32 $0x1400, s4;
	s26 =	sor.u32 $0x1800, s4;
	[dreg:$0x5] =	wrdreg s17  }
0xe: {  	s30 =	sor.u32 $0x1C00, s4;
	[dreg:$0x6] =	wrdreg s19;
	s20 =	sadd.s32 s5, s18  }
0xf: {  	s0 =	sadd.s32 s3, s18;
	s22 =	sadd.s32 s5, s21;
	s10 =	sadd.s32 s3, s21  }
0x10: {  	s11 =	sadd.s32 s5, s23;
	s12 =	sadd.s32 s3, s23;
	s13 =	sadd.s32 s5, s24  }
0x11: {  	v0 =	vlaneseq.u32;
	s14 =	sadd.s32 s3, s24;
	s15 =	sadd.s32 s5, s25;
	s16 =	sadd.s32 s3, s25  }
0x12: {  	v0 =	vmul.u32 $0x2, v0;
	s17 =	sadd.s32 s5, s26;
	s18 =	sadd.s32 s3, s26;
	s19 =	sadd.s32 s5, s30  }
0x13: {  	s21 =	smax.u32 s6, $0x1;
	s23 =	simm.s32 $0x80;
	[dreg:$0x7] =	wrdreg s20  }
0x14: {  	v1 =	vor.u32 $0x1, v0;
	s24 =	simm.s32 $0x200;
	s25 =	simm.s32 $0x4200;
	[dreg:$0x8] =	wrdreg s0  }
0x15: {  	v2 =	vor.u32 $0x20, v0;
	v3 =	vor.u32 $0x21, v0;
	v4 =	vor.u32 $0x40, v0;
	s26 =	simm.s32 $0x1;
	[dreg:$0x9] =	wrdreg s22;
	s20 =	sadd.s32 s3, s30  }
0x16: {  	v5 =	vor.u32 $0x41, v0;
	v6 =	vor.u32 $0x60, v0;
	v7 =	vor.u32 $0x61, v0;
	s22 =	simm.s32 $0x6;
	s3 =	simm.s32 $0x2;
	s0 =	simm.s32 $0x5  }
.LBB2_1:
0x17: {  	s4 =	rddreg [dreg:$0x4]  }
0x18: {  	[tilespmem:s2], [sflag:$0x6] =	stream.linear.gather [hbm4b:s4+s2], $0x200, $0x38;
	[tilespmem:$0x18200] =	vst v63  }
0x19: {  	_ =	swait.ge [sflag:s22], $0x200  }
0x1a: {  	[sflag:s22] =	ssyncset.done $0x0  }
0x1b: {  	s7 =	simm.s32 $0x180;
	[sflag:s22] =	ssyncadd.s32 $0xFFFFFE00  }
0x1c: {  	[tilespmem:s24], [sflag:$0x1] =	stream.indirect.gather [hbm4b:s1+s23], $0x80, s2, s23, $0xb8;
	[tilespmem:$0x18200] =	vst v63  }
0x1d: {  	v8 =	vor.u32 s7, v0  }
0x1e: {  	v9 =	vor.u32 s7, v1;
	[tilespmem:s25], [sflag:$0x2] =	stream.indirect.gather [hbm4b:s1+s23], $0x80, s23, s23, $0xb8;
	[tilespmem:$0x18200] =	vst v63  }
0x1f: {  	v10 =	vor.u32 s7, v2;
	_ =	swait.ge [sflag:s26], $0x4000  }
0x20: {  	v11 =	vor.u32 s7, v3;
	[sflag:s26] =	ssyncset.done $0x0  }
0x21: {  	v12 =	vor.u32 s7, v4;
	[sflag:s26] =	ssyncadd.s32 $0xFFFFC000  }
0x22: {  	v13 =	vor.u32 s7, v5;
	v8 =	vld.idx.msk [tilespmem:v8+s24+$0x0], $0xffff  }
0x23: {  	v14 =	vor.u32 s7, v6;
	v9 =	vld.idx.msk [tilespmem:v9+s24+$0x0], $0xffff  }
0x24: {  	s8 =	simm.s32 $0x0;
	v15 =	vor.u32 s7, v7;
	v10 =	vld.idx.msk [tilespmem:v10+s24+$0x0], $0xffff  }
0x25: {  	s5 =	simm.s32 $0x80;
	v22 =	vor.u32 s8, v4;
	v11 =	vld.idx.msk [tilespmem:v11+s24+$0x0], $0xffff  }
0x26: {  	v16 =	vor.u32 s5, v0;
	v12 =	vld.idx.msk [tilespmem:v12+s24+$0x0], $0xffff  }
0x27: {  	v17 =	vor.u32 s5, v1;
	v13 =	vld.idx.msk [tilespmem:v13+s24+$0x0], $0xffff  }
0x28: {  	v18 =	vor.u32 s5, v2;
	v14 =	vld.idx.msk [tilespmem:v14+s24+$0x0], $0xffff  }
0x29: {  	s30 =	simm.s32 $0x8300;
	v19 =	vor.u32 s5, v3;
	v15 =	vld.idx.msk [tilespmem:v15+s24+$0x0], $0xffff  }
0x2a: {  	v20 =	vor.u32 s5, v4;
	s4 =	simm.s32 $0x10300;
	v26 =	vld.idx.msk [tilespmem:v22+s24+$0x0], $0xffff;
	[tilespmem:s30+$0x80] =	vst v8  }
0x2b: {  	v21 =	vor.u32 s5, v5;
	v8 =	vld.idx.msk [tilespmem:v16+s24+$0x0], $0xffff;
	[tilespmem:s4+$0x80] =	vst v9  }
0x2c: {  	v16 =	vor.u32 s5, v6;
	v9 =	vld.idx.msk [tilespmem:v17+s24+$0x0], $0xffff;
	[tilespmem:s30+$0x90] =	vst v10  }
0x2d: {  	s6 =	simm.s32 $0x100;
	v17 =	vor.u32 s5, v7;
	v10 =	vld.idx.msk [tilespmem:v18+s24+$0x0], $0xffff;
	[tilespmem:s4+$0x90] =	vst v11  }
0x2e: {  	v18 =	vor.u32 s6, v0;
	v11 =	vld.idx.msk [tilespmem:v19+s24+$0x0], $0xffff;
	[tilespmem:s30+$0xA0] =	vst v12  }
0x2f: {  	v19 =	vor.u32 s6, v1;
	v12 =	vld.idx.msk [tilespmem:v20+s24+$0x0], $0xffff;
	[tilespmem:s4+$0xA0] =	vst v13  }
0x30: {  	v20 =	vor.u32 s6, v2;
	v13 =	vld.idx.msk [tilespmem:v21+s24+$0x0], $0xffff;
	[tilespmem:s30+$0xB0] =	vst v14  }
0x31: {  	v21 =	vor.u32 s6, v3;
	v14 =	vld.idx.msk [tilespmem:v16+s24+$0x0], $0xffff;
	[tilespmem:s4+$0xB0] =	vst v15  }
0x32: {  	v16 =	vor.u32 s6, v4;
	v15 =	vld.idx.msk [tilespmem:v17+s24+$0x0], $0xffff;
	[tilespmem:s30+$0xFFFFFF80] =	vst v8  }
0x33: {  	v17 =	vor.u32 s6, v5;
	v8 =	vld.idx.msk [tilespmem:v18+s24+$0x0], $0xffff;
	[tilespmem:s4+$0xFFFFFF80] =	vst v9  }
0x34: {  	v18 =	vor.u32 s6, v6;
	v9 =	vld.idx.msk [tilespmem:v19+s24+$0x0], $0xffff;
	[tilespmem:s30+$0xFFFFFF90] =	vst v10  }
0x35: {  	v19 =	vor.u32 s6, v7;
	v10 =	vld.idx.msk [tilespmem:v20+s24+$0x0], $0xffff;
	[tilespmem:s4+$0xFFFFFF90] =	vst v11  }
0x36: {  	v20 =	vor.u32 s8, v0;
	v11 =	vld.idx.msk [tilespmem:v21+s24+$0x0], $0xffff;
	[tilespmem:s30+$0xFFFFFFA0] =	vst v12  }
0x37: {  	v21 =	vor.u32 s8, v1;
	v12 =	vld.idx.msk [tilespmem:v16+s24+$0x0], $0xffff;
	[tilespmem:s4+$0xFFFFFFA0] =	vst v13  }
0x38: {  	v23 =	vor.u32 s8, v6;
	v13 =	vld.idx.msk [tilespmem:v17+s24+$0x0], $0xffff;
	[tilespmem:s30+$0xFFFFFFB0] =	vst v14  }
0x39: {  	v16 =	vor.u32 s8, v2;
	v18 =	vld.idx.msk [tilespmem:v18+s24+$0x0], $0xffff;
	[tilespmem:s4+$0xFFFFFFB0] =	vst v15  }
0x3a: {  	v17 =	vor.u32 s8, v3;
	v15 =	vld.idx.msk [tilespmem:v19+s24+$0x0], $0xffff;
	[tilespmem:s30+$0x0] =	vst v8  }
0x3b: {  	v19 =	vld.idx.msk [tilespmem:v20+s24+$0x0], $0xffff;
	v20 =	vor.u32 s8, v5;
	[tilespmem:s4+$0x0] =	vst v9  }
0x3c: {  	s7 =	simm.s32 $0x300;
	s5 =	simm.s32 $0x200;
	v33 =	vld.idx.msk [tilespmem:v21+s24+$0x0], $0xffff;
	v21 =	vor.u32 s8, v7;
	[tilespmem:s30+$0x10] =	vst v10  }
0x3d: {  	s9 =	simm.s32 $0x280;
	v24 =	vor.u32 s7, v0;
	v28 =	vld.idx.msk [tilespmem:v23+s24+$0x0], $0xffff;
	v23 =	vor.u32 s7, v4;
	s8 =	simm.s32 $0x380;
	v10 =	vor.u32 s5, v0;
	[tilespmem:s4+$0x10] =	vst v11  }
0x3e: {  	v22 =	vor.u32 s9, v6;
	v14 =	vor.u32 s9, v0;
	v37 =	vld.idx.msk [tilespmem:v16+s24+$0x0], $0xffff;
	v30 =	vor.u32 s8, v0;
	[tilespmem:s30+$0x20] =	vst v12  }
0x3f: {  	v8 =	vor.u32 s5, v2;
	v9 =	vor.u32 s5, v1;
	v36 =	vor.u32 s8, v1;
	v25 =	vld.idx.msk [tilespmem:v17+s24+$0x0], $0xffff;
	[tilespmem:s4+$0x20] =	vst v13  }
0x40: {  	v16 =	vor.u32 s9, v2;
	v31 =	vor.u32 s8, v2;
	v32 =	vor.u32 s8, v3;
	v27 =	vld.idx.msk [tilespmem:v20+s24+$0x0], $0xffff;
	[tilespmem:s30+$0x30] =	vst v18  }
0x41: {  	v34 =	vor.u32 s8, v4;
	v35 =	vor.u32 s8, v5;
	v11 =	vor.u32 s9, v1;
	v29 =	vld.idx.msk [tilespmem:v21+s24+$0x0], $0xffff;
	[tilespmem:s30+$0xFFFFFF00] =	vst v19  }
0x42: {  	v17 =	vor.u32 s9, v7;
	v12 =	vor.u32 s9, v3;
	v20 =	vor.u32 s9, v4;
	[tilespmem:s4+$0x30] =	vst v15;
	v10 =	vld.idx.msk [tilespmem:v10+s24+$0x0], $0xffff  }
0x43: {  	v13 =	vor.u32 s9, v5;
	v18 =	vor.u32 s7, v1;
	v21 =	vor.u32 s7, v2;
	v30 =	vld.idx.msk [tilespmem:v30+s24+$0x0], $0xffff;
	[tilespmem:s4+$0xFFFFFF00] =	vst v33  }
0x44: {  	s6 =	simm.s32 $0x8;
	v19 =	vor.u32 s7, v5;
	v15 =	vor.u32 s7, v3;
	v33 =	vld.idx.msk [tilespmem:v36+s24+$0x0], $0xffff;
	v36 =	vor.u32 s8, v6;
	[tilespmem:s30+$0xFFFFFF10] =	vst v37  }
.LBB2_2:
0x45: {  	p0 =	slt.u32 s6, $0x3C;
	v37 =	vor.u32 s7, v6;
	v38 =	vor.u32 s7, v7;
	v31 =	vld.idx.msk [tilespmem:v31+s24+$0x0], $0xffff;
	v39 =	vor.u32 s8, v7;
	[tilespmem:s4+$0xFFFFFF10] =	vst v25  }
0x46: {  	v25 =	vor.u32 s5, v3;
	v40 =	vor.u32 s5, v4;
	v41 =	vor.u32 s5, v5;
	v32 =	vld.idx.msk [tilespmem:v32+s24+$0x0], $0xffff;
	[tilespmem:s30+$0xFFFFFF20] =	vst v26  }
0x47: {  	v42 =	vor.u32 s5, v6;
	v43 =	vor.u32 s5, v7;
	v26 =	vld.idx.msk [tilespmem:v34+s24+$0x0], $0xffff;
	[tilespmem:s4+$0xFFFFFF20] =	vst v27  }
0x48: {  	v27 =	vld.idx.msk [tilespmem:v35+s24+$0x0], $0xffff;
	[tilespmem:s30+$0xFFFFFF30] =	vst v28  }
0x49: {  	s30 =	sadd.s32 $0x200, s30;
	v28 =	vld.idx.msk [tilespmem:v36+s24+$0x0], $0xffff;
	[tilespmem:s4+$0xFFFFFF30] =	vst v29  }
0x4a: {  	s4 =	sadd.s32 $0x200, s4;
	v29 =	vld.idx.msk [tilespmem:v39+s24+$0x0], $0xffff;
	[tilespmem:s30+$0x80] =	vst v30  }
0x4b: {  	v14 =	vld.idx.msk [tilespmem:v14+s24+$0x0], $0xffff;
	[tilespmem:s4+$0x80] =	vst v33  }
0x4c: {  	v11 =	vld.idx.msk [tilespmem:v11+s24+$0x0], $0xffff;
	[tilespmem:s30+$0x90] =	vst v31  }
0x4d: {  	v16 =	vld.idx.msk [tilespmem:v16+s24+$0x0], $0xffff;
	[tilespmem:s4+$0x90] =	vst v32  }
0x4e: {  	v12 =	vld.idx.msk [tilespmem:v12+s24+$0x0], $0xffff;
	[tilespmem:s30+$0xA0] =	vst v26  }
0x4f: {  	v20 =	vld.idx.msk [tilespmem:v20+s24+$0x0], $0xffff;
	[tilespmem:s4+$0xA0] =	vst v27  }
0x50: {  	v13 =	vld.idx.msk [tilespmem:v13+s24+$0x0], $0xffff;
	[tilespmem:s30+$0xB0] =	vst v28  }
0x51: {  	v22 =	vld.idx.msk [tilespmem:v22+s24+$0x0], $0xffff;
	[tilespmem:s4+$0xB0] =	vst v29  }
0x52: {  	v17 =	vld.idx.msk [tilespmem:v17+s24+$0x0], $0xffff;
	[tilespmem:s30+$0xFFFFFF80] =	vst v14  }
0x53: {  	[tilespmem:s4+$0xFFFFFF80] =	vst v11;
	v11 =	vld.idx.msk [tilespmem:v24+s24+$0x0], $0xffff  }
0x54: {  	[tilespmem:s30+$0xFFFFFF90] =	vst v16;
	v14 =	vld.idx.msk [tilespmem:v18+s24+$0x0], $0xffff  }
0x55: {  	[tilespmem:s4+$0xFFFFFF90] =	vst v12;
	v12 =	vld.idx.msk [tilespmem:v21+s24+$0x0], $0xffff  }
0x56: {  	[tilespmem:s30+$0xFFFFFFA0] =	vst v20;
	v15 =	vld.idx.msk [tilespmem:v15+s24+$0x0], $0xffff  }
0x57: {  	[tilespmem:s4+$0xFFFFFFA0] =	vst v13;
	v13 =	vld.idx.msk [tilespmem:v23+s24+$0x0], $0xffff  }
0x58: {  	[tilespmem:s30+$0xFFFFFFB0] =	vst v22;
	v18 =	vld.idx.msk [tilespmem:v19+s24+$0x0], $0xffff  }
0x59: {  	[tilespmem:s4+$0xFFFFFFB0] =	vst v17;
	v17 =	vld.idx.msk [tilespmem:v37+s24+$0x0], $0xffff  }
0x5a: {  	v19 =	vld.idx.msk [tilespmem:v38+s24+$0x0], $0xffff;
	[tilespmem:s30+$0x0] =	vst v11  }
0x5b: {  	v23 =	vld.idx.msk [tilespmem:v9+s24+$0x0], $0xffff;
	[tilespmem:s4+$0x0] =	vst v14  }
0x5c: {  	s5 =	sshll.u32 s6, $0x7;
	v37 =	vld.idx.msk [tilespmem:v8+s24+$0x0], $0xffff;
	[tilespmem:s30+$0x10] =	vst v12  }
0x5d: {  	s9 =	sadd.s32 $0x80, s5;
	s7 =	sadd.s32 $0x100, s5;
	s8 =	sadd.s32 $0x180, s5;
	v21 =	vor.u32 s5, v0;
	v9 =	vor.u32 s5, v1;
	v8 =	vor.u32 s5, v2;
	v25 =	vld.idx.msk [tilespmem:v25+s24+$0x0], $0xffff;
	[tilespmem:s4+$0x10] =	vst v15  }
0x5e: {  	v30 =	vor.u32 s8, v0;
	v11 =	vor.u32 s9, v1;
	v14 =	vor.u32 s9, v0;
	v26 =	vld.idx.msk [tilespmem:v40+s24+$0x0], $0xffff;
	[tilespmem:s30+$0x20] =	vst v13  }
0x5f: {  	v33 =	vor.u32 s8, v1;
	v16 =	vor.u32 s9, v2;
	v12 =	vor.u32 s9, v3;
	v27 =	vld.idx.msk [tilespmem:v41+s24+$0x0], $0xffff;
	[tilespmem:s4+$0x20] =	vst v18  }
.Ltmp0:
0x60: {  	v31 =	vor.u32 s8, v2;
	v20 =	vor.u32 s9, v4;
	v13 =	vor.u32 s9, v5;
	v28 =	vld.idx.msk [tilespmem:v42+s24+$0x0], $0xffff;
	[tilespmem:s30+$0x30] =	vst v17;
	(pc) =	sbr.rel @p0 .LBB2_2-.Ltmp0, $4  }
0x61: {  	v32 =	vor.u32 s8, v3;
	v22 =	vor.u32 s9, v6;
	v17 =	vor.u32 s9, v7;
	v29 =	vld.idx.msk [tilespmem:v43+s24+$0x0], $0xffff;
	[tilespmem:s4+$0x30] =	vst v19  }
0x62: {  	v34 =	vor.u32 s8, v4;
	v24 =	vor.u32 s7, v0;
	v18 =	vor.u32 s7, v1;
	[tilespmem:s30+$0xFFFFFF00] =	vst v10;
	v10 =	vld.idx.msk [tilespmem:v21+s24+$0x0], $0xffff  }
0x63: {  	v35 =	vor.u32 s8, v5;
	v15 =	vor.u32 s7, v3;
	v21 =	vor.u32 s7, v2;
	v30 =	vld.idx.msk [tilespmem:v30+s24+$0x0], $0xffff;
	[tilespmem:s4+$0xFFFFFF00] =	vst v23  }
0x64: {  	s6 =	sadd.s32 $0x4, s6;
	v36 =	vor.u32 s8, v6;
	v19 =	vor.u32 s7, v5;
	v23 =	vor.u32 s7, v4;
	v33 =	vld.idx.msk [tilespmem:v33+s24+$0x0], $0xffff;
	[tilespmem:s30+$0xFFFFFF10] =	vst v37  }
0x65: {  	_ =	sdelay $0x3  }
0x66: {  	v31 =	vld.idx.msk [tilespmem:v31+s24+$0x0], $0xffff  }
0x67: {  	[tilespmem:s4+$0xFFFFFF10] =	vst v25;
	v25 =	vld.idx.msk [tilespmem:v32+s24+$0x0], $0xffff  }
0x68: {  	v14 =	vld.idx.msk [tilespmem:v14+s24+$0x0], $0xffff  }
0x69: {  	v11 =	vld.idx.msk [tilespmem:v11+s24+$0x0], $0xffff  }
0x6a: {  	v16 =	vld.idx.msk [tilespmem:v16+s24+$0x0], $0xffff  }
0x6b: {  	v12 =	vld.idx.msk [tilespmem:v12+s24+$0x0], $0xffff  }
0x6c: {  	v20 =	vld.idx.msk [tilespmem:v20+s24+$0x0], $0xffff  }
0x6d: {  	v37 =	vor.u32 s8, v7;
	v13 =	vld.idx.msk [tilespmem:v13+s24+$0x0], $0xffff  }
0x6e: {  	v22 =	vld.idx.msk [tilespmem:v22+s24+$0x0], $0xffff;
	[tilespmem:s30+$0xFFFFFF20] =	vst v26  }
0x6f: {  	v26 =	vld.idx.msk [tilespmem:v34+s24+$0x0], $0xffff;
	[tilespmem:s4+$0xFFFFFF20] =	vst v27  }
0x70: {  	v27 =	vld.idx.msk [tilespmem:v35+s24+$0x0], $0xffff;
	[tilespmem:s30+$0xFFFFFF30] =	vst v28  }
0x71: {  	s6 =	sadd.s32 $0x200, s30;
	v28 =	vld.idx.msk [tilespmem:v36+s24+$0x0], $0xffff;
	[tilespmem:s4+$0xFFFFFF30] =	vst v29  }
0x72: {  	v29 =	vld.idx.msk [tilespmem:v37+s24+$0x0], $0xffff;
	[tilespmem:s6+$0x80] =	vst v30  }
0x73: {  	s8 =	sadd.s32 $0x200, s4;
	v17 =	vld.idx.msk [tilespmem:v17+s24+$0x0], $0xffff;
	[tilespmem:s6+$0xFFFFFF80] =	vst v14  }
0x74: {  	[tilespmem:s8+$0x80] =	vst v33  }
0x75: {  	[tilespmem:s8+$0xFFFFFF80] =	vst v11  }
0x76: {  	[tilespmem:s6+$0x90] =	vst v31  }
0x77: {  	[tilespmem:s6+$0xFFFFFF90] =	vst v16  }
0x78: {  	[tilespmem:s8+$0x90] =	vst v25  }
0x79: {  	[tilespmem:s8+$0xFFFFFF90] =	vst v12  }
0x7a: {  	[tilespmem:s6+$0xA0] =	vst v26  }
0x7b: {  	v14 =	vld.idx.msk [tilespmem:v24+s24+$0x0], $0xffff;
	[tilespmem:s6+$0xFFFFFFA0] =	vst v20  }
0x7c: {  	v24 =	vor.u32 s7, v6;
	v11 =	vld.idx.msk [tilespmem:v18+s24+$0x0], $0xffff;
	[tilespmem:s8+$0xA0] =	vst v27  }
0x7d: {  	v18 =	vor.u32 s7, v7;
	v16 =	vld.idx.msk [tilespmem:v21+s24+$0x0], $0xffff;
	[tilespmem:s8+$0xFFFFFFA0] =	vst v13  }
0x7e: {  	v12 =	vld.idx.msk [tilespmem:v15+s24+$0x0], $0xffff;
	[tilespmem:s6+$0xB0] =	vst v28  }
0x7f: {  	v15 =	vld.idx.msk [tilespmem:v23+s24+$0x0], $0xffff;
	[tilespmem:s6+$0xFFFFFFB0] =	vst v22  }
0x80: {  	v13 =	vld.idx.msk [tilespmem:v19+s24+$0x0], $0xffff;
	v19 =	vor.u32 s5, v3;
	[tilespmem:s8+$0xB0] =	vst v29  }
0x81: {  	v21 =	vor.u32 s5, v4;
	v20 =	vld.idx.msk [tilespmem:v24+s24+$0x0], $0xffff;
	[tilespmem:s8+$0xFFFFFFB0] =	vst v17  }
0x82: {  	v17 =	vld.idx.msk [tilespmem:v18+s24+$0x0], $0xffff;
	v18 =	vor.u32 s5, v5;
	[tilespmem:s6+$0x0] =	vst v14  }
0x83: {  	v9 =	vld.idx.msk [tilespmem:v9+s24+$0x0], $0xffff;
	v14 =	vor.u32 s5, v6;
	[tilespmem:s8+$0x0] =	vst v11  }
0x84: {  	v8 =	vld.idx.msk [tilespmem:v8+s24+$0x0], $0xffff;
	v11 =	vor.u32 s5, v7;
	[tilespmem:s6+$0x10] =	vst v16  }
0x85: {  	v16 =	vld.idx.msk [tilespmem:v19+s24+$0x0], $0xffff;
	[tilespmem:s8+$0x10] =	vst v12  }
0x86: {  	v12 =	vld.idx.msk [tilespmem:v21+s24+$0x0], $0xffff;
	[tilespmem:s6+$0x20] =	vst v15  }
0x87: {  	v15 =	vld.idx.msk [tilespmem:v18+s24+$0x0], $0xffff;
	[tilespmem:s8+$0x20] =	vst v13  }
0x88: {  	v13 =	vld.idx.msk [tilespmem:v14+s24+$0x0], $0xffff;
	[tilespmem:s6+$0x30] =	vst v20  }
0x89: {  	v11 =	vld.idx.msk [tilespmem:v11+s24+$0x0], $0xffff;
	[tilespmem:s6+$0xFFFFFF00] =	vst v10  }
0x8a: {  	[tilespmem:s8+$0x30] =	vst v17  }
0x8b: {  	[tilespmem:s8+$0xFFFFFF00] =	vst v9  }
0x8c: {  	[tilespmem:s6+$0xFFFFFF10] =	vst v8  }
0x8d: {  	[tilespmem:s8+$0xFFFFFF10] =	vst v16  }
0x8e: {  	[tilespmem:s6+$0xFFFFFF20] =	vst v12  }
0x8f: {  	[tilespmem:s8+$0xFFFFFF20] =	vst v15  }
0x90: {  	s5 =	simm.s32 $0x2180;
	[tilespmem:s6+$0xFFFFFF30] =	vst v13  }
0x91: {  	v8 =	vor.u32 s5, v0;
	[tilespmem:s8+$0xFFFFFF30] =	vst v11  }
0x92: {  	s9 =	simm.s32 $0x8200;
	v9 =	vor.u32 s5, v1;
	s4 =	rddreg [dreg:$0x5]  }
0x93: {  	v10 =	vor.u32 s5, v2;
	[hbm4b:s4+s2] =	stream.linear.scatter [tilespmem:s9], [sflag:$0x5], $0x2000, $0x38;
	[tilespmem:$0x18200] =	vst v63  }
0x94: {  	v11 =	vor.u32 s5, v3;
	s8 =	simm.s32 $0x10200;
	s7 =	rddreg [dreg:$0x6]  }
0x95: {  	v12 =	vor.u32 s5, v4;
	[hbm4b:s7+s2] =	stream.linear.scatter [tilespmem:s8], [sflag:$0x5], $0x2000, $0x38;
	[tilespmem:$0x18200] =	vst v63  }
0x96: {  	v13 =	vor.u32 s5, v5;
	v8 =	vld.idx.msk [tilespmem:v8+s24+$0x0], $0xffff  }
0x97: {  	v14 =	vor.u32 s5, v6;
	v9 =	vld.idx.msk [tilespmem:v9+s24+$0x0], $0xffff  }
0x98: {  	v15 =	vor.u32 s5, v7;
	s9 =	simm.s32 $0x2080;
	v10 =	vld.idx.msk [tilespmem:v10+s24+$0x0], $0xffff  }
0x99: {  	v16 =	vor.u32 s9, v0;
	s8 =	simm.s32 $0x2000;
	v11 =	vld.idx.msk [tilespmem:v11+s24+$0x0], $0xffff  }
0x9a: {  	v12 =	vld.idx.msk [tilespmem:v12+s24+$0x0], $0xffff;
	v22 =	vor.u32 s8, v4  }
0x9b: {  	v17 =	vor.u32 s9, v1;
	v13 =	vld.idx.msk [tilespmem:v13+s24+$0x0], $0xffff  }
0x9c: {  	v18 =	vor.u32 s9, v2;
	v14 =	vld.idx.msk [tilespmem:v14+s24+$0x0], $0xffff  }
0x9d: {  	s30 =	simm.s32 $0xA3B0;
	v19 =	vor.u32 s9, v3;
	v15 =	vld.idx.msk [tilespmem:v15+s24+$0x0], $0xffff  }
0x9e: {  	s4 =	simm.s32 $0x123B0;
	v20 =	vor.u32 s9, v4;
	[tilespmem:s30+$0xFFFFFFD0] =	vst v8;
	v8 =	vld.idx.msk [tilespmem:v16+s24+$0x0], $0xffff  }
0x9f: {  	v21 =	vor.u32 s9, v5;
	v26 =	vld.idx.msk [tilespmem:v22+s24+$0x0], $0xffff;
	[tilespmem:s4+$0xFFFFFFD0] =	vst v9  }
0xa0: {  	v16 =	vor.u32 s9, v6;
	v9 =	vld.idx.msk [tilespmem:v17+s24+$0x0], $0xffff;
	[tilespmem:s30+$0xFFFFFFE0] =	vst v10  }
0xa1: {  	s7 =	simm.s32 $0x2100;
	v17 =	vor.u32 s9, v7;
	v10 =	vld.idx.msk [tilespmem:v18+s24+$0x0], $0xffff;
	[tilespmem:s4+$0xFFFFFFE0] =	vst v11  }
0xa2: {  	v18 =	vor.u32 s7, v0;
	v11 =	vld.idx.msk [tilespmem:v19+s24+$0x0], $0xffff;
	[tilespmem:s30+$0xFFFFFFF0] =	vst v12  }
0xa3: {  	v19 =	vor.u32 s7, v1;
	v12 =	vld.idx.msk [tilespmem:v20+s24+$0x0], $0xffff;
	[tilespmem:s4+$0xFFFFFFF0] =	vst v13  }
0xa4: {  	v20 =	vor.u32 s7, v2;
	v13 =	vld.idx.msk [tilespmem:v21+s24+$0x0], $0xffff;
	[tilespmem:s30+$0x0] =	vst v14  }
0xa5: {  	v21 =	vor.u32 s7, v3;
	v14 =	vld.idx.msk [tilespmem:v16+s24+$0x0], $0xffff;
	[tilespmem:s4+$0x0] =	vst v15  }
0xa6: {  	v16 =	vor.u32 s7, v4;
	v15 =	vld.idx.msk [tilespmem:v17+s24+$0x0], $0xffff;
	[tilespmem:s30+$0xFFFFFED0] =	vst v8  }
0xa7: {  	v17 =	vor.u32 s7, v5;
	v8 =	vld.idx.msk [tilespmem:v18+s24+$0x0], $0xffff;
	[tilespmem:s4+$0xFFFFFED0] =	vst v9  }
0xa8: {  	v18 =	vor.u32 s7, v6;
	v9 =	vld.idx.msk [tilespmem:v19+s24+$0x0], $0xffff;
	[tilespmem:s30+$0xFFFFFEE0] =	vst v10  }
0xa9: {  	v19 =	vor.u32 s7, v7;
	v10 =	vld.idx.msk [tilespmem:v20+s24+$0x0], $0xffff;
	[tilespmem:s4+$0xFFFFFEE0] =	vst v11  }
0xaa: {  	v20 =	vor.u32 s8, v0;
	v11 =	vld.idx.msk [tilespmem:v21+s24+$0x0], $0xffff;
	[tilespmem:s30+$0xFFFFFEF0] =	vst v12  }
0xab: {  	v21 =	vor.u32 s8, v1;
	v12 =	vld.idx.msk [tilespmem:v16+s24+$0x0], $0xffff;
	[tilespmem:s4+$0xFFFFFEF0] =	vst v13  }
0xac: {  	v23 =	vor.u32 s8, v6;
	v13 =	vld.idx.msk [tilespmem:v17+s24+$0x0], $0xffff;
	[tilespmem:s30+$0xFFFFFF00] =	vst v14  }
0xad: {  	v16 =	vor.u32 s8, v2;
	v18 =	vld.idx.msk [tilespmem:v18+s24+$0x0], $0xffff;
	[tilespmem:s4+$0xFFFFFF00] =	vst v15  }
0xae: {  	v17 =	vor.u32 s8, v3;
	v15 =	vld.idx.msk [tilespmem:v19+s24+$0x0], $0xffff;
	[tilespmem:s30+$0xFFFFFF50] =	vst v8  }
0xaf: {  	v19 =	vld.idx.msk [tilespmem:v20+s24+$0x0], $0xffff;
	v20 =	vor.u32 s8, v5;
	[tilespmem:s4+$0xFFFFFF50] =	vst v9  }
0xb0: {  	s5 =	simm.s32 $0x2200;
	s7 =	simm.s32 $0x2300;
	v33 =	vld.idx.msk [tilespmem:v21+s24+$0x0], $0xffff;
	v21 =	vor.u32 s8, v7;
	[tilespmem:s30+$0xFFFFFF60] =	vst v10  }
0xb1: {  	v28 =	vld.idx.msk [tilespmem:v23+s24+$0x0], $0xffff;
	s9 =	simm.s32 $0x2280;
	v24 =	vor.u32 s7, v0;
	v23 =	vor.u32 s7, v4;
	s8 =	simm.s32 $0x2380;
	v10 =	vor.u32 s5, v0;
	[tilespmem:s4+$0xFFFFFF60] =	vst v11  }
0xb2: {  	v22 =	vor.u32 s9, v6;
	v14 =	vor.u32 s9, v0;
	v62 =	vld.idx.msk [tilespmem:v16+s24+$0x0], $0xffff;
	v30 =	vor.u32 s8, v0;
	[tilespmem:s30+$0xFFFFFF70] =	vst v12  }
0xb3: {  	v8 =	vor.u32 s5, v2;
	v9 =	vor.u32 s5, v1;
	v63 =	vor.u32 s8, v1;
	v25 =	vld.idx.msk [tilespmem:v17+s24+$0x0], $0xffff;
	[tilespmem:s4+$0xFFFFFF70] =	vst v13  }
0xb4: {  	v16 =	vor.u32 s9, v2;
	v31 =	vor.u32 s8, v2;
	v32 =	vor.u32 s8, v3;
	v27 =	vld.idx.msk [tilespmem:v20+s24+$0x0], $0xffff;
	[tilespmem:s30+$0xFFFFFF80] =	vst v18  }
0xb5: {  	v34 =	vor.u32 s8, v4;
	v35 =	vor.u32 s8, v5;
	v36 =	vor.u32 s8, v6;
	v29 =	vld.idx.msk [tilespmem:v21+s24+$0x0], $0xffff;
	[tilespmem:s30+$0xFFFFFE50] =	vst v19  }
0xb6: {  	v11 =	vor.u32 s9, v1;
	v17 =	vor.u32 s9, v7;
	v12 =	vor.u32 s9, v3;
	[tilespmem:s4+$0xFFFFFF80] =	vst v15;
	v10 =	vld.idx.msk [tilespmem:v10+s24+$0x0], $0xffff  }
0xb7: {  	v20 =	vor.u32 s9, v4;
	v13 =	vor.u32 s9, v5;
	v18 =	vor.u32 s7, v1;
	v30 =	vld.idx.msk [tilespmem:v30+s24+$0x0], $0xffff;
	[tilespmem:s4+$0xFFFFFE50] =	vst v33  }
0xb8: {  	s6 =	simm.s32 $0x48;
	v21 =	vor.u32 s7, v2;
	v19 =	vor.u32 s7, v5;
	v15 =	vor.u32 s7, v3;
	v33 =	vld.idx.msk [tilespmem:v63+s24+$0x0], $0xffff;
	[tilespmem:s30+$0xFFFFFE60] =	vst v62  }
.LBB2_4:
0xb9: {  	p0 =	slt.u32 s6, $0x7C;
	v37 =	vor.u32 s7, v6;
	v38 =	vor.u32 s7, v7;
	v31 =	vld.idx.msk [tilespmem:v31+s24+$0x0], $0xffff;
	v39 =	vor.u32 s8, v7;
	[tilespmem:s4+$0xFFFFFE60] =	vst v25  }
0xba: {  	v25 =	vor.u32 s5, v3;
	v40 =	vor.u32 s5, v4;
	v41 =	vor.u32 s5, v5;
	v32 =	vld.idx.msk [tilespmem:v32+s24+$0x0], $0xffff;
	[tilespmem:s30+$0xFFFFFE70] =	vst v26  }
0xbb: {  	v42 =	vor.u32 s5, v6;
	v43 =	vor.u32 s5, v7;
	v26 =	vld.idx.msk [tilespmem:v34+s24+$0x0], $0xffff;
	[tilespmem:s4+$0xFFFFFE70] =	vst v27  }
0xbc: {  	v27 =	vld.idx.msk [tilespmem:v35+s24+$0x0], $0xffff;
	[tilespmem:s30+$0xFFFFFE80] =	vst v28  }
0xbd: {  	s30 =	sadd.s32 $0x200, s30;
	v28 =	vld.idx.msk [tilespmem:v36+s24+$0x0], $0xffff;
	[tilespmem:s4+$0xFFFFFE80] =	vst v29  }
0xbe: {  	s4 =	sadd.s32 $0x200, s4;
	v29 =	vld.idx.msk [tilespmem:v39+s24+$0x0], $0xffff;
	[tilespmem:s30+$0xFFFFFFD0] =	vst v30  }
0xbf: {  	v14 =	vld.idx.msk [tilespmem:v14+s24+$0x0], $0xffff;
	[tilespmem:s4+$0xFFFFFFD0] =	vst v33  }
0xc0: {  	v11 =	vld.idx.msk [tilespmem:v11+s24+$0x0], $0xffff;
	[tilespmem:s30+$0xFFFFFFE0] =	vst v31  }
0xc1: {  	v16 =	vld.idx.msk [tilespmem:v16+s24+$0x0], $0xffff;
	[tilespmem:s4+$0xFFFFFFE0] =	vst v32  }
0xc2: {  	v12 =	vld.idx.msk [tilespmem:v12+s24+$0x0], $0xffff;
	[tilespmem:s30+$0xFFFFFFF0] =	vst v26  }
0xc3: {  	v20 =	vld.idx.msk [tilespmem:v20+s24+$0x0], $0xffff;
	[tilespmem:s4+$0xFFFFFFF0] =	vst v27  }
0xc4: {  	v13 =	vld.idx.msk [tilespmem:v13+s24+$0x0], $0xffff;
	[tilespmem:s30+$0x0] =	vst v28  }
0xc5: {  	v22 =	vld.idx.msk [tilespmem:v22+s24+$0x0], $0xffff;
	[tilespmem:s4+$0x0] =	vst v29  }
0xc6: {  	v17 =	vld.idx.msk [tilespmem:v17+s24+$0x0], $0xffff;
	[tilespmem:s30+$0xFFFFFED0] =	vst v14  }
0xc7: {  	[tilespmem:s4+$0xFFFFFED0] =	vst v11;
	v11 =	vld.idx.msk [tilespmem:v24+s24+$0x0], $0xffff  }
0xc8: {  	[tilespmem:s30+$0xFFFFFEE0] =	vst v16;
	v14 =	vld.idx.msk [tilespmem:v18+s24+$0x0], $0xffff  }
0xc9: {  	[tilespmem:s4+$0xFFFFFEE0] =	vst v12;
	v12 =	vld.idx.msk [tilespmem:v21+s24+$0x0], $0xffff  }
0xca: {  	[tilespmem:s30+$0xFFFFFEF0] =	vst v20;
	v15 =	vld.idx.msk [tilespmem:v15+s24+$0x0], $0xffff  }
0xcb: {  	[tilespmem:s4+$0xFFFFFEF0] =	vst v13;
	v13 =	vld.idx.msk [tilespmem:v23+s24+$0x0], $0xffff  }
0xcc: {  	[tilespmem:s30+$0xFFFFFF00] =	vst v22;
	v18 =	vld.idx.msk [tilespmem:v19+s24+$0x0], $0xffff  }
0xcd: {  	[tilespmem:s4+$0xFFFFFF00] =	vst v17;
	v17 =	vld.idx.msk [tilespmem:v37+s24+$0x0], $0xffff  }
0xce: {  	v19 =	vld.idx.msk [tilespmem:v38+s24+$0x0], $0xffff;
	[tilespmem:s30+$0xFFFFFF50] =	vst v11  }
0xcf: {  	v23 =	vld.idx.msk [tilespmem:v9+s24+$0x0], $0xffff;
	[tilespmem:s4+$0xFFFFFF50] =	vst v14  }
0xd0: {  	s5 =	sshll.u32 s6, $0x7;
	v37 =	vld.idx.msk [tilespmem:v8+s24+$0x0], $0xffff;
	[tilespmem:s30+$0xFFFFFF60] =	vst v12  }
0xd1: {  	s9 =	sadd.s32 $0x80, s5;
	s7 =	sadd.s32 $0x100, s5;
	s8 =	sadd.s32 $0x180, s5;
	v21 =	vor.u32 s5, v0;
	v9 =	vor.u32 s5, v1;
	v8 =	vor.u32 s5, v2;
	v25 =	vld.idx.msk [tilespmem:v25+s24+$0x0], $0xffff;
	[tilespmem:s4+$0xFFFFFF60] =	vst v15  }
0xd2: {  	v30 =	vor.u32 s8, v0;
	v11 =	vor.u32 s9, v1;
	v14 =	vor.u32 s9, v0;
	v26 =	vld.idx.msk [tilespmem:v40+s24+$0x0], $0xffff;
	[tilespmem:s30+$0xFFFFFF70] =	vst v13  }
0xd3: {  	v33 =	vor.u32 s8, v1;
	v16 =	vor.u32 s9, v2;
	v12 =	vor.u32 s9, v3;
	v27 =	vld.idx.msk [tilespmem:v41+s24+$0x0], $0xffff;
	[tilespmem:s4+$0xFFFFFF70] =	vst v18  }
.Ltmp1:
0xd4: {  	v31 =	vor.u32 s8, v2;
	v20 =	vor.u32 s9, v4;
	v13 =	vor.u32 s9, v5;
	v28 =	vld.idx.msk [tilespmem:v42+s24+$0x0], $0xffff;
	[tilespmem:s30+$0xFFFFFF80] =	vst v17;
	(pc) =	sbr.rel @p0 .LBB2_4-.Ltmp1, $4  }
0xd5: {  	v32 =	vor.u32 s8, v3;
	v22 =	vor.u32 s9, v6;
	v17 =	vor.u32 s9, v7;
	v29 =	vld.idx.msk [tilespmem:v43+s24+$0x0], $0xffff;
	[tilespmem:s4+$0xFFFFFF80] =	vst v19  }
0xd6: {  	v34 =	vor.u32 s8, v4;
	v24 =	vor.u32 s7, v0;
	v18 =	vor.u32 s7, v1;
	[tilespmem:s30+$0xFFFFFE50] =	vst v10;
	v10 =	vld.idx.msk [tilespmem:v21+s24+$0x0], $0xffff  }
0xd7: {  	v35 =	vor.u32 s8, v5;
	v15 =	vor.u32 s7, v3;
	v21 =	vor.u32 s7, v2;
	v30 =	vld.idx.msk [tilespmem:v30+s24+$0x0], $0xffff;
	[tilespmem:s4+$0xFFFFFE50] =	vst v23  }
0xd8: {  	s6 =	sadd.s32 $0x4, s6;
	v36 =	vor.u32 s8, v6;
	v19 =	vor.u32 s7, v5;
	v23 =	vor.u32 s7, v4;
	v33 =	vld.idx.msk [tilespmem:v33+s24+$0x0], $0xffff;
	[tilespmem:s30+$0xFFFFFE60] =	vst v37  }
0xd9: {  	_ =	sdelay $0x3  }
0xda: {  	v31 =	vld.idx.msk [tilespmem:v31+s24+$0x0], $0xffff  }
0xdb: {  	[tilespmem:s4+$0xFFFFFE60] =	vst v25;
	v25 =	vld.idx.msk [tilespmem:v32+s24+$0x0], $0xffff  }
0xdc: {  	v14 =	vld.idx.msk [tilespmem:v14+s24+$0x0], $0xffff  }
0xdd: {  	v11 =	vld.idx.msk [tilespmem:v11+s24+$0x0], $0xffff  }
0xde: {  	v16 =	vld.idx.msk [tilespmem:v16+s24+$0x0], $0xffff  }
0xdf: {  	v12 =	vld.idx.msk [tilespmem:v12+s24+$0x0], $0xffff  }
0xe0: {  	v20 =	vld.idx.msk [tilespmem:v20+s24+$0x0], $0xffff  }
0xe1: {  	v37 =	vor.u32 s8, v7;
	v13 =	vld.idx.msk [tilespmem:v13+s24+$0x0], $0xffff  }
0xe2: {  	v22 =	vld.idx.msk [tilespmem:v22+s24+$0x0], $0xffff;
	[tilespmem:s30+$0xFFFFFE70] =	vst v26  }
0xe3: {  	v26 =	vld.idx.msk [tilespmem:v34+s24+$0x0], $0xffff;
	[tilespmem:s4+$0xFFFFFE70] =	vst v27  }
0xe4: {  	v27 =	vld.idx.msk [tilespmem:v35+s24+$0x0], $0xffff;
	[tilespmem:s30+$0xFFFFFE80] =	vst v28  }
0xe5: {  	s6 =	sadd.s32 $0x200, s30;
	v28 =	vld.idx.msk [tilespmem:v36+s24+$0x0], $0xffff;
	[tilespmem:s4+$0xFFFFFE80] =	vst v29  }
0xe6: {  	v29 =	vld.idx.msk [tilespmem:v37+s24+$0x0], $0xffff;
	[tilespmem:s6+$0xFFFFFFD0] =	vst v30  }
0xe7: {  	s9 =	sadd.s32 $0x200, s4;
	v17 =	vld.idx.msk [tilespmem:v17+s24+$0x0], $0xffff;
	[tilespmem:s6+$0xFFFFFED0] =	vst v14  }
0xe8: {  	[tilespmem:s9+$0xFFFFFFD0] =	vst v33  }
0xe9: {  	[tilespmem:s9+$0xFFFFFED0] =	vst v11  }
0xea: {  	[tilespmem:s6+$0xFFFFFFE0] =	vst v31  }
0xeb: {  	[tilespmem:s6+$0xFFFFFEE0] =	vst v16  }
0xec: {  	[tilespmem:s9+$0xFFFFFFE0] =	vst v25  }
0xed: {  	[tilespmem:s9+$0xFFFFFEE0] =	vst v12  }
0xee: {  	[tilespmem:s6+$0xFFFFFFF0] =	vst v26  }
0xef: {  	v14 =	vld.idx.msk [tilespmem:v24+s24+$0x0], $0xffff;
	[tilespmem:s6+$0xFFFFFEF0] =	vst v20  }
0xf0: {  	v24 =	vor.u32 s7, v6;
	v11 =	vld.idx.msk [tilespmem:v18+s24+$0x0], $0xffff;
	[tilespmem:s9+$0xFFFFFFF0] =	vst v27  }
0xf1: {  	v18 =	vor.u32 s7, v7;
	v16 =	vld.idx.msk [tilespmem:v21+s24+$0x0], $0xffff;
	[tilespmem:s9+$0xFFFFFEF0] =	vst v13  }
0xf2: {  	v12 =	vld.idx.msk [tilespmem:v15+s24+$0x0], $0xffff;
	[tilespmem:s6+$0x0] =	vst v28  }
0xf3: {  	v15 =	vld.idx.msk [tilespmem:v23+s24+$0x0], $0xffff;
	[tilespmem:s6+$0xFFFFFF00] =	vst v22  }
0xf4: {  	v13 =	vld.idx.msk [tilespmem:v19+s24+$0x0], $0xffff;
	v19 =	vor.u32 s5, v3;
	[tilespmem:s9+$0x0] =	vst v29  }
0xf5: {  	v21 =	vor.u32 s5, v4;
	v20 =	vld.idx.msk [tilespmem:v24+s24+$0x0], $0xffff;
	[tilespmem:s9+$0xFFFFFF00] =	vst v17  }
0xf6: {  	v17 =	vld.idx.msk [tilespmem:v18+s24+$0x0], $0xffff;
	v18 =	vor.u32 s5, v5;
	[tilespmem:s6+$0xFFFFFF50] =	vst v14  }
0xf7: {  	v9 =	vld.idx.msk [tilespmem:v9+s24+$0x0], $0xffff;
	v14 =	vor.u32 s5, v6;
	[tilespmem:s9+$0xFFFFFF50] =	vst v11  }
0xf8: {  	v8 =	vld.idx.msk [tilespmem:v8+s24+$0x0], $0xffff;
	v11 =	vor.u32 s5, v7;
	[tilespmem:s6+$0xFFFFFF60] =	vst v16  }
0xf9: {  	v16 =	vld.idx.msk [tilespmem:v19+s24+$0x0], $0xffff;
	[tilespmem:s9+$0xFFFFFF60] =	vst v12  }
0xfa: {  	v12 =	vld.idx.msk [tilespmem:v21+s24+$0x0], $0xffff;
	[tilespmem:s6+$0xFFFFFF70] =	vst v15  }
0xfb: {  	v15 =	vld.idx.msk [tilespmem:v18+s24+$0x0], $0xffff;
	[tilespmem:s9+$0xFFFFFF70] =	vst v13  }
0xfc: {  	v13 =	vld.idx.msk [tilespmem:v14+s24+$0x0], $0xffff;
	[tilespmem:s6+$0xFFFFFF80] =	vst v20  }
0xfd: {  	v11 =	vld.idx.msk [tilespmem:v11+s24+$0x0], $0xffff;
	[tilespmem:s6+$0xFFFFFE50] =	vst v10  }
0xfe: {  	[tilespmem:s9+$0xFFFFFF80] =	vst v17  }
0xff: {  	[tilespmem:s9+$0xFFFFFE50] =	vst v9  }
0x100: {  	[tilespmem:s6+$0xFFFFFE60] =	vst v8  }
0x101: {  	[tilespmem:s9+$0xFFFFFE60] =	vst v16  }
0x102: {  	[tilespmem:s6+$0xFFFFFE70] =	vst v12  }
0x103: {  	[tilespmem:s9+$0xFFFFFE70] =	vst v15  }
0x104: {  	[tilespmem:s6+$0xFFFFFE80] =	vst v13  }
0x105: {  	[tilespmem:s9+$0xFFFFFE80] =	vst v11  }
0x106: {  	s4 =	simm.s32 $0x0;
	s9 =	simm.s32 $0xA200;
	s8 =	rddreg [dreg:$0x7]  }
0x107: {  	[hbm4b:s8+s4] =	stream.linear.scatter [tilespmem:s9], [sflag:$0x5], $0x2000, $0x38;
	[tilespmem:$0x18200] =	vst v63  }
0x108: {  	s7 =	simm.s32 $0x12200;
	s6 =	rddreg [dreg:$0x8];
	s8 =	simm.s32 $0x180  }
0x109: {  	[hbm4b:s6+s4] =	stream.linear.scatter [tilespmem:s7], [sflag:$0x5], $0x2000, $0x38;
	[tilespmem:$0x18200] =	vst v63  }
0x10a: {  	s9 =	simm.s32 $0x100;
	v8 =	vor.u32 s8, v0  }
0x10b: {  	v9 =	vor.u32 s8, v1;
	[tilespmem:s24], [sflag:$0x3] =	stream.indirect.gather [hbm4b:s1+s23], $0x80, s9, s23, $0xb8;
	[tilespmem:$0x18200] =	vst v63  }
0x10c: {  	v10 =	vor.u32 s8, v2;
	_ =	swait.ge [sflag:s3], $0x4000  }
0x10d: {  	v11 =	vor.u32 s8, v3;
	[sflag:s3] =	ssyncset.done $0x0  }
0x10e: {  	v12 =	vor.u32 s8, v4;
	[sflag:s3] =	ssyncadd.s32 $0xFFFFC000  }
0x10f: {  	v13 =	vor.u32 s8, v5;
	v8 =	vld.idx.msk [tilespmem:v8+s25+$0x0], $0xffff  }
0x110: {  	v14 =	vor.u32 s8, v6;
	v9 =	vld.idx.msk [tilespmem:v9+s25+$0x0], $0xffff  }
0x111: {  	v15 =	vor.u32 s8, v7;
	s8 =	simm.s32 $0x0;
	v10 =	vld.idx.msk [tilespmem:v10+s25+$0x0], $0xffff  }
0x112: {  	s6 =	simm.s32 $0x80;
	v22 =	vor.u32 s8, v4;
	v11 =	vld.idx.msk [tilespmem:v11+s25+$0x0], $0xffff  }
0x113: {  	v16 =	vor.u32 s6, v0;
	v12 =	vld.idx.msk [tilespmem:v12+s25+$0x0], $0xffff  }
0x114: {  	v17 =	vor.u32 s6, v1;
	v13 =	vld.idx.msk [tilespmem:v13+s25+$0x0], $0xffff  }
0x115: {  	v18 =	vor.u32 s6, v2;
	v14 =	vld.idx.msk [tilespmem:v14+s25+$0x0], $0xffff  }
0x116: {  	s30 =	simm.s32 $0xC300;
	v19 =	vor.u32 s6, v3;
	v15 =	vld.idx.msk [tilespmem:v15+s25+$0x0], $0xffff  }
0x117: {  	s4 =	simm.s32 $0x14300;
	v20 =	vor.u32 s6, v4;
	v26 =	vld.idx.msk [tilespmem:v22+s25+$0x0], $0xffff;
	[tilespmem:s30+$0x80] =	vst v8  }
0x118: {  	v21 =	vor.u32 s6, v5;
	v8 =	vld.idx.msk [tilespmem:v16+s25+$0x0], $0xffff;
	[tilespmem:s4+$0x80] =	vst v9  }
0x119: {  	v16 =	vor.u32 s6, v6;
	v9 =	vld.idx.msk [tilespmem:v17+s25+$0x0], $0xffff;
	[tilespmem:s30+$0x90] =	vst v10  }
0x11a: {  	s7 =	simm.s32 $0x100;
	v17 =	vor.u32 s6, v7;
	v10 =	vld.idx.msk [tilespmem:v18+s25+$0x0], $0xffff;
	[tilespmem:s4+$0x90] =	vst v11  }
0x11b: {  	v18 =	vor.u32 s7, v0;
	v11 =	vld.idx.msk [tilespmem:v19+s25+$0x0], $0xffff;
	[tilespmem:s30+$0xA0] =	vst v12  }
0x11c: {  	v19 =	vor.u32 s7, v1;
	v12 =	vld.idx.msk [tilespmem:v20+s25+$0x0], $0xffff;
	[tilespmem:s4+$0xA0] =	vst v13  }
0x11d: {  	v20 =	vor.u32 s7, v2;
	v13 =	vld.idx.msk [tilespmem:v21+s25+$0x0], $0xffff;
	[tilespmem:s30+$0xB0] =	vst v14  }
0x11e: {  	v21 =	vor.u32 s7, v3;
	v14 =	vld.idx.msk [tilespmem:v16+s25+$0x0], $0xffff;
	[tilespmem:s4+$0xB0] =	vst v15  }
0x11f: {  	v16 =	vor.u32 s7, v4;
	v15 =	vld.idx.msk [tilespmem:v17+s25+$0x0], $0xffff;
	[tilespmem:s30+$0xFFFFFF80] =	vst v8  }
0x120: {  	v17 =	vor.u32 s7, v5;
	v8 =	vld.idx.msk [tilespmem:v18+s25+$0x0], $0xffff;
	[tilespmem:s4+$0xFFFFFF80] =	vst v9  }
0x121: {  	v18 =	vor.u32 s7, v6;
	v9 =	vld.idx.msk [tilespmem:v19+s25+$0x0], $0xffff;
	[tilespmem:s30+$0xFFFFFF90] =	vst v10  }
0x122: {  	v19 =	vor.u32 s7, v7;
	v10 =	vld.idx.msk [tilespmem:v20+s25+$0x0], $0xffff;
	[tilespmem:s4+$0xFFFFFF90] =	vst v11  }
0x123: {  	v20 =	vor.u32 s8, v0;
	v11 =	vld.idx.msk [tilespmem:v21+s25+$0x0], $0xffff;
	[tilespmem:s30+$0xFFFFFFA0] =	vst v12  }
0x124: {  	v21 =	vor.u32 s8, v1;
	v12 =	vld.idx.msk [tilespmem:v16+s25+$0x0], $0xffff;
	[tilespmem:s4+$0xFFFFFFA0] =	vst v13  }
0x125: {  	v23 =	vor.u32 s8, v6;
	v13 =	vld.idx.msk [tilespmem:v17+s25+$0x0], $0xffff;
	[tilespmem:s30+$0xFFFFFFB0] =	vst v14  }
0x126: {  	v16 =	vor.u32 s8, v2;
	v18 =	vld.idx.msk [tilespmem:v18+s25+$0x0], $0xffff;
	[tilespmem:s4+$0xFFFFFFB0] =	vst v15  }
0x127: {  	v17 =	vor.u32 s8, v3;
	v15 =	vld.idx.msk [tilespmem:v19+s25+$0x0], $0xffff;
	[tilespmem:s30+$0x0] =	vst v8  }
0x128: {  	v19 =	vld.idx.msk [tilespmem:v20+s25+$0x0], $0xffff;
	v20 =	vor.u32 s8, v5;
	[tilespmem:s4+$0x0] =	vst v9  }
0x129: {  	s5 =	simm.s32 $0x200;
	s7 =	simm.s32 $0x300;
	v61 =	vld.idx.msk [tilespmem:v21+s25+$0x0], $0xffff;
	v21 =	vor.u32 s8, v7;
	[tilespmem:s30+$0x10] =	vst v10  }
0x12a: {  	s9 =	simm.s32 $0x280;
	v28 =	vld.idx.msk [tilespmem:v23+s25+$0x0], $0xffff;
	v24 =	vor.u32 s7, v0;
	v23 =	vor.u32 s7, v4;
	s8 =	simm.s32 $0x380;
	v10 =	vor.u32 s5, v0;
	[tilespmem:s4+$0x10] =	vst v11  }
0x12b: {  	v22 =	vor.u32 s9, v6;
	v14 =	vor.u32 s9, v0;
	v62 =	vld.idx.msk [tilespmem:v16+s25+$0x0], $0xffff;
	v30 =	vor.u32 s8, v0;
	[tilespmem:s30+$0x20] =	vst v12  }
0x12c: {  	v8 =	vor.u32 s5, v2;
	v9 =	vor.u32 s5, v1;
	v63 =	vor.u32 s8, v1;
	v25 =	vld.idx.msk [tilespmem:v17+s25+$0x0], $0xffff;
	[tilespmem:s4+$0x20] =	vst v13  }
0x12d: {  	v16 =	vor.u32 s9, v2;
	v31 =	vor.u32 s8, v2;
	v32 =	vor.u32 s8, v3;
	v27 =	vld.idx.msk [tilespmem:v20+s25+$0x0], $0xffff;
	[tilespmem:s30+$0x30] =	vst v18  }
0x12e: {  	v34 =	vor.u32 s8, v4;
	v35 =	vor.u32 s8, v5;
	v36 =	vor.u32 s8, v6;
	v29 =	vld.idx.msk [tilespmem:v21+s25+$0x0], $0xffff;
	[tilespmem:s30+$0xFFFFFF00] =	vst v19  }
0x12f: {  	v11 =	vor.u32 s9, v1;
	v17 =	vor.u32 s9, v7;
	v12 =	vor.u32 s9, v3;
	[tilespmem:s4+$0x30] =	vst v15;
	v10 =	vld.idx.msk [tilespmem:v10+s25+$0x0], $0xffff  }
0x130: {  	v20 =	vor.u32 s9, v4;
	v13 =	vor.u32 s9, v5;
	v18 =	vor.u32 s7, v1;
	v30 =	vld.idx.msk [tilespmem:v30+s25+$0x0], $0xffff;
	[tilespmem:s4+$0xFFFFFF00] =	vst v61  }
0x131: {  	s6 =	simm.s32 $0x8;
	v21 =	vor.u32 s7, v2;
	v19 =	vor.u32 s7, v5;
	v15 =	vor.u32 s7, v3;
	v33 =	vld.idx.msk [tilespmem:v63+s25+$0x0], $0xffff;
	[tilespmem:s30+$0xFFFFFF10] =	vst v62  }
.LBB2_6:
0x132: {  	p0 =	slt.u32 s6, $0x3C;
	v37 =	vor.u32 s7, v6;
	v38 =	vor.u32 s7, v7;
	v31 =	vld.idx.msk [tilespmem:v31+s25+$0x0], $0xffff;
	v39 =	vor.u32 s8, v7;
	[tilespmem:s4+$0xFFFFFF10] =	vst v25  }
0x133: {  	v25 =	vor.u32 s5, v3;
	v40 =	vor.u32 s5, v4;
	v41 =	vor.u32 s5, v5;
	v32 =	vld.idx.msk [tilespmem:v32+s25+$0x0], $0xffff;
	[tilespmem:s30+$0xFFFFFF20] =	vst v26  }
0x134: {  	v42 =	vor.u32 s5, v6;
	v43 =	vor.u32 s5, v7;
	v26 =	vld.idx.msk [tilespmem:v34+s25+$0x0], $0xffff;
	[tilespmem:s4+$0xFFFFFF20] =	vst v27  }
0x135: {  	v27 =	vld.idx.msk [tilespmem:v35+s25+$0x0], $0xffff;
	[tilespmem:s30+$0xFFFFFF30] =	vst v28  }
0x136: {  	s30 =	sadd.s32 $0x200, s30;
	v28 =	vld.idx.msk [tilespmem:v36+s25+$0x0], $0xffff;
	[tilespmem:s4+$0xFFFFFF30] =	vst v29  }
0x137: {  	s4 =	sadd.s32 $0x200, s4;
	v29 =	vld.idx.msk [tilespmem:v39+s25+$0x0], $0xffff;
	[tilespmem:s30+$0x80] =	vst v30  }
0x138: {  	v14 =	vld.idx.msk [tilespmem:v14+s25+$0x0], $0xffff;
	[tilespmem:s4+$0x80] =	vst v33  }
0x139: {  	v11 =	vld.idx.msk [tilespmem:v11+s25+$0x0], $0xffff;
	[tilespmem:s30+$0x90] =	vst v31  }
0x13a: {  	v16 =	vld.idx.msk [tilespmem:v16+s25+$0x0], $0xffff;
	[tilespmem:s4+$0x90] =	vst v32  }
0x13b: {  	v12 =	vld.idx.msk [tilespmem:v12+s25+$0x0], $0xffff;
	[tilespmem:s30+$0xA0] =	vst v26  }
0x13c: {  	v20 =	vld.idx.msk [tilespmem:v20+s25+$0x0], $0xffff;
	[tilespmem:s4+$0xA0] =	vst v27  }
0x13d: {  	v13 =	vld.idx.msk [tilespmem:v13+s25+$0x0], $0xffff;
	[tilespmem:s30+$0xB0] =	vst v28  }
0x13e: {  	v22 =	vld.idx.msk [tilespmem:v22+s25+$0x0], $0xffff;
	[tilespmem:s4+$0xB0] =	vst v29  }
0x13f: {  	v17 =	vld.idx.msk [tilespmem:v17+s25+$0x0], $0xffff;
	[tilespmem:s30+$0xFFFFFF80] =	vst v14  }
0x140: {  	[tilespmem:s4+$0xFFFFFF80] =	vst v11;
	v11 =	vld.idx.msk [tilespmem:v24+s25+$0x0], $0xffff  }
0x141: {  	[tilespmem:s30+$0xFFFFFF90] =	vst v16;
	v14 =	vld.idx.msk [tilespmem:v18+s25+$0x0], $0xffff  }
0x142: {  	[tilespmem:s4+$0xFFFFFF90] =	vst v12;
	v12 =	vld.idx.msk [tilespmem:v21+s25+$0x0], $0xffff  }
0x143: {  	[tilespmem:s30+$0xFFFFFFA0] =	vst v20;
	v15 =	vld.idx.msk [tilespmem:v15+s25+$0x0], $0xffff  }
0x144: {  	[tilespmem:s4+$0xFFFFFFA0] =	vst v13;
	v13 =	vld.idx.msk [tilespmem:v23+s25+$0x0], $0xffff  }
0x145: {  	[tilespmem:s30+$0xFFFFFFB0] =	vst v22;
	v18 =	vld.idx.msk [tilespmem:v19+s25+$0x0], $0xffff  }
0x146: {  	[tilespmem:s4+$0xFFFFFFB0] =	vst v17;
	v17 =	vld.idx.msk [tilespmem:v37+s25+$0x0], $0xffff  }
0x147: {  	v19 =	vld.idx.msk [tilespmem:v38+s25+$0x0], $0xffff;
	[tilespmem:s30+$0x0] =	vst v11  }
0x148: {  	v23 =	vld.idx.msk [tilespmem:v9+s25+$0x0], $0xffff;
	[tilespmem:s4+$0x0] =	vst v14  }
0x149: {  	s5 =	sshll.u32 s6, $0x7;
	v37 =	vld.idx.msk [tilespmem:v8+s25+$0x0], $0xffff;
	[tilespmem:s30+$0x10] =	vst v12  }
0x14a: {  	s9 =	sadd.s32 $0x80, s5;
	s7 =	sadd.s32 $0x100, s5;
	s8 =	sadd.s32 $0x180, s5;
	v21 =	vor.u32 s5, v0;
	v9 =	vor.u32 s5, v1;
	v8 =	vor.u32 s5, v2;
	v25 =	vld.idx.msk [tilespmem:v25+s25+$0x0], $0xffff;
	[tilespmem:s4+$0x10] =	vst v15  }
0x14b: {  	v30 =	vor.u32 s8, v0;
	v11 =	vor.u32 s9, v1;
	v14 =	vor.u32 s9, v0;
	v26 =	vld.idx.msk [tilespmem:v40+s25+$0x0], $0xffff;
	[tilespmem:s30+$0x20] =	vst v13  }
0x14c: {  	v33 =	vor.u32 s8, v1;
	v16 =	vor.u32 s9, v2;
	v12 =	vor.u32 s9, v3;
	v27 =	vld.idx.msk [tilespmem:v41+s25+$0x0], $0xffff;
	[tilespmem:s4+$0x20] =	vst v18  }
.Ltmp2:
0x14d: {  	v31 =	vor.u32 s8, v2;
	v20 =	vor.u32 s9, v4;
	v13 =	vor.u32 s9, v5;
	v28 =	vld.idx.msk [tilespmem:v42+s25+$0x0], $0xffff;
	[tilespmem:s30+$0x30] =	vst v17;
	(pc) =	sbr.rel @p0 .LBB2_6-.Ltmp2, $4  }
0x14e: {  	v32 =	vor.u32 s8, v3;
	v22 =	vor.u32 s9, v6;
	v17 =	vor.u32 s9, v7;
	v29 =	vld.idx.msk [tilespmem:v43+s25+$0x0], $0xffff;
	[tilespmem:s4+$0x30] =	vst v19  }
0x14f: {  	v34 =	vor.u32 s8, v4;
	v24 =	vor.u32 s7, v0;
	v18 =	vor.u32 s7, v1;
	[tilespmem:s30+$0xFFFFFF00] =	vst v10;
	v10 =	vld.idx.msk [tilespmem:v21+s25+$0x0], $0xffff  }
0x150: {  	v35 =	vor.u32 s8, v5;
	v15 =	vor.u32 s7, v3;
	v21 =	vor.u32 s7, v2;
	v30 =	vld.idx.msk [tilespmem:v30+s25+$0x0], $0xffff;
	[tilespmem:s4+$0xFFFFFF00] =	vst v23  }
0x151: {  	s6 =	sadd.s32 $0x4, s6;
	v36 =	vor.u32 s8, v6;
	v19 =	vor.u32 s7, v5;
	v23 =	vor.u32 s7, v4;
	v33 =	vld.idx.msk [tilespmem:v33+s25+$0x0], $0xffff;
	[tilespmem:s30+$0xFFFFFF10] =	vst v37  }
0x152: {  	_ =	sdelay $0x3  }
0x153: {  	v31 =	vld.idx.msk [tilespmem:v31+s25+$0x0], $0xffff  }
0x154: {  	[tilespmem:s4+$0xFFFFFF10] =	vst v25;
	v25 =	vld.idx.msk [tilespmem:v32+s25+$0x0], $0xffff  }
0x155: {  	v14 =	vld.idx.msk [tilespmem:v14+s25+$0x0], $0xffff  }
0x156: {  	v11 =	vld.idx.msk [tilespmem:v11+s25+$0x0], $0xffff  }
0x157: {  	v16 =	vld.idx.msk [tilespmem:v16+s25+$0x0], $0xffff  }
0x158: {  	v12 =	vld.idx.msk [tilespmem:v12+s25+$0x0], $0xffff  }
0x159: {  	v20 =	vld.idx.msk [tilespmem:v20+s25+$0x0], $0xffff  }
0x15a: {  	v37 =	vor.u32 s8, v7;
	v13 =	vld.idx.msk [tilespmem:v13+s25+$0x0], $0xffff  }
0x15b: {  	v22 =	vld.idx.msk [tilespmem:v22+s25+$0x0], $0xffff;
	[tilespmem:s30+$0xFFFFFF20] =	vst v26  }
0x15c: {  	v26 =	vld.idx.msk [tilespmem:v34+s25+$0x0], $0xffff;
	[tilespmem:s4+$0xFFFFFF20] =	vst v27  }
0x15d: {  	v27 =	vld.idx.msk [tilespmem:v35+s25+$0x0], $0xffff;
	[tilespmem:s30+$0xFFFFFF30] =	vst v28  }
0x15e: {  	s6 =	sadd.s32 $0x200, s30;
	v28 =	vld.idx.msk [tilespmem:v36+s25+$0x0], $0xffff;
	[tilespmem:s4+$0xFFFFFF30] =	vst v29  }
0x15f: {  	v29 =	vld.idx.msk [tilespmem:v37+s25+$0x0], $0xffff;
	[tilespmem:s6+$0x80] =	vst v30  }
0x160: {  	s9 =	sadd.s32 $0x200, s4;
	v17 =	vld.idx.msk [tilespmem:v17+s25+$0x0], $0xffff;
	[tilespmem:s6+$0xFFFFFF80] =	vst v14  }
0x161: {  	[tilespmem:s9+$0x80] =	vst v33  }
0x162: {  	[tilespmem:s9+$0xFFFFFF80] =	vst v11  }
0x163: {  	[tilespmem:s6+$0x90] =	vst v31  }
0x164: {  	[tilespmem:s6+$0xFFFFFF90] =	vst v16  }
0x165: {  	[tilespmem:s9+$0x90] =	vst v25  }
0x166: {  	[tilespmem:s9+$0xFFFFFF90] =	vst v12  }
0x167: {  	[tilespmem:s6+$0xA0] =	vst v26  }
0x168: {  	v14 =	vld.idx.msk [tilespmem:v24+s25+$0x0], $0xffff;
	[tilespmem:s6+$0xFFFFFFA0] =	vst v20  }
0x169: {  	v24 =	vor.u32 s7, v6;
	v11 =	vld.idx.msk [tilespmem:v18+s25+$0x0], $0xffff;
	[tilespmem:s9+$0xA0] =	vst v27  }
0x16a: {  	v18 =	vor.u32 s7, v7;
	v16 =	vld.idx.msk [tilespmem:v21+s25+$0x0], $0xffff;
	[tilespmem:s9+$0xFFFFFFA0] =	vst v13  }
0x16b: {  	v12 =	vld.idx.msk [tilespmem:v15+s25+$0x0], $0xffff;
	[tilespmem:s6+$0xB0] =	vst v28  }
0x16c: {  	v15 =	vld.idx.msk [tilespmem:v23+s25+$0x0], $0xffff;
	[tilespmem:s6+$0xFFFFFFB0] =	vst v22  }
0x16d: {  	v13 =	vld.idx.msk [tilespmem:v19+s25+$0x0], $0xffff;
	v19 =	vor.u32 s5, v3;
	[tilespmem:s9+$0xB0] =	vst v29  }
0x16e: {  	v21 =	vor.u32 s5, v4;
	v20 =	vld.idx.msk [tilespmem:v24+s25+$0x0], $0xffff;
	[tilespmem:s9+$0xFFFFFFB0] =	vst v17  }
0x16f: {  	v17 =	vld.idx.msk [tilespmem:v18+s25+$0x0], $0xffff;
	v18 =	vor.u32 s5, v5;
	[tilespmem:s6+$0x0] =	vst v14  }
0x170: {  	v9 =	vld.idx.msk [tilespmem:v9+s25+$0x0], $0xffff;
	v14 =	vor.u32 s5, v6;
	[tilespmem:s9+$0x0] =	vst v11  }
0x171: {  	v8 =	vld.idx.msk [tilespmem:v8+s25+$0x0], $0xffff;
	v11 =	vor.u32 s5, v7;
	[tilespmem:s6+$0x10] =	vst v16  }
0x172: {  	v16 =	vld.idx.msk [tilespmem:v19+s25+$0x0], $0xffff;
	[tilespmem:s9+$0x10] =	vst v12  }
0x173: {  	v12 =	vld.idx.msk [tilespmem:v21+s25+$0x0], $0xffff;
	[tilespmem:s6+$0x20] =	vst v15  }
0x174: {  	v15 =	vld.idx.msk [tilespmem:v18+s25+$0x0], $0xffff;
	[tilespmem:s9+$0x20] =	vst v13  }
0x175: {  	v13 =	vld.idx.msk [tilespmem:v14+s25+$0x0], $0xffff;
	[tilespmem:s6+$0x30] =	vst v20  }
0x176: {  	v11 =	vld.idx.msk [tilespmem:v11+s25+$0x0], $0xffff;
	[tilespmem:s6+$0xFFFFFF00] =	vst v10  }
0x177: {  	[tilespmem:s9+$0x30] =	vst v17  }
0x178: {  	[tilespmem:s9+$0xFFFFFF00] =	vst v9  }
0x179: {  	[tilespmem:s6+$0xFFFFFF10] =	vst v8  }
0x17a: {  	[tilespmem:s9+$0xFFFFFF10] =	vst v16  }
0x17b: {  	[tilespmem:s6+$0xFFFFFF20] =	vst v12  }
0x17c: {  	[tilespmem:s9+$0xFFFFFF20] =	vst v15  }
0x17d: {  	s5 =	simm.s32 $0x2180;
	[tilespmem:s6+$0xFFFFFF30] =	vst v13  }
0x17e: {  	v8 =	vor.u32 s5, v0;
	[tilespmem:s9+$0xFFFFFF30] =	vst v11  }
0x17f: {  	s7 =	simm.s32 $0xC200;
	v9 =	vor.u32 s5, v1;
	s4 =	rddreg [dreg:$0x9]  }
0x180: {  	v10 =	vor.u32 s5, v2;
	[hbm4b:s4+s2] =	stream.linear.scatter [tilespmem:s7], [sflag:$0x5], $0x2000, $0x38;
	[tilespmem:$0x18200] =	vst v63  }
0x181: {  	s8 =	simm.s32 $0x14200;
	v11 =	vor.u32 s5, v3  }
0x182: {  	v12 =	vor.u32 s5, v4;
	[hbm4b:s10+s2] =	stream.linear.scatter [tilespmem:s8], [sflag:$0x5], $0x2000, $0x38;
	[tilespmem:$0x18200] =	vst v63  }
0x183: {  	v13 =	vor.u32 s5, v5;
	v8 =	vld.idx.msk [tilespmem:v8+s25+$0x0], $0xffff  }
0x184: {  	v14 =	vor.u32 s5, v6;
	v9 =	vld.idx.msk [tilespmem:v9+s25+$0x0], $0xffff  }
0x185: {  	v15 =	vor.u32 s5, v7;
	s9 =	simm.s32 $0x2080;
	v10 =	vld.idx.msk [tilespmem:v10+s25+$0x0], $0xffff  }
0x186: {  	v16 =	vor.u32 s9, v0;
	s8 =	simm.s32 $0x2000;
	v11 =	vld.idx.msk [tilespmem:v11+s25+$0x0], $0xffff  }
0x187: {  	v12 =	vld.idx.msk [tilespmem:v12+s25+$0x0], $0xffff;
	v22 =	vor.u32 s8, v4  }
0x188: {  	v17 =	vor.u32 s9, v1;
	v13 =	vld.idx.msk [tilespmem:v13+s25+$0x0], $0xffff  }
0x189: {  	v18 =	vor.u32 s9, v2;
	v14 =	vld.idx.msk [tilespmem:v14+s25+$0x0], $0xffff  }
0x18a: {  	s30 =	simm.s32 $0xE3B0;
	v19 =	vor.u32 s9, v3;
	v15 =	vld.idx.msk [tilespmem:v15+s25+$0x0], $0xffff  }
0x18b: {  	v20 =	vor.u32 s9, v4;
	s4 =	simm.s32 $0x163B0;
	[tilespmem:s30+$0xFFFFFFD0] =	vst v8;
	v8 =	vld.idx.msk [tilespmem:v16+s25+$0x0], $0xffff  }
0x18c: {  	v21 =	vor.u32 s9, v5;
	v26 =	vld.idx.msk [tilespmem:v22+s25+$0x0], $0xffff;
	[tilespmem:s4+$0xFFFFFFD0] =	vst v9  }
0x18d: {  	v16 =	vor.u32 s9, v6;
	v9 =	vld.idx.msk [tilespmem:v17+s25+$0x0], $0xffff;
	[tilespmem:s30+$0xFFFFFFE0] =	vst v10  }
0x18e: {  	s7 =	simm.s32 $0x2100;
	v17 =	vor.u32 s9, v7;
	v10 =	vld.idx.msk [tilespmem:v18+s25+$0x0], $0xffff;
	[tilespmem:s4+$0xFFFFFFE0] =	vst v11  }
0x18f: {  	v18 =	vor.u32 s7, v0;
	v11 =	vld.idx.msk [tilespmem:v19+s25+$0x0], $0xffff;
	[tilespmem:s30+$0xFFFFFFF0] =	vst v12  }
0x190: {  	v19 =	vor.u32 s7, v1;
	v12 =	vld.idx.msk [tilespmem:v20+s25+$0x0], $0xffff;
	[tilespmem:s4+$0xFFFFFFF0] =	vst v13  }
0x191: {  	v20 =	vor.u32 s7, v2;
	v13 =	vld.idx.msk [tilespmem:v21+s25+$0x0], $0xffff;
	[tilespmem:s30+$0x0] =	vst v14  }
0x192: {  	v21 =	vor.u32 s7, v3;
	v14 =	vld.idx.msk [tilespmem:v16+s25+$0x0], $0xffff;
	[tilespmem:s4+$0x0] =	vst v15  }
0x193: {  	v16 =	vor.u32 s7, v4;
	v15 =	vld.idx.msk [tilespmem:v17+s25+$0x0], $0xffff;
	[tilespmem:s30+$0xFFFFFED0] =	vst v8  }
0x194: {  	v17 =	vor.u32 s7, v5;
	v8 =	vld.idx.msk [tilespmem:v18+s25+$0x0], $0xffff;
	[tilespmem:s4+$0xFFFFFED0] =	vst v9  }
0x195: {  	v18 =	vor.u32 s7, v6;
	v9 =	vld.idx.msk [tilespmem:v19+s25+$0x0], $0xffff;
	[tilespmem:s30+$0xFFFFFEE0] =	vst v10  }
0x196: {  	v19 =	vor.u32 s7, v7;
	v10 =	vld.idx.msk [tilespmem:v20+s25+$0x0], $0xffff;
	[tilespmem:s4+$0xFFFFFEE0] =	vst v11  }
0x197: {  	v20 =	vor.u32 s8, v0;
	v11 =	vld.idx.msk [tilespmem:v21+s25+$0x0], $0xffff;
	[tilespmem:s30+$0xFFFFFEF0] =	vst v12  }
0x198: {  	v21 =	vor.u32 s8, v1;
	v12 =	vld.idx.msk [tilespmem:v16+s25+$0x0], $0xffff;
	[tilespmem:s4+$0xFFFFFEF0] =	vst v13  }
0x199: {  	v23 =	vor.u32 s8, v6;
	v13 =	vld.idx.msk [tilespmem:v17+s25+$0x0], $0xffff;
	[tilespmem:s30+$0xFFFFFF00] =	vst v14  }
0x19a: {  	v16 =	vor.u32 s8, v2;
	v18 =	vld.idx.msk [tilespmem:v18+s25+$0x0], $0xffff;
	[tilespmem:s4+$0xFFFFFF00] =	vst v15  }
0x19b: {  	v17 =	vor.u32 s8, v3;
	v15 =	vld.idx.msk [tilespmem:v19+s25+$0x0], $0xffff;
	[tilespmem:s30+$0xFFFFFF50] =	vst v8  }
0x19c: {  	v19 =	vld.idx.msk [tilespmem:v20+s25+$0x0], $0xffff;
	v20 =	vor.u32 s8, v5;
	[tilespmem:s4+$0xFFFFFF50] =	vst v9  }
0x19d: {  	s5 =	simm.s32 $0x2200;
	s7 =	simm.s32 $0x2300;
	v33 =	vld.idx.msk [tilespmem:v21+s25+$0x0], $0xffff;
	v21 =	vor.u32 s8, v7;
	[tilespmem:s30+$0xFFFFFF60] =	vst v10  }
0x19e: {  	v28 =	vld.idx.msk [tilespmem:v23+s25+$0x0], $0xffff;
	s9 =	simm.s32 $0x2280;
	v24 =	vor.u32 s7, v0;
	v23 =	vor.u32 s7, v4;
	s8 =	simm.s32 $0x2380;
	v10 =	vor.u32 s5, v0;
	[tilespmem:s4+$0xFFFFFF60] =	vst v11  }
0x19f: {  	v22 =	vor.u32 s9, v6;
	v14 =	vor.u32 s9, v0;
	v62 =	vld.idx.msk [tilespmem:v16+s25+$0x0], $0xffff;
	v30 =	vor.u32 s8, v0;
	[tilespmem:s30+$0xFFFFFF70] =	vst v12  }
0x1a0: {  	v8 =	vor.u32 s5, v2;
	v9 =	vor.u32 s5, v1;
	v63 =	vor.u32 s8, v1;
	v25 =	vld.idx.msk [tilespmem:v17+s25+$0x0], $0xffff;
	[tilespmem:s4+$0xFFFFFF70] =	vst v13  }
0x1a1: {  	v16 =	vor.u32 s9, v2;
	v31 =	vor.u32 s8, v2;
	v32 =	vor.u32 s8, v3;
	v27 =	vld.idx.msk [tilespmem:v20+s25+$0x0], $0xffff;
	[tilespmem:s30+$0xFFFFFF80] =	vst v18  }
0x1a2: {  	v34 =	vor.u32 s8, v4;
	v35 =	vor.u32 s8, v5;
	v36 =	vor.u32 s8, v6;
	v29 =	vld.idx.msk [tilespmem:v21+s25+$0x0], $0xffff;
	[tilespmem:s30+$0xFFFFFE50] =	vst v19  }
0x1a3: {  	v11 =	vor.u32 s9, v1;
	v17 =	vor.u32 s9, v7;
	v12 =	vor.u32 s9, v3;
	[tilespmem:s4+$0xFFFFFF80] =	vst v15;
	v10 =	vld.idx.msk [tilespmem:v10+s25+$0x0], $0xffff  }
0x1a4: {  	v20 =	vor.u32 s9, v4;
	v13 =	vor.u32 s9, v5;
	v18 =	vor.u32 s7, v1;
	v30 =	vld.idx.msk [tilespmem:v30+s25+$0x0], $0xffff;
	[tilespmem:s4+$0xFFFFFE50] =	vst v33  }
0x1a5: {  	s6 =	simm.s32 $0x48;
	v21 =	vor.u32 s7, v2;
	v19 =	vor.u32 s7, v5;
	v15 =	vor.u32 s7, v3;
	v33 =	vld.idx.msk [tilespmem:v63+s25+$0x0], $0xffff;
	[tilespmem:s30+$0xFFFFFE60] =	vst v62  }
.LBB2_8:
0x1a6: {  	p0 =	slt.u32 s6, $0x7C;
	v37 =	vor.u32 s7, v6;
	v38 =	vor.u32 s7, v7;
	v31 =	vld.idx.msk [tilespmem:v31+s25+$0x0], $0xffff;
	v39 =	vor.u32 s8, v7;
	[tilespmem:s4+$0xFFFFFE60] =	vst v25  }
0x1a7: {  	v25 =	vor.u32 s5, v3;
	v40 =	vor.u32 s5, v4;
	v41 =	vor.u32 s5, v5;
	v32 =	vld.idx.msk [tilespmem:v32+s25+$0x0], $0xffff;
	[tilespmem:s30+$0xFFFFFE70] =	vst v26  }
0x1a8: {  	v42 =	vor.u32 s5, v6;
	v43 =	vor.u32 s5, v7;
	v26 =	vld.idx.msk [tilespmem:v34+s25+$0x0], $0xffff;
	[tilespmem:s4+$0xFFFFFE70] =	vst v27  }
0x1a9: {  	v27 =	vld.idx.msk [tilespmem:v35+s25+$0x0], $0xffff;
	[tilespmem:s30+$0xFFFFFE80] =	vst v28  }
0x1aa: {  	s30 =	sadd.s32 $0x200, s30;
	v28 =	vld.idx.msk [tilespmem:v36+s25+$0x0], $0xffff;
	[tilespmem:s4+$0xFFFFFE80] =	vst v29  }
0x1ab: {  	s4 =	sadd.s32 $0x200, s4;
	v29 =	vld.idx.msk [tilespmem:v39+s25+$0x0], $0xffff;
	[tilespmem:s30+$0xFFFFFFD0] =	vst v30  }
0x1ac: {  	v14 =	vld.idx.msk [tilespmem:v14+s25+$0x0], $0xffff;
	[tilespmem:s4+$0xFFFFFFD0] =	vst v33  }
0x1ad: {  	v11 =	vld.idx.msk [tilespmem:v11+s25+$0x0], $0xffff;
	[tilespmem:s30+$0xFFFFFFE0] =	vst v31  }
0x1ae: {  	v16 =	vld.idx.msk [tilespmem:v16+s25+$0x0], $0xffff;
	[tilespmem:s4+$0xFFFFFFE0] =	vst v32  }
0x1af: {  	v12 =	vld.idx.msk [tilespmem:v12+s25+$0x0], $0xffff;
	[tilespmem:s30+$0xFFFFFFF0] =	vst v26  }
0x1b0: {  	v20 =	vld.idx.msk [tilespmem:v20+s25+$0x0], $0xffff;
	[tilespmem:s4+$0xFFFFFFF0] =	vst v27  }
0x1b1: {  	v13 =	vld.idx.msk [tilespmem:v13+s25+$0x0], $0xffff;
	[tilespmem:s30+$0x0] =	vst v28  }
0x1b2: {  	v22 =	vld.idx.msk [tilespmem:v22+s25+$0x0], $0xffff;
	[tilespmem:s4+$0x0] =	vst v29  }
0x1b3: {  	v17 =	vld.idx.msk [tilespmem:v17+s25+$0x0], $0xffff;
	[tilespmem:s30+$0xFFFFFED0] =	vst v14  }
0x1b4: {  	[tilespmem:s4+$0xFFFFFED0] =	vst v11;
	v11 =	vld.idx.msk [tilespmem:v24+s25+$0x0], $0xffff  }
0x1b5: {  	[tilespmem:s30+$0xFFFFFEE0] =	vst v16;
	v14 =	vld.idx.msk [tilespmem:v18+s25+$0x0], $0xffff  }
0x1b6: {  	[tilespmem:s4+$0xFFFFFEE0] =	vst v12;
	v12 =	vld.idx.msk [tilespmem:v21+s25+$0x0], $0xffff  }
0x1b7: {  	[tilespmem:s30+$0xFFFFFEF0] =	vst v20;
	v15 =	vld.idx.msk [tilespmem:v15+s25+$0x0], $0xffff  }
0x1b8: {  	[tilespmem:s4+$0xFFFFFEF0] =	vst v13;
	v13 =	vld.idx.msk [tilespmem:v23+s25+$0x0], $0xffff  }
0x1b9: {  	[tilespmem:s30+$0xFFFFFF00] =	vst v22;
	v18 =	vld.idx.msk [tilespmem:v19+s25+$0x0], $0xffff  }
0x1ba: {  	[tilespmem:s4+$0xFFFFFF00] =	vst v17;
	v17 =	vld.idx.msk [tilespmem:v37+s25+$0x0], $0xffff  }
0x1bb: {  	v19 =	vld.idx.msk [tilespmem:v38+s25+$0x0], $0xffff;
	[tilespmem:s30+$0xFFFFFF50] =	vst v11  }
0x1bc: {  	v23 =	vld.idx.msk [tilespmem:v9+s25+$0x0], $0xffff;
	[tilespmem:s4+$0xFFFFFF50] =	vst v14  }
0x1bd: {  	s5 =	sshll.u32 s6, $0x7;
	v37 =	vld.idx.msk [tilespmem:v8+s25+$0x0], $0xffff;
	[tilespmem:s30+$0xFFFFFF60] =	vst v12  }
0x1be: {  	s9 =	sadd.s32 $0x80, s5;
	s7 =	sadd.s32 $0x100, s5;
	s8 =	sadd.s32 $0x180, s5;
	v21 =	vor.u32 s5, v0;
	v9 =	vor.u32 s5, v1;
	v8 =	vor.u32 s5, v2;
	v25 =	vld.idx.msk [tilespmem:v25+s25+$0x0], $0xffff;
	[tilespmem:s4+$0xFFFFFF60] =	vst v15  }
0x1bf: {  	v30 =	vor.u32 s8, v0;
	v11 =	vor.u32 s9, v1;
	v14 =	vor.u32 s9, v0;
	v26 =	vld.idx.msk [tilespmem:v40+s25+$0x0], $0xffff;
	[tilespmem:s30+$0xFFFFFF70] =	vst v13  }
0x1c0: {  	v33 =	vor.u32 s8, v1;
	v16 =	vor.u32 s9, v2;
	v12 =	vor.u32 s9, v3;
	v27 =	vld.idx.msk [tilespmem:v41+s25+$0x0], $0xffff;
	[tilespmem:s4+$0xFFFFFF70] =	vst v18  }
.Ltmp3:
0x1c1: {  	v31 =	vor.u32 s8, v2;
	v20 =	vor.u32 s9, v4;
	v13 =	vor.u32 s9, v5;
	v28 =	vld.idx.msk [tilespmem:v42+s25+$0x0], $0xffff;
	[tilespmem:s30+$0xFFFFFF80] =	vst v17;
	(pc) =	sbr.rel @p0 .LBB2_8-.Ltmp3, $4  }
0x1c2: {  	v32 =	vor.u32 s8, v3;
	v22 =	vor.u32 s9, v6;
	v17 =	vor.u32 s9, v7;
	v29 =	vld.idx.msk [tilespmem:v43+s25+$0x0], $0xffff;
	[tilespmem:s4+$0xFFFFFF80] =	vst v19  }
0x1c3: {  	v34 =	vor.u32 s8, v4;
	v24 =	vor.u32 s7, v0;
	v18 =	vor.u32 s7, v1;
	[tilespmem:s30+$0xFFFFFE50] =	vst v10;
	v10 =	vld.idx.msk [tilespmem:v21+s25+$0x0], $0xffff  }
0x1c4: {  	v35 =	vor.u32 s8, v5;
	v15 =	vor.u32 s7, v3;
	v21 =	vor.u32 s7, v2;
	v30 =	vld.idx.msk [tilespmem:v30+s25+$0x0], $0xffff;
	[tilespmem:s4+$0xFFFFFE50] =	vst v23  }
0x1c5: {  	s6 =	sadd.s32 $0x4, s6;
	v36 =	vor.u32 s8, v6;
	v19 =	vor.u32 s7, v5;
	v23 =	vor.u32 s7, v4;
	v33 =	vld.idx.msk [tilespmem:v33+s25+$0x0], $0xffff;
	[tilespmem:s30+$0xFFFFFE60] =	vst v37  }
0x1c6: {  	_ =	sdelay $0x3  }
0x1c7: {  	v31 =	vld.idx.msk [tilespmem:v31+s25+$0x0], $0xffff  }
0x1c8: {  	[tilespmem:s4+$0xFFFFFE60] =	vst v25;
	v25 =	vld.idx.msk [tilespmem:v32+s25+$0x0], $0xffff  }
0x1c9: {  	v14 =	vld.idx.msk [tilespmem:v14+s25+$0x0], $0xffff  }
0x1ca: {  	v11 =	vld.idx.msk [tilespmem:v11+s25+$0x0], $0xffff  }
0x1cb: {  	v16 =	vld.idx.msk [tilespmem:v16+s25+$0x0], $0xffff  }
0x1cc: {  	v12 =	vld.idx.msk [tilespmem:v12+s25+$0x0], $0xffff  }
0x1cd: {  	v20 =	vld.idx.msk [tilespmem:v20+s25+$0x0], $0xffff  }
0x1ce: {  	v37 =	vor.u32 s8, v7;
	v13 =	vld.idx.msk [tilespmem:v13+s25+$0x0], $0xffff  }
0x1cf: {  	v22 =	vld.idx.msk [tilespmem:v22+s25+$0x0], $0xffff;
	[tilespmem:s30+$0xFFFFFE70] =	vst v26  }
0x1d0: {  	v26 =	vld.idx.msk [tilespmem:v34+s25+$0x0], $0xffff;
	[tilespmem:s4+$0xFFFFFE70] =	vst v27  }
0x1d1: {  	v27 =	vld.idx.msk [tilespmem:v35+s25+$0x0], $0xffff;
	[tilespmem:s30+$0xFFFFFE80] =	vst v28  }
0x1d2: {  	s6 =	sadd.s32 $0x200, s30;
	v28 =	vld.idx.msk [tilespmem:v36+s25+$0x0], $0xffff;
	[tilespmem:s4+$0xFFFFFE80] =	vst v29  }
0x1d3: {  	v29 =	vld.idx.msk [tilespmem:v37+s25+$0x0], $0xffff;
	[tilespmem:s6+$0xFFFFFFD0] =	vst v30  }
0x1d4: {  	s9 =	sadd.s32 $0x200, s4;
	v17 =	vld.idx.msk [tilespmem:v17+s25+$0x0], $0xffff;
	[tilespmem:s6+$0xFFFFFED0] =	vst v14  }
0x1d5: {  	[tilespmem:s9+$0xFFFFFFD0] =	vst v33  }
0x1d6: {  	[tilespmem:s9+$0xFFFFFED0] =	vst v11  }
0x1d7: {  	[tilespmem:s6+$0xFFFFFFE0] =	vst v31  }
0x1d8: {  	[tilespmem:s6+$0xFFFFFEE0] =	vst v16  }
0x1d9: {  	[tilespmem:s9+$0xFFFFFFE0] =	vst v25  }
0x1da: {  	[tilespmem:s9+$0xFFFFFEE0] =	vst v12  }
0x1db: {  	[tilespmem:s6+$0xFFFFFFF0] =	vst v26  }
0x1dc: {  	v14 =	vld.idx.msk [tilespmem:v24+s25+$0x0], $0xffff;
	[tilespmem:s6+$0xFFFFFEF0] =	vst v20  }
0x1dd: {  	v24 =	vor.u32 s7, v6;
	v11 =	vld.idx.msk [tilespmem:v18+s25+$0x0], $0xffff;
	[tilespmem:s9+$0xFFFFFFF0] =	vst v27  }
0x1de: {  	v18 =	vor.u32 s7, v7;
	v16 =	vld.idx.msk [tilespmem:v21+s25+$0x0], $0xffff;
	[tilespmem:s9+$0xFFFFFEF0] =	vst v13  }
0x1df: {  	v12 =	vld.idx.msk [tilespmem:v15+s25+$0x0], $0xffff;
	[tilespmem:s6+$0x0] =	vst v28  }
0x1e0: {  	v15 =	vld.idx.msk [tilespmem:v23+s25+$0x0], $0xffff;
	[tilespmem:s6+$0xFFFFFF00] =	vst v22  }
0x1e1: {  	v13 =	vld.idx.msk [tilespmem:v19+s25+$0x0], $0xffff;
	v19 =	vor.u32 s5, v3;
	[tilespmem:s9+$0x0] =	vst v29  }
0x1e2: {  	v21 =	vor.u32 s5, v4;
	v20 =	vld.idx.msk [tilespmem:v24+s25+$0x0], $0xffff;
	[tilespmem:s9+$0xFFFFFF00] =	vst v17  }
0x1e3: {  	v17 =	vld.idx.msk [tilespmem:v18+s25+$0x0], $0xffff;
	v18 =	vor.u32 s5, v5;
	[tilespmem:s6+$0xFFFFFF50] =	vst v14  }
0x1e4: {  	v9 =	vld.idx.msk [tilespmem:v9+s25+$0x0], $0xffff;
	v14 =	vor.u32 s5, v6;
	[tilespmem:s9+$0xFFFFFF50] =	vst v11  }
0x1e5: {  	v8 =	vld.idx.msk [tilespmem:v8+s25+$0x0], $0xffff;
	v11 =	vor.u32 s5, v7;
	[tilespmem:s6+$0xFFFFFF60] =	vst v16  }
0x1e6: {  	v16 =	vld.idx.msk [tilespmem:v19+s25+$0x0], $0xffff;
	[tilespmem:s9+$0xFFFFFF60] =	vst v12  }
0x1e7: {  	v12 =	vld.idx.msk [tilespmem:v21+s25+$0x0], $0xffff;
	[tilespmem:s6+$0xFFFFFF70] =	vst v15  }
0x1e8: {  	v15 =	vld.idx.msk [tilespmem:v18+s25+$0x0], $0xffff;
	[tilespmem:s9+$0xFFFFFF70] =	vst v13  }
0x1e9: {  	v13 =	vld.idx.msk [tilespmem:v14+s25+$0x0], $0xffff;
	[tilespmem:s6+$0xFFFFFF80] =	vst v20  }
0x1ea: {  	v11 =	vld.idx.msk [tilespmem:v11+s25+$0x0], $0xffff;
	[tilespmem:s6+$0xFFFFFE50] =	vst v10  }
0x1eb: {  	[tilespmem:s9+$0xFFFFFF80] =	vst v17  }
0x1ec: {  	[tilespmem:s9+$0xFFFFFE50] =	vst v9  }
0x1ed: {  	[tilespmem:s6+$0xFFFFFE60] =	vst v8  }
0x1ee: {  	[tilespmem:s9+$0xFFFFFE60] =	vst v16  }
0x1ef: {  	[tilespmem:s6+$0xFFFFFE70] =	vst v12  }
0x1f0: {  	[tilespmem:s9+$0xFFFFFE70] =	vst v15  }
0x1f1: {  	[tilespmem:s6+$0xFFFFFE80] =	vst v13  }
0x1f2: {  	s7 =	simm.s32 $0xE200;
	s6 =	simm.s32 $0x0;
	[tilespmem:s9+$0xFFFFFE80] =	vst v11  }
0x1f3: {  	[hbm4b:s11+s6] =	stream.linear.scatter [tilespmem:s7], [sflag:$0x5], $0x2000, $0x38;
	[tilespmem:$0x18200] =	vst v63  }
0x1f4: {  	s8 =	simm.s32 $0x16200  }
0x1f5: {  	[hbm4b:s12+s6] =	stream.linear.scatter [tilespmem:s8], [sflag:$0x5], $0x2000, $0x38;
	[tilespmem:$0x18200] =	vst v63  }
0x1f6: {  	s9 =	simm.s32 $0x180  }
0x1f7: {  	[tilespmem:s25], [sflag:$0x4] =	stream.indirect.gather [hbm4b:s1+s23], $0x80, s9, s23, $0xb8;
	[tilespmem:$0x18200] =	vst v63  }
0x1f8: {  	_ =	swait.ge [sflag:s31], $0x4000  }
0x1f9: {  	[sflag:s31] =	ssyncset.done $0x0  }
0x1fa: {  	[sflag:s31] =	ssyncadd.s32 $0xFFFFC000  }
0x1fb: {  	_ =	swait.ge [sflag:s0], $0x2000  }
0x1fc: {  	[sflag:s0] =	ssyncset.done $0x0  }
0x1fd: {  	[sflag:s0] =	ssyncadd.s32 $0xFFFFE000  }
0x1fe: {  	_ =	swait.ge [sflag:s0], $0x2000  }
0x1ff: {  	[sflag:s0] =	ssyncset.done $0x0  }
0x200: {  	[sflag:s0] =	ssyncadd.s32 $0xFFFFE000  }
0x201: {  	s5 =	simm.s32 $0x180;
	_ =	swait.ge [sflag:s0], $0x2000  }
0x202: {  	v8 =	vor.u32 s5, v0;
	[sflag:s0] =	ssyncset.done $0x0  }
0x203: {  	v9 =	vor.u32 s5, v1;
	[sflag:s0] =	ssyncadd.s32 $0xFFFFE000  }
0x204: {  	v10 =	vor.u32 s5, v2;
	_ =	swait.ge [sflag:s0], $0x2000  }
0x205: {  	v11 =	vor.u32 s5, v3;
	[sflag:s0] =	ssyncset.done $0x0  }
0x206: {  	v12 =	vor.u32 s5, v4;
	[sflag:s0] =	ssyncadd.s32 $0xFFFFE000  }
0x207: {  	v13 =	vor.u32 s5, v5;
	v8 =	vld.idx.msk [tilespmem:v8+s24+$0x0], $0xffff  }
0x208: {  	v14 =	vor.u32 s5, v6;
	v9 =	vld.idx.msk [tilespmem:v9+s24+$0x0], $0xffff  }
0x209: {  	v15 =	vor.u32 s5, v7;
	s8 =	simm.s32 $0x0;
	v10 =	vld.idx.msk [tilespmem:v10+s24+$0x0], $0xffff  }
0x20a: {  	s6 =	simm.s32 $0x80;
	v22 =	vor.u32 s8, v4;
	v11 =	vld.idx.msk [tilespmem:v11+s24+$0x0], $0xffff  }
0x20b: {  	v16 =	vor.u32 s6, v0;
	v12 =	vld.idx.msk [tilespmem:v12+s24+$0x0], $0xffff  }
0x20c: {  	v17 =	vor.u32 s6, v1;
	v13 =	vld.idx.msk [tilespmem:v13+s24+$0x0], $0xffff  }
0x20d: {  	v18 =	vor.u32 s6, v2;
	v14 =	vld.idx.msk [tilespmem:v14+s24+$0x0], $0xffff  }
0x20e: {  	s30 =	simm.s32 $0x8300;
	v19 =	vor.u32 s6, v3;
	v15 =	vld.idx.msk [tilespmem:v15+s24+$0x0], $0xffff  }
0x20f: {  	s4 =	simm.s32 $0x10300;
	v20 =	vor.u32 s6, v4;
	v26 =	vld.idx.msk [tilespmem:v22+s24+$0x0], $0xffff;
	[tilespmem:s30+$0x80] =	vst v8  }
0x210: {  	v21 =	vor.u32 s6, v5;
	v8 =	vld.idx.msk [tilespmem:v16+s24+$0x0], $0xffff;
	[tilespmem:s4+$0x80] =	vst v9  }
0x211: {  	v16 =	vor.u32 s6, v6;
	v9 =	vld.idx.msk [tilespmem:v17+s24+$0x0], $0xffff;
	[tilespmem:s30+$0x90] =	vst v10  }
0x212: {  	s7 =	simm.s32 $0x100;
	v17 =	vor.u32 s6, v7;
	v10 =	vld.idx.msk [tilespmem:v18+s24+$0x0], $0xffff;
	[tilespmem:s4+$0x90] =	vst v11  }
0x213: {  	v18 =	vor.u32 s7, v0;
	v11 =	vld.idx.msk [tilespmem:v19+s24+$0x0], $0xffff;
	[tilespmem:s30+$0xA0] =	vst v12  }
0x214: {  	v19 =	vor.u32 s7, v1;
	v12 =	vld.idx.msk [tilespmem:v20+s24+$0x0], $0xffff;
	[tilespmem:s4+$0xA0] =	vst v13  }
0x215: {  	v20 =	vor.u32 s7, v2;
	v13 =	vld.idx.msk [tilespmem:v21+s24+$0x0], $0xffff;
	[tilespmem:s30+$0xB0] =	vst v14  }
0x216: {  	v21 =	vor.u32 s7, v3;
	v14 =	vld.idx.msk [tilespmem:v16+s24+$0x0], $0xffff;
	[tilespmem:s4+$0xB0] =	vst v15  }
0x217: {  	v16 =	vor.u32 s7, v4;
	v15 =	vld.idx.msk [tilespmem:v17+s24+$0x0], $0xffff;
	[tilespmem:s30+$0xFFFFFF80] =	vst v8  }
0x218: {  	v17 =	vor.u32 s7, v5;
	v8 =	vld.idx.msk [tilespmem:v18+s24+$0x0], $0xffff;
	[tilespmem:s4+$0xFFFFFF80] =	vst v9  }
0x219: {  	v18 =	vor.u32 s7, v6;
	v9 =	vld.idx.msk [tilespmem:v19+s24+$0x0], $0xffff;
	[tilespmem:s30+$0xFFFFFF90] =	vst v10  }
0x21a: {  	v19 =	vor.u32 s7, v7;
	v10 =	vld.idx.msk [tilespmem:v20+s24+$0x0], $0xffff;
	[tilespmem:s4+$0xFFFFFF90] =	vst v11  }
0x21b: {  	v20 =	vor.u32 s8, v0;
	v11 =	vld.idx.msk [tilespmem:v21+s24+$0x0], $0xffff;
	[tilespmem:s30+$0xFFFFFFA0] =	vst v12  }
0x21c: {  	v21 =	vor.u32 s8, v1;
	v12 =	vld.idx.msk [tilespmem:v16+s24+$0x0], $0xffff;
	[tilespmem:s4+$0xFFFFFFA0] =	vst v13  }
0x21d: {  	v23 =	vor.u32 s8, v6;
	v13 =	vld.idx.msk [tilespmem:v17+s24+$0x0], $0xffff;
	[tilespmem:s30+$0xFFFFFFB0] =	vst v14  }
0x21e: {  	v16 =	vor.u32 s8, v2;
	v18 =	vld.idx.msk [tilespmem:v18+s24+$0x0], $0xffff;
	[tilespmem:s4+$0xFFFFFFB0] =	vst v15  }
0x21f: {  	v17 =	vor.u32 s8, v3;
	v15 =	vld.idx.msk [tilespmem:v19+s24+$0x0], $0xffff;
	[tilespmem:s30+$0x0] =	vst v8  }
0x220: {  	v19 =	vld.idx.msk [tilespmem:v20+s24+$0x0], $0xffff;
	v20 =	vor.u32 s8, v5;
	[tilespmem:s4+$0x0] =	vst v9  }
0x221: {  	s5 =	simm.s32 $0x200;
	s7 =	simm.s32 $0x300;
	v61 =	vld.idx.msk [tilespmem:v21+s24+$0x0], $0xffff;
	v21 =	vor.u32 s8, v7;
	[tilespmem:s30+$0x10] =	vst v10  }
0x222: {  	s9 =	simm.s32 $0x280;
	v28 =	vld.idx.msk [tilespmem:v23+s24+$0x0], $0xffff;
	v24 =	vor.u32 s7, v0;
	v23 =	vor.u32 s7, v4;
	s8 =	simm.s32 $0x380;
	v10 =	vor.u32 s5, v0;
	[tilespmem:s4+$0x10] =	vst v11  }
0x223: {  	v22 =	vor.u32 s9, v6;
	v14 =	vor.u32 s9, v0;
	v62 =	vld.idx.msk [tilespmem:v16+s24+$0x0], $0xffff;
	v30 =	vor.u32 s8, v0;
	[tilespmem:s30+$0x20] =	vst v12  }
0x224: {  	v8 =	vor.u32 s5, v2;
	v9 =	vor.u32 s5, v1;
	v63 =	vor.u32 s8, v1;
	v25 =	vld.idx.msk [tilespmem:v17+s24+$0x0], $0xffff;
	[tilespmem:s4+$0x20] =	vst v13  }
0x225: {  	v16 =	vor.u32 s9, v2;
	v31 =	vor.u32 s8, v2;
	v32 =	vor.u32 s8, v3;
	v27 =	vld.idx.msk [tilespmem:v20+s24+$0x0], $0xffff;
	[tilespmem:s30+$0x30] =	vst v18  }
0x226: {  	v34 =	vor.u32 s8, v4;
	v35 =	vor.u32 s8, v5;
	v36 =	vor.u32 s8, v6;
	v29 =	vld.idx.msk [tilespmem:v21+s24+$0x0], $0xffff;
	[tilespmem:s30+$0xFFFFFF00] =	vst v19  }
0x227: {  	v11 =	vor.u32 s9, v1;
	v17 =	vor.u32 s9, v7;
	v12 =	vor.u32 s9, v3;
	[tilespmem:s4+$0x30] =	vst v15;
	v10 =	vld.idx.msk [tilespmem:v10+s24+$0x0], $0xffff  }
0x228: {  	v20 =	vor.u32 s9, v4;
	v13 =	vor.u32 s9, v5;
	v18 =	vor.u32 s7, v1;
	v30 =	vld.idx.msk [tilespmem:v30+s24+$0x0], $0xffff;
	[tilespmem:s4+$0xFFFFFF00] =	vst v61  }
0x229: {  	s6 =	simm.s32 $0x8;
	v21 =	vor.u32 s7, v2;
	v19 =	vor.u32 s7, v5;
	v15 =	vor.u32 s7, v3;
	v33 =	vld.idx.msk [tilespmem:v63+s24+$0x0], $0xffff;
	[tilespmem:s30+$0xFFFFFF10] =	vst v62  }
.LBB2_10:
0x22a: {  	p0 =	slt.u32 s6, $0x3C;
	v37 =	vor.u32 s7, v6;
	v38 =	vor.u32 s7, v7;
	v31 =	vld.idx.msk [tilespmem:v31+s24+$0x0], $0xffff;
	v39 =	vor.u32 s8, v7;
	[tilespmem:s4+$0xFFFFFF10] =	vst v25  }
0x22b: {  	v25 =	vor.u32 s5, v3;
	v40 =	vor.u32 s5, v4;
	v41 =	vor.u32 s5, v5;
	v32 =	vld.idx.msk [tilespmem:v32+s24+$0x0], $0xffff;
	[tilespmem:s30+$0xFFFFFF20] =	vst v26  }
0x22c: {  	v42 =	vor.u32 s5, v6;
	v43 =	vor.u32 s5, v7;
	v26 =	vld.idx.msk [tilespmem:v34+s24+$0x0], $0xffff;
	[tilespmem:s4+$0xFFFFFF20] =	vst v27  }
0x22d: {  	v27 =	vld.idx.msk [tilespmem:v35+s24+$0x0], $0xffff;
	[tilespmem:s30+$0xFFFFFF30] =	vst v28  }
0x22e: {  	s30 =	sadd.s32 $0x200, s30;
	v28 =	vld.idx.msk [tilespmem:v36+s24+$0x0], $0xffff;
	[tilespmem:s4+$0xFFFFFF30] =	vst v29  }
0x22f: {  	s4 =	sadd.s32 $0x200, s4;
	v29 =	vld.idx.msk [tilespmem:v39+s24+$0x0], $0xffff;
	[tilespmem:s30+$0x80] =	vst v30  }
0x230: {  	v14 =	vld.idx.msk [tilespmem:v14+s24+$0x0], $0xffff;
	[tilespmem:s4+$0x80] =	vst v33  }
0x231: {  	v11 =	vld.idx.msk [tilespmem:v11+s24+$0x0], $0xffff;
	[tilespmem:s30+$0x90] =	vst v31  }
0x232: {  	v16 =	vld.idx.msk [tilespmem:v16+s24+$0x0], $0xffff;
	[tilespmem:s4+$0x90] =	vst v32  }
0x233: {  	v12 =	vld.idx.msk [tilespmem:v12+s24+$0x0], $0xffff;
	[tilespmem:s30+$0xA0] =	vst v26  }
0x234: {  	v20 =	vld.idx.msk [tilespmem:v20+s24+$0x0], $0xffff;
	[tilespmem:s4+$0xA0] =	vst v27  }
0x235: {  	v13 =	vld.idx.msk [tilespmem:v13+s24+$0x0], $0xffff;
	[tilespmem:s30+$0xB0] =	vst v28  }
0x236: {  	v22 =	vld.idx.msk [tilespmem:v22+s24+$0x0], $0xffff;
	[tilespmem:s4+$0xB0] =	vst v29  }
0x237: {  	v17 =	vld.idx.msk [tilespmem:v17+s24+$0x0], $0xffff;
	[tilespmem:s30+$0xFFFFFF80] =	vst v14  }
0x238: {  	[tilespmem:s4+$0xFFFFFF80] =	vst v11;
	v11 =	vld.idx.msk [tilespmem:v24+s24+$0x0], $0xffff  }
0x239: {  	[tilespmem:s30+$0xFFFFFF90] =	vst v16;
	v14 =	vld.idx.msk [tilespmem:v18+s24+$0x0], $0xffff  }
0x23a: {  	[tilespmem:s4+$0xFFFFFF90] =	vst v12;
	v12 =	vld.idx.msk [tilespmem:v21+s24+$0x0], $0xffff  }
0x23b: {  	[tilespmem:s30+$0xFFFFFFA0] =	vst v20;
	v15 =	vld.idx.msk [tilespmem:v15+s24+$0x0], $0xffff  }
0x23c: {  	[tilespmem:s4+$0xFFFFFFA0] =	vst v13;
	v13 =	vld.idx.msk [tilespmem:v23+s24+$0x0], $0xffff  }
0x23d: {  	[tilespmem:s30+$0xFFFFFFB0] =	vst v22;
	v18 =	vld.idx.msk [tilespmem:v19+s24+$0x0], $0xffff  }
0x23e: {  	[tilespmem:s4+$0xFFFFFFB0] =	vst v17;
	v17 =	vld.idx.msk [tilespmem:v37+s24+$0x0], $0xffff  }
0x23f: {  	v19 =	vld.idx.msk [tilespmem:v38+s24+$0x0], $0xffff;
	[tilespmem:s30+$0x0] =	vst v11  }
0x240: {  	v23 =	vld.idx.msk [tilespmem:v9+s24+$0x0], $0xffff;
	[tilespmem:s4+$0x0] =	vst v14  }
0x241: {  	s5 =	sshll.u32 s6, $0x7;
	v37 =	vld.idx.msk [tilespmem:v8+s24+$0x0], $0xffff;
	[tilespmem:s30+$0x10] =	vst v12  }
0x242: {  	s9 =	sadd.s32 $0x80, s5;
	s7 =	sadd.s32 $0x100, s5;
	s8 =	sadd.s32 $0x180, s5;
	v21 =	vor.u32 s5, v0;
	v9 =	vor.u32 s5, v1;
	v8 =	vor.u32 s5, v2;
	v25 =	vld.idx.msk [tilespmem:v25+s24+$0x0], $0xffff;
	[tilespmem:s4+$0x10] =	vst v15  }
0x243: {  	v30 =	vor.u32 s8, v0;
	v11 =	vor.u32 s9, v1;
	v14 =	vor.u32 s9, v0;
	v26 =	vld.idx.msk [tilespmem:v40+s24+$0x0], $0xffff;
	[tilespmem:s30+$0x20] =	vst v13  }
0x244: {  	v33 =	vor.u32 s8, v1;
	v16 =	vor.u32 s9, v2;
	v12 =	vor.u32 s9, v3;
	v27 =	vld.idx.msk [tilespmem:v41+s24+$0x0], $0xffff;
	[tilespmem:s4+$0x20] =	vst v18  }
.Ltmp4:
0x245: {  	v31 =	vor.u32 s8, v2;
	v20 =	vor.u32 s9, v4;
	v13 =	vor.u32 s9, v5;
	v28 =	vld.idx.msk [tilespmem:v42+s24+$0x0], $0xffff;
	[tilespmem:s30+$0x30] =	vst v17;
	(pc) =	sbr.rel @p0 .LBB2_10-.Ltmp4, $4  }
0x246: {  	v32 =	vor.u32 s8, v3;
	v22 =	vor.u32 s9, v6;
	v17 =	vor.u32 s9, v7;
	v29 =	vld.idx.msk [tilespmem:v43+s24+$0x0], $0xffff;
	[tilespmem:s4+$0x30] =	vst v19  }
0x247: {  	v34 =	vor.u32 s8, v4;
	v24 =	vor.u32 s7, v0;
	v18 =	vor.u32 s7, v1;
	[tilespmem:s30+$0xFFFFFF00] =	vst v10;
	v10 =	vld.idx.msk [tilespmem:v21+s24+$0x0], $0xffff  }
0x248: {  	v35 =	vor.u32 s8, v5;
	v15 =	vor.u32 s7, v3;
	v21 =	vor.u32 s7, v2;
	v30 =	vld.idx.msk [tilespmem:v30+s24+$0x0], $0xffff;
	[tilespmem:s4+$0xFFFFFF00] =	vst v23  }
0x249: {  	s6 =	sadd.s32 $0x4, s6;
	v36 =	vor.u32 s8, v6;
	v19 =	vor.u32 s7, v5;
	v23 =	vor.u32 s7, v4;
	v33 =	vld.idx.msk [tilespmem:v33+s24+$0x0], $0xffff;
	[tilespmem:s30+$0xFFFFFF10] =	vst v37  }
0x24a: {  	_ =	sdelay $0x3  }
0x24b: {  	v31 =	vld.idx.msk [tilespmem:v31+s24+$0x0], $0xffff  }
0x24c: {  	[tilespmem:s4+$0xFFFFFF10] =	vst v25;
	v25 =	vld.idx.msk [tilespmem:v32+s24+$0x0], $0xffff  }
0x24d: {  	v14 =	vld.idx.msk [tilespmem:v14+s24+$0x0], $0xffff  }
0x24e: {  	v11 =	vld.idx.msk [tilespmem:v11+s24+$0x0], $0xffff  }
0x24f: {  	v16 =	vld.idx.msk [tilespmem:v16+s24+$0x0], $0xffff  }
0x250: {  	v12 =	vld.idx.msk [tilespmem:v12+s24+$0x0], $0xffff  }
0x251: {  	v20 =	vld.idx.msk [tilespmem:v20+s24+$0x0], $0xffff  }
0x252: {  	v37 =	vor.u32 s8, v7;
	v13 =	vld.idx.msk [tilespmem:v13+s24+$0x0], $0xffff  }
0x253: {  	v22 =	vld.idx.msk [tilespmem:v22+s24+$0x0], $0xffff;
	[tilespmem:s30+$0xFFFFFF20] =	vst v26  }
0x254: {  	v26 =	vld.idx.msk [tilespmem:v34+s24+$0x0], $0xffff;
	[tilespmem:s4+$0xFFFFFF20] =	vst v27  }
0x255: {  	v27 =	vld.idx.msk [tilespmem:v35+s24+$0x0], $0xffff;
	[tilespmem:s30+$0xFFFFFF30] =	vst v28  }
0x256: {  	s6 =	sadd.s32 $0x200, s30;
	v28 =	vld.idx.msk [tilespmem:v36+s24+$0x0], $0xffff;
	[tilespmem:s4+$0xFFFFFF30] =	vst v29  }
0x257: {  	v29 =	vld.idx.msk [tilespmem:v37+s24+$0x0], $0xffff;
	[tilespmem:s6+$0x80] =	vst v30  }
0x258: {  	s9 =	sadd.s32 $0x200, s4;
	v17 =	vld.idx.msk [tilespmem:v17+s24+$0x0], $0xffff;
	[tilespmem:s6+$0xFFFFFF80] =	vst v14  }
0x259: {  	[tilespmem:s9+$0x80] =	vst v33  }
0x25a: {  	[tilespmem:s9+$0xFFFFFF80] =	vst v11  }
0x25b: {  	[tilespmem:s6+$0x90] =	vst v31  }
0x25c: {  	[tilespmem:s6+$0xFFFFFF90] =	vst v16  }
0x25d: {  	[tilespmem:s9+$0x90] =	vst v25  }
0x25e: {  	[tilespmem:s9+$0xFFFFFF90] =	vst v12  }
0x25f: {  	[tilespmem:s6+$0xA0] =	vst v26  }
0x260: {  	v14 =	vld.idx.msk [tilespmem:v24+s24+$0x0], $0xffff;
	[tilespmem:s6+$0xFFFFFFA0] =	vst v20  }
0x261: {  	v24 =	vor.u32 s7, v6;
	v11 =	vld.idx.msk [tilespmem:v18+s24+$0x0], $0xffff;
	[tilespmem:s9+$0xA0] =	vst v27  }
0x262: {  	v18 =	vor.u32 s7, v7;
	v16 =	vld.idx.msk [tilespmem:v21+s24+$0x0], $0xffff;
	[tilespmem:s9+$0xFFFFFFA0] =	vst v13  }
0x263: {  	v12 =	vld.idx.msk [tilespmem:v15+s24+$0x0], $0xffff;
	[tilespmem:s6+$0xB0] =	vst v28  }
0x264: {  	v15 =	vld.idx.msk [tilespmem:v23+s24+$0x0], $0xffff;
	[tilespmem:s6+$0xFFFFFFB0] =	vst v22  }
0x265: {  	v13 =	vld.idx.msk [tilespmem:v19+s24+$0x0], $0xffff;
	v19 =	vor.u32 s5, v3;
	[tilespmem:s9+$0xB0] =	vst v29  }
0x266: {  	v21 =	vor.u32 s5, v4;
	v20 =	vld.idx.msk [tilespmem:v24+s24+$0x0], $0xffff;
	[tilespmem:s9+$0xFFFFFFB0] =	vst v17  }
0x267: {  	v17 =	vld.idx.msk [tilespmem:v18+s24+$0x0], $0xffff;
	v18 =	vor.u32 s5, v5;
	[tilespmem:s6+$0x0] =	vst v14  }
0x268: {  	v9 =	vld.idx.msk [tilespmem:v9+s24+$0x0], $0xffff;
	v14 =	vor.u32 s5, v6;
	[tilespmem:s9+$0x0] =	vst v11  }
0x269: {  	v8 =	vld.idx.msk [tilespmem:v8+s24+$0x0], $0xffff;
	v11 =	vor.u32 s5, v7;
	[tilespmem:s6+$0x10] =	vst v16  }
0x26a: {  	v16 =	vld.idx.msk [tilespmem:v19+s24+$0x0], $0xffff;
	[tilespmem:s9+$0x10] =	vst v12  }
0x26b: {  	v12 =	vld.idx.msk [tilespmem:v21+s24+$0x0], $0xffff;
	[tilespmem:s6+$0x20] =	vst v15  }
0x26c: {  	v15 =	vld.idx.msk [tilespmem:v18+s24+$0x0], $0xffff;
	[tilespmem:s9+$0x20] =	vst v13  }
0x26d: {  	v13 =	vld.idx.msk [tilespmem:v14+s24+$0x0], $0xffff;
	[tilespmem:s6+$0x30] =	vst v20  }
0x26e: {  	v11 =	vld.idx.msk [tilespmem:v11+s24+$0x0], $0xffff;
	[tilespmem:s6+$0xFFFFFF00] =	vst v10  }
0x26f: {  	[tilespmem:s9+$0x30] =	vst v17  }
0x270: {  	[tilespmem:s9+$0xFFFFFF00] =	vst v9  }
0x271: {  	[tilespmem:s6+$0xFFFFFF10] =	vst v8  }
0x272: {  	[tilespmem:s9+$0xFFFFFF10] =	vst v16  }
0x273: {  	[tilespmem:s6+$0xFFFFFF20] =	vst v12  }
0x274: {  	s5 =	simm.s32 $0x2180;
	[tilespmem:s9+$0xFFFFFF20] =	vst v15  }
0x275: {  	v8 =	vor.u32 s5, v0;
	[tilespmem:s6+$0xFFFFFF30] =	vst v13  }
0x276: {  	s7 =	simm.s32 $0x8200;
	v9 =	vor.u32 s5, v1;
	[tilespmem:s9+$0xFFFFFF30] =	vst v11  }
0x277: {  	v10 =	vor.u32 s5, v2;
	[hbm4b:s13+s2] =	stream.linear.scatter [tilespmem:s7], [sflag:$0x5], $0x2000, $0x38;
	[tilespmem:$0x18200] =	vst v63  }
0x278: {  	s8 =	simm.s32 $0x10200;
	v12 =	vor.u32 s5, v4  }
0x279: {  	v13 =	vor.u32 s5, v5;
	[hbm4b:s14+s2] =	stream.linear.scatter [tilespmem:s8], [sflag:$0x5], $0x2000, $0x38;
	[tilespmem:$0x18200] =	vst v63  }
0x27a: {  	v14 =	vor.u32 s5, v6;
	v8 =	vld.idx.msk [tilespmem:v8+s24+$0x0], $0xffff  }
0x27b: {  	v11 =	vor.u32 s5, v3;
	v9 =	vld.idx.msk [tilespmem:v9+s24+$0x0], $0xffff  }
0x27c: {  	v15 =	vor.u32 s5, v7;
	s9 =	simm.s32 $0x2080;
	v10 =	vld.idx.msk [tilespmem:v10+s24+$0x0], $0xffff  }
0x27d: {  	v16 =	vor.u32 s9, v0;
	s8 =	simm.s32 $0x2000;
	v12 =	vld.idx.msk [tilespmem:v12+s24+$0x0], $0xffff  }
0x27e: {  	v13 =	vld.idx.msk [tilespmem:v13+s24+$0x0], $0xffff;
	v22 =	vor.u32 s8, v4  }
0x27f: {  	v17 =	vor.u32 s9, v1;
	v14 =	vld.idx.msk [tilespmem:v14+s24+$0x0], $0xffff  }
0x280: {  	v18 =	vor.u32 s9, v2;
	v11 =	vld.idx.msk [tilespmem:v11+s24+$0x0], $0xffff  }
0x281: {  	s30 =	simm.s32 $0xA3B0;
	v19 =	vor.u32 s9, v3;
	v15 =	vld.idx.msk [tilespmem:v15+s24+$0x0], $0xffff  }
0x282: {  	s4 =	simm.s32 $0x123B0;
	v20 =	vor.u32 s9, v4;
	[tilespmem:s30+$0xFFFFFFD0] =	vst v8;
	v8 =	vld.idx.msk [tilespmem:v16+s24+$0x0], $0xffff  }
0x283: {  	v21 =	vor.u32 s9, v5;
	v26 =	vld.idx.msk [tilespmem:v22+s24+$0x0], $0xffff;
	[tilespmem:s4+$0xFFFFFFD0] =	vst v9  }
0x284: {  	v16 =	vor.u32 s9, v6;
	v9 =	vld.idx.msk [tilespmem:v17+s24+$0x0], $0xffff;
	[tilespmem:s30+$0xFFFFFFE0] =	vst v10  }
0x285: {  	s7 =	simm.s32 $0x2100;
	v17 =	vor.u32 s9, v7;
	v10 =	vld.idx.msk [tilespmem:v18+s24+$0x0], $0xffff;
	[tilespmem:s4+$0xFFFFFFE0] =	vst v11  }
0x286: {  	v18 =	vor.u32 s7, v0;
	v11 =	vld.idx.msk [tilespmem:v19+s24+$0x0], $0xffff;
	[tilespmem:s30+$0xFFFFFFF0] =	vst v12  }
0x287: {  	v19 =	vor.u32 s7, v1;
	v12 =	vld.idx.msk [tilespmem:v20+s24+$0x0], $0xffff;
	[tilespmem:s4+$0xFFFFFFF0] =	vst v13  }
0x288: {  	v20 =	vor.u32 s7, v2;
	v13 =	vld.idx.msk [tilespmem:v21+s24+$0x0], $0xffff;
	[tilespmem:s30+$0x0] =	vst v14  }
0x289: {  	v21 =	vor.u32 s7, v3;
	v14 =	vld.idx.msk [tilespmem:v16+s24+$0x0], $0xffff;
	[tilespmem:s4+$0x0] =	vst v15  }
0x28a: {  	v16 =	vor.u32 s7, v4;
	v15 =	vld.idx.msk [tilespmem:v17+s24+$0x0], $0xffff;
	[tilespmem:s30+$0xFFFFFED0] =	vst v8  }
0x28b: {  	v17 =	vor.u32 s7, v5;
	v8 =	vld.idx.msk [tilespmem:v18+s24+$0x0], $0xffff;
	[tilespmem:s4+$0xFFFFFED0] =	vst v9  }
0x28c: {  	v18 =	vor.u32 s7, v6;
	v9 =	vld.idx.msk [tilespmem:v19+s24+$0x0], $0xffff;
	[tilespmem:s30+$0xFFFFFEE0] =	vst v10  }
0x28d: {  	v19 =	vor.u32 s7, v7;
	v10 =	vld.idx.msk [tilespmem:v20+s24+$0x0], $0xffff;
	[tilespmem:s4+$0xFFFFFEE0] =	vst v11  }
0x28e: {  	v20 =	vor.u32 s8, v0;
	v11 =	vld.idx.msk [tilespmem:v21+s24+$0x0], $0xffff;
	[tilespmem:s30+$0xFFFFFEF0] =	vst v12  }
0x28f: {  	v21 =	vor.u32 s8, v1;
	v12 =	vld.idx.msk [tilespmem:v16+s24+$0x0], $0xffff;
	[tilespmem:s4+$0xFFFFFEF0] =	vst v13  }
0x290: {  	v23 =	vor.u32 s8, v6;
	v13 =	vld.idx.msk [tilespmem:v17+s24+$0x0], $0xffff;
	[tilespmem:s30+$0xFFFFFF00] =	vst v14  }
0x291: {  	v16 =	vor.u32 s8, v2;
	v18 =	vld.idx.msk [tilespmem:v18+s24+$0x0], $0xffff;
	[tilespmem:s4+$0xFFFFFF00] =	vst v15  }
0x292: {  	v17 =	vor.u32 s8, v3;
	v15 =	vld.idx.msk [tilespmem:v19+s24+$0x0], $0xffff;
	[tilespmem:s30+$0xFFFFFF50] =	vst v8  }
0x293: {  	v19 =	vld.idx.msk [tilespmem:v20+s24+$0x0], $0xffff;
	v20 =	vor.u32 s8, v5;
	[tilespmem:s4+$0xFFFFFF50] =	vst v9  }
0x294: {  	s5 =	simm.s32 $0x2200;
	s7 =	simm.s32 $0x2300;
	v33 =	vld.idx.msk [tilespmem:v21+s24+$0x0], $0xffff;
	v21 =	vor.u32 s8, v7;
	[tilespmem:s30+$0xFFFFFF60] =	vst v10  }
0x295: {  	v28 =	vld.idx.msk [tilespmem:v23+s24+$0x0], $0xffff;
	s9 =	simm.s32 $0x2280;
	v24 =	vor.u32 s7, v0;
	v23 =	vor.u32 s7, v4;
	s8 =	simm.s32 $0x2380;
	v10 =	vor.u32 s5, v0;
	[tilespmem:s4+$0xFFFFFF60] =	vst v11  }
0x296: {  	v22 =	vor.u32 s9, v6;
	v14 =	vor.u32 s9, v0;
	v62 =	vld.idx.msk [tilespmem:v16+s24+$0x0], $0xffff;
	v30 =	vor.u32 s8, v0;
	[tilespmem:s30+$0xFFFFFF70] =	vst v12  }
0x297: {  	v8 =	vor.u32 s5, v2;
	v9 =	vor.u32 s5, v1;
	v63 =	vor.u32 s8, v1;
	v25 =	vld.idx.msk [tilespmem:v17+s24+$0x0], $0xffff;
	[tilespmem:s4+$0xFFFFFF70] =	vst v13  }
0x298: {  	v16 =	vor.u32 s9, v2;
	v31 =	vor.u32 s8, v2;
	v32 =	vor.u32 s8, v3;
	v27 =	vld.idx.msk [tilespmem:v20+s24+$0x0], $0xffff;
	[tilespmem:s30+$0xFFFFFF80] =	vst v18  }
0x299: {  	v34 =	vor.u32 s8, v4;
	v35 =	vor.u32 s8, v5;
	v36 =	vor.u32 s8, v6;
	v29 =	vld.idx.msk [tilespmem:v21+s24+$0x0], $0xffff;
	[tilespmem:s30+$0xFFFFFE50] =	vst v19  }
0x29a: {  	v11 =	vor.u32 s9, v1;
	v17 =	vor.u32 s9, v7;
	v12 =	vor.u32 s9, v3;
	[tilespmem:s4+$0xFFFFFF80] =	vst v15;
	v10 =	vld.idx.msk [tilespmem:v10+s24+$0x0], $0xffff  }
0x29b: {  	v20 =	vor.u32 s9, v4;
	v13 =	vor.u32 s9, v5;
	v18 =	vor.u32 s7, v1;
	v30 =	vld.idx.msk [tilespmem:v30+s24+$0x0], $0xffff;
	[tilespmem:s4+$0xFFFFFE50] =	vst v33  }
0x29c: {  	s6 =	simm.s32 $0x48;
	v21 =	vor.u32 s7, v2;
	v19 =	vor.u32 s7, v5;
	v15 =	vor.u32 s7, v3;
	v33 =	vld.idx.msk [tilespmem:v63+s24+$0x0], $0xffff;
	[tilespmem:s30+$0xFFFFFE60] =	vst v62  }
.LBB2_12:
0x29d: {  	p0 =	slt.u32 s6, $0x7C;
	v37 =	vor.u32 s7, v6;
	v38 =	vor.u32 s7, v7;
	v31 =	vld.idx.msk [tilespmem:v31+s24+$0x0], $0xffff;
	v39 =	vor.u32 s8, v7;
	[tilespmem:s4+$0xFFFFFE60] =	vst v25  }
0x29e: {  	v25 =	vor.u32 s5, v3;
	v40 =	vor.u32 s5, v4;
	v41 =	vor.u32 s5, v5;
	v32 =	vld.idx.msk [tilespmem:v32+s24+$0x0], $0xffff;
	[tilespmem:s30+$0xFFFFFE70] =	vst v26  }
0x29f: {  	v42 =	vor.u32 s5, v6;
	v43 =	vor.u32 s5, v7;
	v26 =	vld.idx.msk [tilespmem:v34+s24+$0x0], $0xffff;
	[tilespmem:s4+$0xFFFFFE70] =	vst v27  }
0x2a0: {  	v27 =	vld.idx.msk [tilespmem:v35+s24+$0x0], $0xffff;
	[tilespmem:s30+$0xFFFFFE80] =	vst v28  }
0x2a1: {  	s30 =	sadd.s32 $0x200, s30;
	v28 =	vld.idx.msk [tilespmem:v36+s24+$0x0], $0xffff;
	[tilespmem:s4+$0xFFFFFE80] =	vst v29  }
0x2a2: {  	s4 =	sadd.s32 $0x200, s4;
	v29 =	vld.idx.msk [tilespmem:v39+s24+$0x0], $0xffff;
	[tilespmem:s30+$0xFFFFFFD0] =	vst v30  }
0x2a3: {  	v14 =	vld.idx.msk [tilespmem:v14+s24+$0x0], $0xffff;
	[tilespmem:s4+$0xFFFFFFD0] =	vst v33  }
0x2a4: {  	v11 =	vld.idx.msk [tilespmem:v11+s24+$0x0], $0xffff;
	[tilespmem:s30+$0xFFFFFFE0] =	vst v31  }
0x2a5: {  	v16 =	vld.idx.msk [tilespmem:v16+s24+$0x0], $0xffff;
	[tilespmem:s4+$0xFFFFFFE0] =	vst v32  }
0x2a6: {  	v12 =	vld.idx.msk [tilespmem:v12+s24+$0x0], $0xffff;
	[tilespmem:s30+$0xFFFFFFF0] =	vst v26  }
0x2a7: {  	v20 =	vld.idx.msk [tilespmem:v20+s24+$0x0], $0xffff;
	[tilespmem:s4+$0xFFFFFFF0] =	vst v27  }
0x2a8: {  	v13 =	vld.idx.msk [tilespmem:v13+s24+$0x0], $0xffff;
	[tilespmem:s30+$0x0] =	vst v28  }
0x2a9: {  	v22 =	vld.idx.msk [tilespmem:v22+s24+$0x0], $0xffff;
	[tilespmem:s4+$0x0] =	vst v29  }
0x2aa: {  	v17 =	vld.idx.msk [tilespmem:v17+s24+$0x0], $0xffff;
	[tilespmem:s30+$0xFFFFFED0] =	vst v14  }
0x2ab: {  	[tilespmem:s4+$0xFFFFFED0] =	vst v11;
	v11 =	vld.idx.msk [tilespmem:v24+s24+$0x0], $0xffff  }
0x2ac: {  	[tilespmem:s30+$0xFFFFFEE0] =	vst v16;
	v14 =	vld.idx.msk [tilespmem:v18+s24+$0x0], $0xffff  }
0x2ad: {  	[tilespmem:s4+$0xFFFFFEE0] =	vst v12;
	v12 =	vld.idx.msk [tilespmem:v21+s24+$0x0], $0xffff  }
0x2ae: {  	[tilespmem:s30+$0xFFFFFEF0] =	vst v20;
	v15 =	vld.idx.msk [tilespmem:v15+s24+$0x0], $0xffff  }
0x2af: {  	[tilespmem:s4+$0xFFFFFEF0] =	vst v13;
	v13 =	vld.idx.msk [tilespmem:v23+s24+$0x0], $0xffff  }
0x2b0: {  	[tilespmem:s30+$0xFFFFFF00] =	vst v22;
	v18 =	vld.idx.msk [tilespmem:v19+s24+$0x0], $0xffff  }
0x2b1: {  	[tilespmem:s4+$0xFFFFFF00] =	vst v17;
	v17 =	vld.idx.msk [tilespmem:v37+s24+$0x0], $0xffff  }
0x2b2: {  	v19 =	vld.idx.msk [tilespmem:v38+s24+$0x0], $0xffff;
	[tilespmem:s30+$0xFFFFFF50] =	vst v11  }
0x2b3: {  	v23 =	vld.idx.msk [tilespmem:v9+s24+$0x0], $0xffff;
	[tilespmem:s4+$0xFFFFFF50] =	vst v14  }
0x2b4: {  	s5 =	sshll.u32 s6, $0x7;
	v37 =	vld.idx.msk [tilespmem:v8+s24+$0x0], $0xffff;
	[tilespmem:s30+$0xFFFFFF60] =	vst v12  }
0x2b5: {  	s9 =	sadd.s32 $0x80, s5;
	s7 =	sadd.s32 $0x100, s5;
	s8 =	sadd.s32 $0x180, s5;
	v21 =	vor.u32 s5, v0;
	v9 =	vor.u32 s5, v1;
	v8 =	vor.u32 s5, v2;
	v25 =	vld.idx.msk [tilespmem:v25+s24+$0x0], $0xffff;
	[tilespmem:s4+$0xFFFFFF60] =	vst v15  }
0x2b6: {  	v30 =	vor.u32 s8, v0;
	v11 =	vor.u32 s9, v1;
	v14 =	vor.u32 s9, v0;
	v26 =	vld.idx.msk [tilespmem:v40+s24+$0x0], $0xffff;
	[tilespmem:s30+$0xFFFFFF70] =	vst v13  }
0x2b7: {  	v33 =	vor.u32 s8, v1;
	v16 =	vor.u32 s9, v2;
	v12 =	vor.u32 s9, v3;
	v27 =	vld.idx.msk [tilespmem:v41+s24+$0x0], $0xffff;
	[tilespmem:s4+$0xFFFFFF70] =	vst v18  }
.Ltmp5:
0x2b8: {  	v31 =	vor.u32 s8, v2;
	v20 =	vor.u32 s9, v4;
	v13 =	vor.u32 s9, v5;
	v28 =	vld.idx.msk [tilespmem:v42+s24+$0x0], $0xffff;
	[tilespmem:s30+$0xFFFFFF80] =	vst v17;
	(pc) =	sbr.rel @p0 .LBB2_12-.Ltmp5, $4  }
0x2b9: {  	v32 =	vor.u32 s8, v3;
	v22 =	vor.u32 s9, v6;
	v17 =	vor.u32 s9, v7;
	v29 =	vld.idx.msk [tilespmem:v43+s24+$0x0], $0xffff;
	[tilespmem:s4+$0xFFFFFF80] =	vst v19  }
0x2ba: {  	v34 =	vor.u32 s8, v4;
	v24 =	vor.u32 s7, v0;
	v18 =	vor.u32 s7, v1;
	[tilespmem:s30+$0xFFFFFE50] =	vst v10;
	v10 =	vld.idx.msk [tilespmem:v21+s24+$0x0], $0xffff  }
0x2bb: {  	v35 =	vor.u32 s8, v5;
	v15 =	vor.u32 s7, v3;
	v21 =	vor.u32 s7, v2;
	v30 =	vld.idx.msk [tilespmem:v30+s24+$0x0], $0xffff;
	[tilespmem:s4+$0xFFFFFE50] =	vst v23  }
0x2bc: {  	s6 =	sadd.s32 $0x4, s6;
	v36 =	vor.u32 s8, v6;
	v19 =	vor.u32 s7, v5;
	v23 =	vor.u32 s7, v4;
	v33 =	vld.idx.msk [tilespmem:v33+s24+$0x0], $0xffff;
	[tilespmem:s30+$0xFFFFFE60] =	vst v37  }
0x2bd: {  	_ =	sdelay $0x3  }
0x2be: {  	v31 =	vld.idx.msk [tilespmem:v31+s24+$0x0], $0xffff  }
0x2bf: {  	[tilespmem:s4+$0xFFFFFE60] =	vst v25;
	v25 =	vld.idx.msk [tilespmem:v32+s24+$0x0], $0xffff  }
0x2c0: {  	v14 =	vld.idx.msk [tilespmem:v14+s24+$0x0], $0xffff  }
0x2c1: {  	v11 =	vld.idx.msk [tilespmem:v11+s24+$0x0], $0xffff  }
0x2c2: {  	v16 =	vld.idx.msk [tilespmem:v16+s24+$0x0], $0xffff  }
0x2c3: {  	v12 =	vld.idx.msk [tilespmem:v12+s24+$0x0], $0xffff  }
0x2c4: {  	v20 =	vld.idx.msk [tilespmem:v20+s24+$0x0], $0xffff  }
0x2c5: {  	v37 =	vor.u32 s8, v7;
	v13 =	vld.idx.msk [tilespmem:v13+s24+$0x0], $0xffff  }
0x2c6: {  	v22 =	vld.idx.msk [tilespmem:v22+s24+$0x0], $0xffff;
	[tilespmem:s30+$0xFFFFFE70] =	vst v26  }
0x2c7: {  	v26 =	vld.idx.msk [tilespmem:v34+s24+$0x0], $0xffff;
	[tilespmem:s4+$0xFFFFFE70] =	vst v27  }
0x2c8: {  	v27 =	vld.idx.msk [tilespmem:v35+s24+$0x0], $0xffff;
	[tilespmem:s30+$0xFFFFFE80] =	vst v28  }
0x2c9: {  	s6 =	sadd.s32 $0x200, s30;
	v28 =	vld.idx.msk [tilespmem:v36+s24+$0x0], $0xffff;
	[tilespmem:s4+$0xFFFFFE80] =	vst v29  }
0x2ca: {  	v29 =	vld.idx.msk [tilespmem:v37+s24+$0x0], $0xffff;
	[tilespmem:s6+$0xFFFFFFD0] =	vst v30  }
0x2cb: {  	s9 =	sadd.s32 $0x200, s4;
	v17 =	vld.idx.msk [tilespmem:v17+s24+$0x0], $0xffff;
	[tilespmem:s6+$0xFFFFFED0] =	vst v14  }
0x2cc: {  	[tilespmem:s9+$0xFFFFFFD0] =	vst v33  }
0x2cd: {  	[tilespmem:s9+$0xFFFFFED0] =	vst v11  }
0x2ce: {  	[tilespmem:s6+$0xFFFFFFE0] =	vst v31  }
0x2cf: {  	[tilespmem:s6+$0xFFFFFEE0] =	vst v16  }
0x2d0: {  	[tilespmem:s9+$0xFFFFFFE0] =	vst v25  }
0x2d1: {  	[tilespmem:s9+$0xFFFFFEE0] =	vst v12  }
0x2d2: {  	[tilespmem:s6+$0xFFFFFFF0] =	vst v26  }
0x2d3: {  	v14 =	vld.idx.msk [tilespmem:v24+s24+$0x0], $0xffff;
	[tilespmem:s6+$0xFFFFFEF0] =	vst v20  }
0x2d4: {  	v24 =	vor.u32 s7, v6;
	v11 =	vld.idx.msk [tilespmem:v18+s24+$0x0], $0xffff;
	[tilespmem:s9+$0xFFFFFFF0] =	vst v27  }
0x2d5: {  	v18 =	vor.u32 s7, v7;
	v16 =	vld.idx.msk [tilespmem:v21+s24+$0x0], $0xffff;
	[tilespmem:s9+$0xFFFFFEF0] =	vst v13  }
0x2d6: {  	v12 =	vld.idx.msk [tilespmem:v15+s24+$0x0], $0xffff;
	[tilespmem:s6+$0x0] =	vst v28  }
0x2d7: {  	v15 =	vld.idx.msk [tilespmem:v23+s24+$0x0], $0xffff;
	[tilespmem:s6+$0xFFFFFF00] =	vst v22  }
0x2d8: {  	v13 =	vld.idx.msk [tilespmem:v19+s24+$0x0], $0xffff;
	v19 =	vor.u32 s5, v3;
	[tilespmem:s9+$0x0] =	vst v29  }
0x2d9: {  	v21 =	vor.u32 s5, v4;
	v20 =	vld.idx.msk [tilespmem:v24+s24+$0x0], $0xffff;
	[tilespmem:s9+$0xFFFFFF00] =	vst v17  }
0x2da: {  	v17 =	vld.idx.msk [tilespmem:v18+s24+$0x0], $0xffff;
	v18 =	vor.u32 s5, v5;
	[tilespmem:s6+$0xFFFFFF50] =	vst v14  }
0x2db: {  	v9 =	vld.idx.msk [tilespmem:v9+s24+$0x0], $0xffff;
	v14 =	vor.u32 s5, v6;
	[tilespmem:s9+$0xFFFFFF50] =	vst v11  }
0x2dc: {  	v8 =	vld.idx.msk [tilespmem:v8+s24+$0x0], $0xffff;
	v11 =	vor.u32 s5, v7;
	[tilespmem:s6+$0xFFFFFF60] =	vst v16  }
0x2dd: {  	v16 =	vld.idx.msk [tilespmem:v19+s24+$0x0], $0xffff;
	[tilespmem:s9+$0xFFFFFF60] =	vst v12  }
0x2de: {  	v12 =	vld.idx.msk [tilespmem:v21+s24+$0x0], $0xffff;
	[tilespmem:s6+$0xFFFFFF70] =	vst v15  }
0x2df: {  	v15 =	vld.idx.msk [tilespmem:v18+s24+$0x0], $0xffff;
	[tilespmem:s9+$0xFFFFFF70] =	vst v13  }
0x2e0: {  	v13 =	vld.idx.msk [tilespmem:v14+s24+$0x0], $0xffff;
	[tilespmem:s6+$0xFFFFFF80] =	vst v20  }
0x2e1: {  	v11 =	vld.idx.msk [tilespmem:v11+s24+$0x0], $0xffff;
	[tilespmem:s6+$0xFFFFFE50] =	vst v10  }
0x2e2: {  	[tilespmem:s9+$0xFFFFFF80] =	vst v17  }
0x2e3: {  	[tilespmem:s9+$0xFFFFFE50] =	vst v9  }
0x2e4: {  	[tilespmem:s6+$0xFFFFFE60] =	vst v8  }
0x2e5: {  	[tilespmem:s9+$0xFFFFFE60] =	vst v16  }
0x2e6: {  	[tilespmem:s6+$0xFFFFFE70] =	vst v12  }
0x2e7: {  	[tilespmem:s9+$0xFFFFFE70] =	vst v15  }
0x2e8: {  	[tilespmem:s6+$0xFFFFFE80] =	vst v13  }
0x2e9: {  	s8 =	simm.s32 $0xA200;
	s7 =	simm.s32 $0x0;
	[tilespmem:s9+$0xFFFFFE80] =	vst v11  }
0x2ea: {  	[hbm4b:s15+s7] =	stream.linear.scatter [tilespmem:s8], [sflag:$0x5], $0x2000, $0x38;
	[tilespmem:$0x18200] =	vst v63  }
0x2eb: {  	s9 =	simm.s32 $0x12200  }
0x2ec: {  	[hbm4b:s16+s7] =	stream.linear.scatter [tilespmem:s9], [sflag:$0x5], $0x2000, $0x38;
	[tilespmem:$0x18200] =	vst v63  }
0x2ed: {  	_ =	swait.ge [sflag:s28], $0x4000  }
0x2ee: {  	[sflag:s28] =	ssyncset.done $0x0  }
0x2ef: {  	[sflag:s28] =	ssyncadd.s32 $0xFFFFC000  }
0x2f0: {  	_ =	swait.ge [sflag:s0], $0x2000  }
0x2f1: {  	[sflag:s0] =	ssyncset.done $0x0  }
0x2f2: {  	[sflag:s0] =	ssyncadd.s32 $0xFFFFE000  }
0x2f3: {  	_ =	swait.ge [sflag:s0], $0x2000  }
0x2f4: {  	[sflag:s0] =	ssyncset.done $0x0  }
0x2f5: {  	[sflag:s0] =	ssyncadd.s32 $0xFFFFE000  }
0x2f6: {  	s5 =	simm.s32 $0x180;
	_ =	swait.ge [sflag:s0], $0x2000  }
0x2f7: {  	v8 =	vor.u32 s5, v0;
	[sflag:s0] =	ssyncset.done $0x0  }
0x2f8: {  	v9 =	vor.u32 s5, v1;
	[sflag:s0] =	ssyncadd.s32 $0xFFFFE000  }
0x2f9: {  	v10 =	vor.u32 s5, v2;
	_ =	swait.ge [sflag:s0], $0x2000  }
0x2fa: {  	v11 =	vor.u32 s5, v3;
	[sflag:s0] =	ssyncset.done $0x0  }
0x2fb: {  	v12 =	vor.u32 s5, v4;
	[sflag:s0] =	ssyncadd.s32 $0xFFFFE000  }
0x2fc: {  	v13 =	vor.u32 s5, v5;
	v8 =	vld.idx.msk [tilespmem:v8+s25+$0x0], $0xffff  }
0x2fd: {  	v14 =	vor.u32 s5, v6;
	v9 =	vld.idx.msk [tilespmem:v9+s25+$0x0], $0xffff  }
0x2fe: {  	v15 =	vor.u32 s5, v7;
	s8 =	simm.s32 $0x0;
	v10 =	vld.idx.msk [tilespmem:v10+s25+$0x0], $0xffff  }
0x2ff: {  	s6 =	simm.s32 $0x80;
	v22 =	vor.u32 s8, v4;
	v11 =	vld.idx.msk [tilespmem:v11+s25+$0x0], $0xffff  }
0x300: {  	v16 =	vor.u32 s6, v0;
	v12 =	vld.idx.msk [tilespmem:v12+s25+$0x0], $0xffff  }
0x301: {  	v17 =	vor.u32 s6, v1;
	v13 =	vld.idx.msk [tilespmem:v13+s25+$0x0], $0xffff  }
0x302: {  	v18 =	vor.u32 s6, v2;
	v14 =	vld.idx.msk [tilespmem:v14+s25+$0x0], $0xffff  }
0x303: {  	s30 =	simm.s32 $0xC300;
	v19 =	vor.u32 s6, v3;
	v15 =	vld.idx.msk [tilespmem:v15+s25+$0x0], $0xffff  }
0x304: {  	s4 =	simm.s32 $0x14300;
	v20 =	vor.u32 s6, v4;
	v26 =	vld.idx.msk [tilespmem:v22+s25+$0x0], $0xffff;
	[tilespmem:s30+$0x80] =	vst v8  }
0x305: {  	v21 =	vor.u32 s6, v5;
	v8 =	vld.idx.msk [tilespmem:v16+s25+$0x0], $0xffff;
	[tilespmem:s4+$0x80] =	vst v9  }
0x306: {  	v16 =	vor.u32 s6, v6;
	v9 =	vld.idx.msk [tilespmem:v17+s25+$0x0], $0xffff;
	[tilespmem:s30+$0x90] =	vst v10  }
0x307: {  	s7 =	simm.s32 $0x100;
	v17 =	vor.u32 s6, v7;
	v10 =	vld.idx.msk [tilespmem:v18+s25+$0x0], $0xffff;
	[tilespmem:s4+$0x90] =	vst v11  }
0x308: {  	v18 =	vor.u32 s7, v0;
	v11 =	vld.idx.msk [tilespmem:v19+s25+$0x0], $0xffff;
	[tilespmem:s30+$0xA0] =	vst v12  }
0x309: {  	v19 =	vor.u32 s7, v1;
	v12 =	vld.idx.msk [tilespmem:v20+s25+$0x0], $0xffff;
	[tilespmem:s4+$0xA0] =	vst v13  }
0x30a: {  	v20 =	vor.u32 s7, v2;
	v13 =	vld.idx.msk [tilespmem:v21+s25+$0x0], $0xffff;
	[tilespmem:s30+$0xB0] =	vst v14  }
0x30b: {  	v21 =	vor.u32 s7, v3;
	v14 =	vld.idx.msk [tilespmem:v16+s25+$0x0], $0xffff;
	[tilespmem:s4+$0xB0] =	vst v15  }
0x30c: {  	v16 =	vor.u32 s7, v4;
	v15 =	vld.idx.msk [tilespmem:v17+s25+$0x0], $0xffff;
	[tilespmem:s30+$0xFFFFFF80] =	vst v8  }
0x30d: {  	v17 =	vor.u32 s7, v5;
	v8 =	vld.idx.msk [tilespmem:v18+s25+$0x0], $0xffff;
	[tilespmem:s4+$0xFFFFFF80] =	vst v9  }
0x30e: {  	v18 =	vor.u32 s7, v6;
	v9 =	vld.idx.msk [tilespmem:v19+s25+$0x0], $0xffff;
	[tilespmem:s30+$0xFFFFFF90] =	vst v10  }
0x30f: {  	v19 =	vor.u32 s7, v7;
	v10 =	vld.idx.msk [tilespmem:v20+s25+$0x0], $0xffff;
	[tilespmem:s4+$0xFFFFFF90] =	vst v11  }
0x310: {  	v20 =	vor.u32 s8, v0;
	v11 =	vld.idx.msk [tilespmem:v21+s25+$0x0], $0xffff;
	[tilespmem:s30+$0xFFFFFFA0] =	vst v12  }
0x311: {  	v21 =	vor.u32 s8, v1;
	v12 =	vld.idx.msk [tilespmem:v16+s25+$0x0], $0xffff;
	[tilespmem:s4+$0xFFFFFFA0] =	vst v13  }
0x312: {  	v23 =	vor.u32 s8, v6;
	v13 =	vld.idx.msk [tilespmem:v17+s25+$0x0], $0xffff;
	[tilespmem:s30+$0xFFFFFFB0] =	vst v14  }
0x313: {  	v16 =	vor.u32 s8, v2;
	v18 =	vld.idx.msk [tilespmem:v18+s25+$0x0], $0xffff;
	[tilespmem:s4+$0xFFFFFFB0] =	vst v15  }
0x314: {  	v17 =	vor.u32 s8, v3;
	v15 =	vld.idx.msk [tilespmem:v19+s25+$0x0], $0xffff;
	[tilespmem:s30+$0x0] =	vst v8  }
0x315: {  	v19 =	vld.idx.msk [tilespmem:v20+s25+$0x0], $0xffff;
	v20 =	vor.u32 s8, v5;
	[tilespmem:s4+$0x0] =	vst v9  }
0x316: {  	s5 =	simm.s32 $0x200;
	s7 =	simm.s32 $0x300;
	v61 =	vld.idx.msk [tilespmem:v21+s25+$0x0], $0xffff;
	v21 =	vor.u32 s8, v7;
	[tilespmem:s30+$0x10] =	vst v10  }
0x317: {  	s9 =	simm.s32 $0x280;
	v28 =	vld.idx.msk [tilespmem:v23+s25+$0x0], $0xffff;
	v24 =	vor.u32 s7, v0;
	v23 =	vor.u32 s7, v4;
	s8 =	simm.s32 $0x380;
	v10 =	vor.u32 s5, v0;
	[tilespmem:s4+$0x10] =	vst v11  }
0x318: {  	v22 =	vor.u32 s9, v6;
	v14 =	vor.u32 s9, v0;
	v62 =	vld.idx.msk [tilespmem:v16+s25+$0x0], $0xffff;
	v30 =	vor.u32 s8, v0;
	[tilespmem:s30+$0x20] =	vst v12  }
0x319: {  	v8 =	vor.u32 s5, v2;
	v9 =	vor.u32 s5, v1;
	v63 =	vor.u32 s8, v1;
	v25 =	vld.idx.msk [tilespmem:v17+s25+$0x0], $0xffff;
	[tilespmem:s4+$0x20] =	vst v13  }
0x31a: {  	v16 =	vor.u32 s9, v2;
	v31 =	vor.u32 s8, v2;
	v32 =	vor.u32 s8, v3;
	v27 =	vld.idx.msk [tilespmem:v20+s25+$0x0], $0xffff;
	[tilespmem:s30+$0x30] =	vst v18  }
0x31b: {  	v34 =	vor.u32 s8, v4;
	v35 =	vor.u32 s8, v5;
	v36 =	vor.u32 s8, v6;
	v29 =	vld.idx.msk [tilespmem:v21+s25+$0x0], $0xffff;
	[tilespmem:s30+$0xFFFFFF00] =	vst v19  }
0x31c: {  	v11 =	vor.u32 s9, v1;
	v17 =	vor.u32 s9, v7;
	v12 =	vor.u32 s9, v3;
	[tilespmem:s4+$0x30] =	vst v15;
	v10 =	vld.idx.msk [tilespmem:v10+s25+$0x0], $0xffff  }
0x31d: {  	v20 =	vor.u32 s9, v4;
	v13 =	vor.u32 s9, v5;
	v18 =	vor.u32 s7, v1;
	v30 =	vld.idx.msk [tilespmem:v30+s25+$0x0], $0xffff;
	[tilespmem:s4+$0xFFFFFF00] =	vst v61  }
0x31e: {  	s6 =	simm.s32 $0x8;
	v21 =	vor.u32 s7, v2;
	v19 =	vor.u32 s7, v5;
	v15 =	vor.u32 s7, v3;
	v33 =	vld.idx.msk [tilespmem:v63+s25+$0x0], $0xffff;
	[tilespmem:s30+$0xFFFFFF10] =	vst v62  }
.LBB2_14:
0x31f: {  	p0 =	slt.u32 s6, $0x3C;
	v37 =	vor.u32 s7, v6;
	v38 =	vor.u32 s7, v7;
	v31 =	vld.idx.msk [tilespmem:v31+s25+$0x0], $0xffff;
	v39 =	vor.u32 s8, v7;
	[tilespmem:s4+$0xFFFFFF10] =	vst v25  }
0x320: {  	v25 =	vor.u32 s5, v3;
	v40 =	vor.u32 s5, v4;
	v41 =	vor.u32 s5, v5;
	v32 =	vld.idx.msk [tilespmem:v32+s25+$0x0], $0xffff;
	[tilespmem:s30+$0xFFFFFF20] =	vst v26  }
0x321: {  	v42 =	vor.u32 s5, v6;
	v43 =	vor.u32 s5, v7;
	v26 =	vld.idx.msk [tilespmem:v34+s25+$0x0], $0xffff;
	[tilespmem:s4+$0xFFFFFF20] =	vst v27  }
0x322: {  	v27 =	vld.idx.msk [tilespmem:v35+s25+$0x0], $0xffff;
	[tilespmem:s30+$0xFFFFFF30] =	vst v28  }
0x323: {  	s30 =	sadd.s32 $0x200, s30;
	v28 =	vld.idx.msk [tilespmem:v36+s25+$0x0], $0xffff;
	[tilespmem:s4+$0xFFFFFF30] =	vst v29  }
0x324: {  	s4 =	sadd.s32 $0x200, s4;
	v29 =	vld.idx.msk [tilespmem:v39+s25+$0x0], $0xffff;
	[tilespmem:s30+$0x80] =	vst v30  }
0x325: {  	v14 =	vld.idx.msk [tilespmem:v14+s25+$0x0], $0xffff;
	[tilespmem:s4+$0x80] =	vst v33  }
0x326: {  	v11 =	vld.idx.msk [tilespmem:v11+s25+$0x0], $0xffff;
	[tilespmem:s30+$0x90] =	vst v31  }
0x327: {  	v16 =	vld.idx.msk [tilespmem:v16+s25+$0x0], $0xffff;
	[tilespmem:s4+$0x90] =	vst v32  }
0x328: {  	v12 =	vld.idx.msk [tilespmem:v12+s25+$0x0], $0xffff;
	[tilespmem:s30+$0xA0] =	vst v26  }
0x329: {  	v20 =	vld.idx.msk [tilespmem:v20+s25+$0x0], $0xffff;
	[tilespmem:s4+$0xA0] =	vst v27  }
0x32a: {  	v13 =	vld.idx.msk [tilespmem:v13+s25+$0x0], $0xffff;
	[tilespmem:s30+$0xB0] =	vst v28  }
0x32b: {  	v22 =	vld.idx.msk [tilespmem:v22+s25+$0x0], $0xffff;
	[tilespmem:s4+$0xB0] =	vst v29  }
0x32c: {  	v17 =	vld.idx.msk [tilespmem:v17+s25+$0x0], $0xffff;
	[tilespmem:s30+$0xFFFFFF80] =	vst v14  }
0x32d: {  	[tilespmem:s4+$0xFFFFFF80] =	vst v11;
	v11 =	vld.idx.msk [tilespmem:v24+s25+$0x0], $0xffff  }
0x32e: {  	[tilespmem:s30+$0xFFFFFF90] =	vst v16;
	v14 =	vld.idx.msk [tilespmem:v18+s25+$0x0], $0xffff  }
0x32f: {  	[tilespmem:s4+$0xFFFFFF90] =	vst v12;
	v12 =	vld.idx.msk [tilespmem:v21+s25+$0x0], $0xffff  }
0x330: {  	[tilespmem:s30+$0xFFFFFFA0] =	vst v20;
	v15 =	vld.idx.msk [tilespmem:v15+s25+$0x0], $0xffff  }
0x331: {  	[tilespmem:s4+$0xFFFFFFA0] =	vst v13;
	v13 =	vld.idx.msk [tilespmem:v23+s25+$0x0], $0xffff  }
0x332: {  	[tilespmem:s30+$0xFFFFFFB0] =	vst v22;
	v18 =	vld.idx.msk [tilespmem:v19+s25+$0x0], $0xffff  }
0x333: {  	[tilespmem:s4+$0xFFFFFFB0] =	vst v17;
	v17 =	vld.idx.msk [tilespmem:v37+s25+$0x0], $0xffff  }
0x334: {  	v19 =	vld.idx.msk [tilespmem:v38+s25+$0x0], $0xffff;
	[tilespmem:s30+$0x0] =	vst v11  }
0x335: {  	v23 =	vld.idx.msk [tilespmem:v9+s25+$0x0], $0xffff;
	[tilespmem:s4+$0x0] =	vst v14  }
0x336: {  	s5 =	sshll.u32 s6, $0x7;
	v37 =	vld.idx.msk [tilespmem:v8+s25+$0x0], $0xffff;
	[tilespmem:s30+$0x10] =	vst v12  }
0x337: {  	s9 =	sadd.s32 $0x80, s5;
	s7 =	sadd.s32 $0x100, s5;
	s8 =	sadd.s32 $0x180, s5;
	v21 =	vor.u32 s5, v0;
	v9 =	vor.u32 s5, v1;
	v8 =	vor.u32 s5, v2;
	v25 =	vld.idx.msk [tilespmem:v25+s25+$0x0], $0xffff;
	[tilespmem:s4+$0x10] =	vst v15  }
0x338: {  	v30 =	vor.u32 s8, v0;
	v11 =	vor.u32 s9, v1;
	v14 =	vor.u32 s9, v0;
	v26 =	vld.idx.msk [tilespmem:v40+s25+$0x0], $0xffff;
	[tilespmem:s30+$0x20] =	vst v13  }
0x339: {  	v33 =	vor.u32 s8, v1;
	v16 =	vor.u32 s9, v2;
	v12 =	vor.u32 s9, v3;
	v27 =	vld.idx.msk [tilespmem:v41+s25+$0x0], $0xffff;
	[tilespmem:s4+$0x20] =	vst v18  }
.Ltmp6:
0x33a: {  	v31 =	vor.u32 s8, v2;
	v20 =	vor.u32 s9, v4;
	v13 =	vor.u32 s9, v5;
	v28 =	vld.idx.msk [tilespmem:v42+s25+$0x0], $0xffff;
	[tilespmem:s30+$0x30] =	vst v17;
	(pc) =	sbr.rel @p0 .LBB2_14-.Ltmp6, $4  }
0x33b: {  	v32 =	vor.u32 s8, v3;
	v22 =	vor.u32 s9, v6;
	v17 =	vor.u32 s9, v7;
	v29 =	vld.idx.msk [tilespmem:v43+s25+$0x0], $0xffff;
	[tilespmem:s4+$0x30] =	vst v19  }
0x33c: {  	v34 =	vor.u32 s8, v4;
	v24 =	vor.u32 s7, v0;
	v18 =	vor.u32 s7, v1;
	[tilespmem:s30+$0xFFFFFF00] =	vst v10;
	v10 =	vld.idx.msk [tilespmem:v21+s25+$0x0], $0xffff  }
0x33d: {  	v35 =	vor.u32 s8, v5;
	v15 =	vor.u32 s7, v3;
	v21 =	vor.u32 s7, v2;
	v30 =	vld.idx.msk [tilespmem:v30+s25+$0x0], $0xffff;
	[tilespmem:s4+$0xFFFFFF00] =	vst v23  }
0x33e: {  	s6 =	sadd.s32 $0x4, s6;
	v36 =	vor.u32 s8, v6;
	v19 =	vor.u32 s7, v5;
	v23 =	vor.u32 s7, v4;
	v33 =	vld.idx.msk [tilespmem:v33+s25+$0x0], $0xffff;
	[tilespmem:s30+$0xFFFFFF10] =	vst v37  }
0x33f: {  	_ =	sdelay $0x3  }
0x340: {  	v31 =	vld.idx.msk [tilespmem:v31+s25+$0x0], $0xffff  }
0x341: {  	[tilespmem:s4+$0xFFFFFF10] =	vst v25;
	v25 =	vld.idx.msk [tilespmem:v32+s25+$0x0], $0xffff  }
0x342: {  	v14 =	vld.idx.msk [tilespmem:v14+s25+$0x0], $0xffff  }
0x343: {  	v11 =	vld.idx.msk [tilespmem:v11+s25+$0x0], $0xffff  }
0x344: {  	v16 =	vld.idx.msk [tilespmem:v16+s25+$0x0], $0xffff  }
0x345: {  	v12 =	vld.idx.msk [tilespmem:v12+s25+$0x0], $0xffff  }
0x346: {  	v20 =	vld.idx.msk [tilespmem:v20+s25+$0x0], $0xffff  }
0x347: {  	v37 =	vor.u32 s8, v7;
	v13 =	vld.idx.msk [tilespmem:v13+s25+$0x0], $0xffff  }
0x348: {  	v22 =	vld.idx.msk [tilespmem:v22+s25+$0x0], $0xffff;
	[tilespmem:s30+$0xFFFFFF20] =	vst v26  }
0x349: {  	v26 =	vld.idx.msk [tilespmem:v34+s25+$0x0], $0xffff;
	[tilespmem:s4+$0xFFFFFF20] =	vst v27  }
0x34a: {  	v27 =	vld.idx.msk [tilespmem:v35+s25+$0x0], $0xffff;
	[tilespmem:s30+$0xFFFFFF30] =	vst v28  }
0x34b: {  	s6 =	sadd.s32 $0x200, s30;
	v28 =	vld.idx.msk [tilespmem:v36+s25+$0x0], $0xffff;
	[tilespmem:s4+$0xFFFFFF30] =	vst v29  }
0x34c: {  	v29 =	vld.idx.msk [tilespmem:v37+s25+$0x0], $0xffff;
	[tilespmem:s6+$0x80] =	vst v30  }
0x34d: {  	s9 =	sadd.s32 $0x200, s4;
	v17 =	vld.idx.msk [tilespmem:v17+s25+$0x0], $0xffff;
	[tilespmem:s6+$0xFFFFFF80] =	vst v14  }
0x34e: {  	[tilespmem:s9+$0x80] =	vst v33  }
0x34f: {  	[tilespmem:s9+$0xFFFFFF80] =	vst v11  }
0x350: {  	[tilespmem:s6+$0x90] =	vst v31  }
0x351: {  	[tilespmem:s6+$0xFFFFFF90] =	vst v16  }
0x352: {  	[tilespmem:s9+$0x90] =	vst v25  }
0x353: {  	[tilespmem:s9+$0xFFFFFF90] =	vst v12  }
0x354: {  	[tilespmem:s6+$0xA0] =	vst v26  }
0x355: {  	v14 =	vld.idx.msk [tilespmem:v24+s25+$0x0], $0xffff;
	[tilespmem:s6+$0xFFFFFFA0] =	vst v20  }
0x356: {  	v24 =	vor.u32 s7, v6;
	v11 =	vld.idx.msk [tilespmem:v18+s25+$0x0], $0xffff;
	[tilespmem:s9+$0xA0] =	vst v27  }
0x357: {  	v18 =	vor.u32 s7, v7;
	v16 =	vld.idx.msk [tilespmem:v21+s25+$0x0], $0xffff;
	[tilespmem:s9+$0xFFFFFFA0] =	vst v13  }
0x358: {  	v12 =	vld.idx.msk [tilespmem:v15+s25+$0x0], $0xffff;
	[tilespmem:s6+$0xB0] =	vst v28  }
0x359: {  	v15 =	vld.idx.msk [tilespmem:v23+s25+$0x0], $0xffff;
	[tilespmem:s6+$0xFFFFFFB0] =	vst v22  }
0x35a: {  	v13 =	vld.idx.msk [tilespmem:v19+s25+$0x0], $0xffff;
	v19 =	vor.u32 s5, v3;
	[tilespmem:s9+$0xB0] =	vst v29  }
0x35b: {  	v21 =	vor.u32 s5, v4;
	v20 =	vld.idx.msk [tilespmem:v24+s25+$0x0], $0xffff;
	[tilespmem:s9+$0xFFFFFFB0] =	vst v17  }
0x35c: {  	v17 =	vld.idx.msk [tilespmem:v18+s25+$0x0], $0xffff;
	v18 =	vor.u32 s5, v5;
	[tilespmem:s6+$0x0] =	vst v14  }
0x35d: {  	v9 =	vld.idx.msk [tilespmem:v9+s25+$0x0], $0xffff;
	v14 =	vor.u32 s5, v6;
	[tilespmem:s9+$0x0] =	vst v11  }
0x35e: {  	v8 =	vld.idx.msk [tilespmem:v8+s25+$0x0], $0xffff;
	v11 =	vor.u32 s5, v7;
	[tilespmem:s6+$0x10] =	vst v16  }
0x35f: {  	v16 =	vld.idx.msk [tilespmem:v19+s25+$0x0], $0xffff;
	[tilespmem:s9+$0x10] =	vst v12  }
0x360: {  	v12 =	vld.idx.msk [tilespmem:v21+s25+$0x0], $0xffff;
	[tilespmem:s6+$0x20] =	vst v15  }
0x361: {  	v15 =	vld.idx.msk [tilespmem:v18+s25+$0x0], $0xffff;
	[tilespmem:s9+$0x20] =	vst v13  }
0x362: {  	v13 =	vld.idx.msk [tilespmem:v14+s25+$0x0], $0xffff;
	[tilespmem:s6+$0x30] =	vst v20  }
0x363: {  	v11 =	vld.idx.msk [tilespmem:v11+s25+$0x0], $0xffff;
	[tilespmem:s6+$0xFFFFFF00] =	vst v10  }
0x364: {  	[tilespmem:s9+$0x30] =	vst v17  }
0x365: {  	[tilespmem:s9+$0xFFFFFF00] =	vst v9  }
0x366: {  	[tilespmem:s6+$0xFFFFFF10] =	vst v8  }
0x367: {  	[tilespmem:s9+$0xFFFFFF10] =	vst v16  }
0x368: {  	[tilespmem:s6+$0xFFFFFF20] =	vst v12  }
0x369: {  	s5 =	simm.s32 $0x2180;
	[tilespmem:s9+$0xFFFFFF20] =	vst v15  }
0x36a: {  	v8 =	vor.u32 s5, v0;
	[tilespmem:s6+$0xFFFFFF30] =	vst v13  }
0x36b: {  	s7 =	simm.s32 $0xC200;
	v9 =	vor.u32 s5, v1;
	[tilespmem:s9+$0xFFFFFF30] =	vst v11  }
0x36c: {  	v10 =	vor.u32 s5, v2;
	[hbm4b:s17+s2] =	stream.linear.scatter [tilespmem:s7], [sflag:$0x5], $0x2000, $0x38;
	[tilespmem:$0x18200] =	vst v63  }
0x36d: {  	s8 =	simm.s32 $0x14200;
	v12 =	vor.u32 s5, v4  }
0x36e: {  	v13 =	vor.u32 s5, v5;
	[hbm4b:s18+s2] =	stream.linear.scatter [tilespmem:s8], [sflag:$0x5], $0x2000, $0x38;
	[tilespmem:$0x18200] =	vst v63  }
0x36f: {  	v14 =	vor.u32 s5, v6;
	v8 =	vld.idx.msk [tilespmem:v8+s25+$0x0], $0xffff  }
0x370: {  	v11 =	vor.u32 s5, v3;
	v9 =	vld.idx.msk [tilespmem:v9+s25+$0x0], $0xffff  }
0x371: {  	v15 =	vor.u32 s5, v7;
	s9 =	simm.s32 $0x2080;
	v10 =	vld.idx.msk [tilespmem:v10+s25+$0x0], $0xffff  }
0x372: {  	v16 =	vor.u32 s9, v0;
	s8 =	simm.s32 $0x2000;
	v12 =	vld.idx.msk [tilespmem:v12+s25+$0x0], $0xffff  }
0x373: {  	v13 =	vld.idx.msk [tilespmem:v13+s25+$0x0], $0xffff;
	v22 =	vor.u32 s8, v4  }
0x374: {  	v17 =	vor.u32 s9, v1;
	v14 =	vld.idx.msk [tilespmem:v14+s25+$0x0], $0xffff  }
0x375: {  	v18 =	vor.u32 s9, v2;
	v11 =	vld.idx.msk [tilespmem:v11+s25+$0x0], $0xffff  }
0x376: {  	s30 =	simm.s32 $0xE3B0;
	v19 =	vor.u32 s9, v3;
	v15 =	vld.idx.msk [tilespmem:v15+s25+$0x0], $0xffff  }
0x377: {  	s4 =	simm.s32 $0x163B0;
	v20 =	vor.u32 s9, v4;
	[tilespmem:s30+$0xFFFFFFD0] =	vst v8;
	v8 =	vld.idx.msk [tilespmem:v16+s25+$0x0], $0xffff  }
0x378: {  	v21 =	vor.u32 s9, v5;
	v26 =	vld.idx.msk [tilespmem:v22+s25+$0x0], $0xffff;
	[tilespmem:s4+$0xFFFFFFD0] =	vst v9  }
0x379: {  	v16 =	vor.u32 s9, v6;
	v9 =	vld.idx.msk [tilespmem:v17+s25+$0x0], $0xffff;
	[tilespmem:s30+$0xFFFFFFE0] =	vst v10  }
0x37a: {  	s7 =	simm.s32 $0x2100;
	v17 =	vor.u32 s9, v7;
	v10 =	vld.idx.msk [tilespmem:v18+s25+$0x0], $0xffff;
	[tilespmem:s4+$0xFFFFFFE0] =	vst v11  }
0x37b: {  	v18 =	vor.u32 s7, v0;
	v11 =	vld.idx.msk [tilespmem:v19+s25+$0x0], $0xffff;
	[tilespmem:s30+$0xFFFFFFF0] =	vst v12  }
0x37c: {  	v19 =	vor.u32 s7, v1;
	v12 =	vld.idx.msk [tilespmem:v20+s25+$0x0], $0xffff;
	[tilespmem:s4+$0xFFFFFFF0] =	vst v13  }
0x37d: {  	v20 =	vor.u32 s7, v2;
	v13 =	vld.idx.msk [tilespmem:v21+s25+$0x0], $0xffff;
	[tilespmem:s30+$0x0] =	vst v14  }
0x37e: {  	v21 =	vor.u32 s7, v3;
	v14 =	vld.idx.msk [tilespmem:v16+s25+$0x0], $0xffff;
	[tilespmem:s4+$0x0] =	vst v15  }
0x37f: {  	v16 =	vor.u32 s7, v4;
	v15 =	vld.idx.msk [tilespmem:v17+s25+$0x0], $0xffff;
	[tilespmem:s30+$0xFFFFFED0] =	vst v8  }
0x380: {  	v17 =	vor.u32 s7, v5;
	v8 =	vld.idx.msk [tilespmem:v18+s25+$0x0], $0xffff;
	[tilespmem:s4+$0xFFFFFED0] =	vst v9  }
0x381: {  	v18 =	vor.u32 s7, v6;
	v9 =	vld.idx.msk [tilespmem:v19+s25+$0x0], $0xffff;
	[tilespmem:s30+$0xFFFFFEE0] =	vst v10  }
0x382: {  	v19 =	vor.u32 s7, v7;
	v10 =	vld.idx.msk [tilespmem:v20+s25+$0x0], $0xffff;
	[tilespmem:s4+$0xFFFFFEE0] =	vst v11  }
0x383: {  	v20 =	vor.u32 s8, v0;
	v11 =	vld.idx.msk [tilespmem:v21+s25+$0x0], $0xffff;
	[tilespmem:s30+$0xFFFFFEF0] =	vst v12  }
0x384: {  	v21 =	vor.u32 s8, v1;
	v12 =	vld.idx.msk [tilespmem:v16+s25+$0x0], $0xffff;
	[tilespmem:s4+$0xFFFFFEF0] =	vst v13  }
0x385: {  	v23 =	vor.u32 s8, v6;
	v13 =	vld.idx.msk [tilespmem:v17+s25+$0x0], $0xffff;
	[tilespmem:s30+$0xFFFFFF00] =	vst v14  }
0x386: {  	v16 =	vor.u32 s8, v2;
	v18 =	vld.idx.msk [tilespmem:v18+s25+$0x0], $0xffff;
	[tilespmem:s4+$0xFFFFFF00] =	vst v15  }
0x387: {  	v17 =	vor.u32 s8, v3;
	v15 =	vld.idx.msk [tilespmem:v19+s25+$0x0], $0xffff;
	[tilespmem:s30+$0xFFFFFF50] =	vst v8  }
0x388: {  	v19 =	vld.idx.msk [tilespmem:v20+s25+$0x0], $0xffff;
	v20 =	vor.u32 s8, v5;
	[tilespmem:s4+$0xFFFFFF50] =	vst v9  }
0x389: {  	s5 =	simm.s32 $0x2200;
	s7 =	simm.s32 $0x2300;
	v33 =	vld.idx.msk [tilespmem:v21+s25+$0x0], $0xffff;
	v21 =	vor.u32 s8, v7;
	[tilespmem:s30+$0xFFFFFF60] =	vst v10  }
0x38a: {  	v28 =	vld.idx.msk [tilespmem:v23+s25+$0x0], $0xffff;
	s9 =	simm.s32 $0x2280;
	v24 =	vor.u32 s7, v0;
	v23 =	vor.u32 s7, v4;
	s8 =	simm.s32 $0x2380;
	v10 =	vor.u32 s5, v0;
	[tilespmem:s4+$0xFFFFFF60] =	vst v11  }
0x38b: {  	v22 =	vor.u32 s9, v6;
	v14 =	vor.u32 s9, v0;
	v62 =	vld.idx.msk [tilespmem:v16+s25+$0x0], $0xffff;
	v30 =	vor.u32 s8, v0;
	[tilespmem:s30+$0xFFFFFF70] =	vst v12  }
0x38c: {  	v8 =	vor.u32 s5, v2;
	v9 =	vor.u32 s5, v1;
	v63 =	vor.u32 s8, v1;
	v25 =	vld.idx.msk [tilespmem:v17+s25+$0x0], $0xffff;
	[tilespmem:s4+$0xFFFFFF70] =	vst v13  }
0x38d: {  	v16 =	vor.u32 s9, v2;
	v31 =	vor.u32 s8, v2;
	v32 =	vor.u32 s8, v3;
	v27 =	vld.idx.msk [tilespmem:v20+s25+$0x0], $0xffff;
	[tilespmem:s30+$0xFFFFFF80] =	vst v18  }
0x38e: {  	v34 =	vor.u32 s8, v4;
	v35 =	vor.u32 s8, v5;
	v36 =	vor.u32 s8, v6;
	v29 =	vld.idx.msk [tilespmem:v21+s25+$0x0], $0xffff;
	[tilespmem:s30+$0xFFFFFE50] =	vst v19  }
0x38f: {  	v11 =	vor.u32 s9, v1;
	v17 =	vor.u32 s9, v7;
	v12 =	vor.u32 s9, v3;
	[tilespmem:s4+$0xFFFFFF80] =	vst v15;
	v10 =	vld.idx.msk [tilespmem:v10+s25+$0x0], $0xffff  }
0x390: {  	v20 =	vor.u32 s9, v4;
	v13 =	vor.u32 s9, v5;
	v18 =	vor.u32 s7, v1;
	v30 =	vld.idx.msk [tilespmem:v30+s25+$0x0], $0xffff;
	[tilespmem:s4+$0xFFFFFE50] =	vst v33  }
0x391: {  	s6 =	simm.s32 $0x48;
	v21 =	vor.u32 s7, v2;
	v19 =	vor.u32 s7, v5;
	v15 =	vor.u32 s7, v3;
	v33 =	vld.idx.msk [tilespmem:v63+s25+$0x0], $0xffff;
	[tilespmem:s30+$0xFFFFFE60] =	vst v62  }
.LBB2_16:
0x392: {  	p0 =	slt.u32 s6, $0x7C;
	v37 =	vor.u32 s7, v6;
	v38 =	vor.u32 s7, v7;
	v31 =	vld.idx.msk [tilespmem:v31+s25+$0x0], $0xffff;
	v39 =	vor.u32 s8, v7;
	[tilespmem:s4+$0xFFFFFE60] =	vst v25  }
0x393: {  	v25 =	vor.u32 s5, v3;
	v40 =	vor.u32 s5, v4;
	v41 =	vor.u32 s5, v5;
	v32 =	vld.idx.msk [tilespmem:v32+s25+$0x0], $0xffff;
	[tilespmem:s30+$0xFFFFFE70] =	vst v26  }
0x394: {  	v42 =	vor.u32 s5, v6;
	v43 =	vor.u32 s5, v7;
	v26 =	vld.idx.msk [tilespmem:v34+s25+$0x0], $0xffff;
	[tilespmem:s4+$0xFFFFFE70] =	vst v27  }
0x395: {  	v27 =	vld.idx.msk [tilespmem:v35+s25+$0x0], $0xffff;
	[tilespmem:s30+$0xFFFFFE80] =	vst v28  }
0x396: {  	s30 =	sadd.s32 $0x200, s30;
	v28 =	vld.idx.msk [tilespmem:v36+s25+$0x0], $0xffff;
	[tilespmem:s4+$0xFFFFFE80] =	vst v29  }
0x397: {  	s4 =	sadd.s32 $0x200, s4;
	v29 =	vld.idx.msk [tilespmem:v39+s25+$0x0], $0xffff;
	[tilespmem:s30+$0xFFFFFFD0] =	vst v30  }
0x398: {  	v14 =	vld.idx.msk [tilespmem:v14+s25+$0x0], $0xffff;
	[tilespmem:s4+$0xFFFFFFD0] =	vst v33  }
0x399: {  	v11 =	vld.idx.msk [tilespmem:v11+s25+$0x0], $0xffff;
	[tilespmem:s30+$0xFFFFFFE0] =	vst v31  }
0x39a: {  	v16 =	vld.idx.msk [tilespmem:v16+s25+$0x0], $0xffff;
	[tilespmem:s4+$0xFFFFFFE0] =	vst v32  }
0x39b: {  	v12 =	vld.idx.msk [tilespmem:v12+s25+$0x0], $0xffff;
	[tilespmem:s30+$0xFFFFFFF0] =	vst v26  }
0x39c: {  	v20 =	vld.idx.msk [tilespmem:v20+s25+$0x0], $0xffff;
	[tilespmem:s4+$0xFFFFFFF0] =	vst v27  }
0x39d: {  	v13 =	vld.idx.msk [tilespmem:v13+s25+$0x0], $0xffff;
	[tilespmem:s30+$0x0] =	vst v28  }
0x39e: {  	v22 =	vld.idx.msk [tilespmem:v22+s25+$0x0], $0xffff;
	[tilespmem:s4+$0x0] =	vst v29  }
0x39f: {  	v17 =	vld.idx.msk [tilespmem:v17+s25+$0x0], $0xffff;
	[tilespmem:s30+$0xFFFFFED0] =	vst v14  }
0x3a0: {  	[tilespmem:s4+$0xFFFFFED0] =	vst v11;
	v11 =	vld.idx.msk [tilespmem:v24+s25+$0x0], $0xffff  }
0x3a1: {  	[tilespmem:s30+$0xFFFFFEE0] =	vst v16;
	v14 =	vld.idx.msk [tilespmem:v18+s25+$0x0], $0xffff  }
0x3a2: {  	[tilespmem:s4+$0xFFFFFEE0] =	vst v12;
	v12 =	vld.idx.msk [tilespmem:v21+s25+$0x0], $0xffff  }
0x3a3: {  	[tilespmem:s30+$0xFFFFFEF0] =	vst v20;
	v15 =	vld.idx.msk [tilespmem:v15+s25+$0x0], $0xffff  }
0x3a4: {  	[tilespmem:s4+$0xFFFFFEF0] =	vst v13;
	v13 =	vld.idx.msk [tilespmem:v23+s25+$0x0], $0xffff  }
0x3a5: {  	[tilespmem:s30+$0xFFFFFF00] =	vst v22;
	v18 =	vld.idx.msk [tilespmem:v19+s25+$0x0], $0xffff  }
0x3a6: {  	[tilespmem:s4+$0xFFFFFF00] =	vst v17;
	v17 =	vld.idx.msk [tilespmem:v37+s25+$0x0], $0xffff  }
0x3a7: {  	v19 =	vld.idx.msk [tilespmem:v38+s25+$0x0], $0xffff;
	[tilespmem:s30+$0xFFFFFF50] =	vst v11  }
0x3a8: {  	v23 =	vld.idx.msk [tilespmem:v9+s25+$0x0], $0xffff;
	[tilespmem:s4+$0xFFFFFF50] =	vst v14  }
0x3a9: {  	s5 =	sshll.u32 s6, $0x7;
	v37 =	vld.idx.msk [tilespmem:v8+s25+$0x0], $0xffff;
	[tilespmem:s30+$0xFFFFFF60] =	vst v12  }
0x3aa: {  	s9 =	sadd.s32 $0x80, s5;
	s7 =	sadd.s32 $0x100, s5;
	s8 =	sadd.s32 $0x180, s5;
	v21 =	vor.u32 s5, v0;
	v9 =	vor.u32 s5, v1;
	v8 =	vor.u32 s5, v2;
	v25 =	vld.idx.msk [tilespmem:v25+s25+$0x0], $0xffff;
	[tilespmem:s4+$0xFFFFFF60] =	vst v15  }
0x3ab: {  	v30 =	vor.u32 s8, v0;
	v11 =	vor.u32 s9, v1;
	v14 =	vor.u32 s9, v0;
	v26 =	vld.idx.msk [tilespmem:v40+s25+$0x0], $0xffff;
	[tilespmem:s30+$0xFFFFFF70] =	vst v13  }
0x3ac: {  	v33 =	vor.u32 s8, v1;
	v16 =	vor.u32 s9, v2;
	v12 =	vor.u32 s9, v3;
	v27 =	vld.idx.msk [tilespmem:v41+s25+$0x0], $0xffff;
	[tilespmem:s4+$0xFFFFFF70] =	vst v18  }
.Ltmp7:
0x3ad: {  	v31 =	vor.u32 s8, v2;
	v20 =	vor.u32 s9, v4;
	v13 =	vor.u32 s9, v5;
	v28 =	vld.idx.msk [tilespmem:v42+s25+$0x0], $0xffff;
	[tilespmem:s30+$0xFFFFFF80] =	vst v17;
	(pc) =	sbr.rel @p0 .LBB2_16-.Ltmp7, $4  }
0x3ae: {  	v32 =	vor.u32 s8, v3;
	v22 =	vor.u32 s9, v6;
	v17 =	vor.u32 s9, v7;
	v29 =	vld.idx.msk [tilespmem:v43+s25+$0x0], $0xffff;
	[tilespmem:s4+$0xFFFFFF80] =	vst v19  }
0x3af: {  	v34 =	vor.u32 s8, v4;
	v24 =	vor.u32 s7, v0;
	v18 =	vor.u32 s7, v1;
	[tilespmem:s30+$0xFFFFFE50] =	vst v10;
	v10 =	vld.idx.msk [tilespmem:v21+s25+$0x0], $0xffff  }
0x3b0: {  	v35 =	vor.u32 s8, v5;
	v15 =	vor.u32 s7, v3;
	v21 =	vor.u32 s7, v2;
	v30 =	vld.idx.msk [tilespmem:v30+s25+$0x0], $0xffff;
	[tilespmem:s4+$0xFFFFFE50] =	vst v23  }
0x3b1: {  	s6 =	sadd.s32 $0x4, s6;
	v36 =	vor.u32 s8, v6;
	v19 =	vor.u32 s7, v5;
	v23 =	vor.u32 s7, v4;
	v33 =	vld.idx.msk [tilespmem:v33+s25+$0x0], $0xffff;
	[tilespmem:s30+$0xFFFFFE60] =	vst v37  }
0x3b2: {  	_ =	sdelay $0x3  }
0x3b3: {  	v31 =	vld.idx.msk [tilespmem:v31+s25+$0x0], $0xffff  }
0x3b4: {  	v40 =	vld.idx.msk [tilespmem:v32+s25+$0x0], $0xffff  }
0x3b5: {  	v41 =	vld.idx.msk [tilespmem:v34+s25+$0x0], $0xffff  }
0x3b6: {  	v42 =	vld.idx.msk [tilespmem:v35+s25+$0x0], $0xffff  }
0x3b7: {  	v43 =	vld.idx.msk [tilespmem:v36+s25+$0x0], $0xffff  }
0x3b8: {  	v14 =	vld.idx.msk [tilespmem:v14+s25+$0x0], $0xffff  }
0x3b9: {  	v11 =	vld.idx.msk [tilespmem:v11+s25+$0x0], $0xffff  }
0x3ba: {  	v16 =	vld.idx.msk [tilespmem:v16+s25+$0x0], $0xffff  }
0x3bb: {  	v12 =	vld.idx.msk [tilespmem:v12+s25+$0x0], $0xffff  }
0x3bc: {  	v20 =	vld.idx.msk [tilespmem:v20+s25+$0x0], $0xffff  }
0x3bd: {  	v13 =	vld.idx.msk [tilespmem:v13+s25+$0x0], $0xffff  }
0x3be: {  	v22 =	vld.idx.msk [tilespmem:v22+s25+$0x0], $0xffff  }
0x3bf: {  	v17 =	vld.idx.msk [tilespmem:v17+s25+$0x0], $0xffff  }
0x3c0: {  	v45 =	vld.idx.msk [tilespmem:v24+s25+$0x0], $0xffff  }
0x3c1: {  	v47 =	vld.idx.msk [tilespmem:v18+s25+$0x0], $0xffff  }
0x3c2: {  	v49 =	vld.idx.msk [tilespmem:v21+s25+$0x0], $0xffff  }
0x3c3: {  	v37 =	vor.u32 s8, v7;
	v50 =	vld.idx.msk [tilespmem:v15+s25+$0x0], $0xffff  }
0x3c4: {  	[tilespmem:s4+$0xFFFFFE60] =	vst v25;
	v46 =	vor.u32 s7, v6;
	v51 =	vld.idx.msk [tilespmem:v23+s25+$0x0], $0xffff  }
0x3c5: {  	v48 =	vor.u32 s7, v7;
	v52 =	vld.idx.msk [tilespmem:v19+s25+$0x0], $0xffff;
	[tilespmem:s30+$0xFFFFFE70] =	vst v26  }
0x3c6: {  	v53 =	vor.u32 s5, v3;
	v9 =	vld.idx.msk [tilespmem:v9+s25+$0x0], $0xffff;
	[tilespmem:s4+$0xFFFFFE70] =	vst v27  }
0x3c7: {  	v55 =	vor.u32 s5, v4;
	v8 =	vld.idx.msk [tilespmem:v8+s25+$0x0], $0xffff;
	[tilespmem:s30+$0xFFFFFE80] =	vst v28  }
0x3c8: {  	s6 =	sadd.s32 $0x200, s30;
	v57 =	vor.u32 s5, v5;
	[tilespmem:s4+$0xFFFFFE80] =	vst v29;
	v44 =	vld.idx.msk [tilespmem:v37+s25+$0x0], $0xffff  }
0x3c9: {  	v58 =	vor.u32 s5, v6;
	[tilespmem:s6+$0xFFFFFFD0] =	vst v30;
	v54 =	vld.idx.msk [tilespmem:v46+s25+$0x0], $0xffff  }
0x3ca: {  	v59 =	vor.u32 s5, v7;
	[tilespmem:s6+$0xFFFFFED0] =	vst v14;
	v56 =	vld.idx.msk [tilespmem:v48+s25+$0x0], $0xffff  }
0x3cb: {  	s8 =	sadd.s32 $0x200, s4;
	[tilespmem:s6+$0xFFFFFF50] =	vst v45;
	v60 =	vld.idx.msk [tilespmem:v53+s25+$0x0], $0xffff  }
0x3cc: {  	v61 =	vld.idx.msk [tilespmem:v55+s25+$0x0], $0xffff;
	[tilespmem:s8+$0xFFFFFFD0] =	vst v33  }
0x3cd: {  	v62 =	vld.idx.msk [tilespmem:v57+s25+$0x0], $0xffff;
	[tilespmem:s8+$0xFFFFFED0] =	vst v11  }
0x3ce: {  	v63 =	vld.idx.msk [tilespmem:v58+s25+$0x0], $0xffff;
	[tilespmem:s8+$0xFFFFFF50] =	vst v47  }
0x3cf: {  	v11 =	vld.idx.msk [tilespmem:v59+s25+$0x0], $0xffff;
	[tilespmem:s6+$0xFFFFFE50] =	vst v10  }
0x3d0: {  	[tilespmem:s6+$0xFFFFFFE0] =	vst v31  }
0x3d1: {  	[tilespmem:s6+$0xFFFFFEE0] =	vst v16  }
0x3d2: {  	[tilespmem:s6+$0xFFFFFF60] =	vst v49  }
0x3d3: {  	[tilespmem:s8+$0xFFFFFE50] =	vst v9  }
0x3d4: {  	[tilespmem:s8+$0xFFFFFFE0] =	vst v40  }
0x3d5: {  	[tilespmem:s8+$0xFFFFFEE0] =	vst v12  }
0x3d6: {  	[tilespmem:s8+$0xFFFFFF60] =	vst v50  }
0x3d7: {  	[tilespmem:s6+$0xFFFFFE60] =	vst v8  }
0x3d8: {  	[tilespmem:s6+$0xFFFFFFF0] =	vst v41  }
0x3d9: {  	[tilespmem:s6+$0xFFFFFEF0] =	vst v20  }
0x3da: {  	[tilespmem:s6+$0xFFFFFF70] =	vst v51  }
0x3db: {  	[tilespmem:s8+$0xFFFFFFF0] =	vst v42  }
0x3dc: {  	[tilespmem:s8+$0xFFFFFEF0] =	vst v13  }
0x3dd: {  	[tilespmem:s8+$0xFFFFFF70] =	vst v52  }
0x3de: {  	[tilespmem:s8+$0xFFFFFE60] =	vst v60  }
0x3df: {  	[tilespmem:s6+$0x0] =	vst v43  }
0x3e0: {  	[tilespmem:s6+$0xFFFFFF00] =	vst v22  }
0x3e1: {  	[tilespmem:s6+$0xFFFFFF80] =	vst v54  }
0x3e2: {  	[tilespmem:s6+$0xFFFFFE70] =	vst v61  }
0x3e3: {  	[tilespmem:s8+$0x0] =	vst v44  }
0x3e4: {  	[tilespmem:s8+$0xFFFFFF00] =	vst v17  }
0x3e5: {  	[tilespmem:s8+$0xFFFFFF80] =	vst v56  }
0x3e6: {  	[tilespmem:s8+$0xFFFFFE70] =	vst v62  }
0x3e7: {  	[tilespmem:s6+$0xFFFFFE80] =	vst v63  }
0x3e8: {  	s9 =	simm.s32 $0xE200;
	[tilespmem:s8+$0xFFFFFE80] =	vst v11  }
0x3e9: {  	[hbm4b:s19+s2] =	stream.linear.scatter [tilespmem:s9], [sflag:$0x5], $0x2000, $0x38;
	[tilespmem:$0x18200] =	vst v63  }
0x3ea: {  	s30 =	simm.s32 $0x16200  }
0x3eb: {  	[hbm4b:s20+s2] =	stream.linear.scatter [tilespmem:s30], [sflag:$0x5], $0x2000, $0x38;
	[tilespmem:$0x18200] =	vst v63  }
0x3ec: {  	_ =	swait.ge [sflag:s0], $0x2000  }
0x3ed: {  	[sflag:s0] =	ssyncset.done $0x0  }
0x3ee: {  	[sflag:s0] =	ssyncadd.s32 $0xFFFFE000  }
0x3ef: {  	_ =	swait.ge [sflag:s0], $0x2000  }
0x3f0: {  	[sflag:s0] =	ssyncset.done $0x0  }
0x3f1: {  	[sflag:s0] =	ssyncadd.s32 $0xFFFFE000  }
0x3f2: {  	_ =	swait.ge [sflag:s0], $0x2000  }
0x3f3: {  	[sflag:s0] =	ssyncset.done $0x0  }
0x3f4: {  	[sflag:s0] =	ssyncadd.s32 $0xFFFFE000  }
0x3f5: {  	_ =	swait.ge [sflag:s0], $0x2000  }
0x3f6: {  	[sflag:s0] =	ssyncset.done $0x0  }
0x3f7: {  	[sflag:s0] =	ssyncadd.s32 $0xFFFFE000  }
0x3f8: {  	_ =	swait.ge [sflag:s0], $0x2000  }
0x3f9: {  	[sflag:s0] =	ssyncset.done $0x0  }
0x3fa: {  	[sflag:s0] =	ssyncadd.s32 $0xFFFFE000  }
0x3fb: {  	_ =	swait.ge [sflag:s0], $0x2000  }
0x3fc: {  	[sflag:s0] =	ssyncset.done $0x0  }
0x3fd: {  	s29 =	sadd.s32 $0x1, s29;
	[sflag:s0] =	ssyncadd.s32 $0xFFFFE000  }
0x3fe: {  	p0 =	sne.s32 s29, s21;
	_ =	swait.ge [sflag:s0], $0x2000  }
.Ltmp8:
0x3ff: {  	[sflag:s0] =	ssyncset.done $0x0;
	(pc) =	sbr.rel @p0 .LBB2_1-.Ltmp8, $4  }
0x400: {  	[sflag:s0] =	ssyncadd.s32 $0xFFFFE000  }
0x401: {  	_ =	swait.ge [sflag:s0], $0x2000  }
0x402: {  	[sflag:s0] =	ssyncset.done $0x0  }
0x403: {  	[sflag:s0] =	ssyncadd.s32 $0xFFFFE000  }
0x404: {  	_ =	sfence.sel $0x180000  }
0x405: {  	[bflag:$0x0] =	sbarrier.arrive $0xFFFF  }
0x406: {  	_ =	strace $0x90000047  }
0x407: {  	s0 =	stileid.u32;
	[bflag:$0x2] =	sbarrier.arrive $0xFFFF  }
0x408: {  	p0 =	sne.s32 s0, $0x0;
	s0 =	rddreg [dreg:$0x3]  }
0x409: {  	s0 =	sadd.s32 @!p0 $0x100000, s0  }
0x40a: {  	[sflag:s0] =	ssyncadd.tile.s32 @!p0 $0x1;
	_ =	shalt  }
.Lfunc_end2:
_tile_overlayer_lowered:
.L_overlay_start_2:
0x40b: {  	(tag) =	ssettag $0x2  }
0x40c: {  	s0 =	rddreg [dreg:$0x0];
	s2 =	stileid.u32  }
0x40d: {  	s1 =	rddreg [dreg:$0x1];
	p0 =	sne.s32 s2, $0x0  }
0x40e: {  	s3 =	rddreg [dreg:$0x2];
	[bflag:$0x3] =	sbarrier.arrive $0xFFFF;
	s2 =	simm.s32 @!p0 $0x1C06  }
0x40f: {  	[timem:s3], [sflag:s2] =	dma.local @!p0 [hbm:s0], s1  }
0x410: {  	s0 =	simm.s32 @!p0 $0x6  }
0x411: {  	_ =	swait.ge @!p0 [sflag:s0], s1  }
0x412: {  	s1 =	ssub.s32 @!p0 $0x0, s1;
	[sflag:s0] =	ssyncset.done @!p0 $0x0  }
0x413: {  	[sflag:s0] =	ssyncadd.s32 @!p0 s1  }
0x414: {  	[bflag:$0x3] =	sbarrier.arrive $0xFFFF  }
0x415: {  	_ =	shalt  }

</sc_bundles>
